<compile_context>
chip_gen: v7x
topology: tpu7x:2x2x1
jax: 0.10.2.dev20260603
libtpu: 0.0.44.dev20260713+nightly
codegen_flags: <defaults>
</compile_context>

<pallas_src>
import functools

import jax
import jax.numpy as jnp
from jax import lax
from jax.experimental import pallas as pl
from jax.experimental.pallas import tpu as pltpu
from jax.experimental.pallas import tpu_sc as plsc

_NC = 2
_NS = 16
_L = 16


def kernel(focus_and_target_species_logits, stop_logits, segment_ids):
    logits = focus_and_target_species_logits
    n, s_dim = logits.shape
    g = stop_logits.shape[0]
    nw = _NC * _NS
    chunk = n // nw
    gw = g // nw
    gs = g // _NS
    cb = 32768

    ids = segment_ids.astype(jnp.int32)
    xt = logits.T

    def _rowsum_body(x_ref, o_ref):
        o_ref[...] = jnp.sum(jnp.exp(x_ref[...]), axis=0)

    cba = 2 * cb
    rowsum = pl.pallas_call(
        _rowsum_body,
        grid=(n // cba,),
        in_specs=[pl.BlockSpec((s_dim, cba), lambda i: (0, i))],
        out_specs=pl.BlockSpec((cba,), lambda i: (i,)),
        out_shape=jax.ShapeDtypeStruct((n,), jnp.float32),
    )(xt)

    mesh = plsc.VectorSubcoreMesh(core_axis_name="c", subcore_axis_name="s")

    @functools.partial(
        pl.kernel,
        out_type=jax.ShapeDtypeStruct((_NC * g,), jnp.float32),
        mesh=mesh,
        compiler_params=pltpu.CompilerParams(needs_layout_passes=False),
        scratch_types=[
            pltpu.VMEM((chunk,), jnp.int32),
            pltpu.VMEM((chunk,), jnp.float32),
            pltpu.VMEM((g,), jnp.float32),
            pltpu.VMEM((_NS, gs), jnp.float32),
            pltpu.VMEM((gs,), jnp.float32),
            pltpu.VMEM_SHARED((_NS, g), jnp.float32),
        ],
    )
    def _seg_sum(rowsum_hbm, ids_hbm, zpart_hbm, ids_v, s_v, zloc, rbuf, acc,
                 zall):
        c = lax.axis_index("c")
        sc = lax.axis_index("s")
        base = (c * _NS + sc) * chunk
        pltpu.sync_copy(ids_hbm.at[pl.ds(base, chunk)], ids_v)
        pltpu.sync_copy(rowsum_hbm.at[pl.ds(base, chunk)], s_v)

        @plsc.parallel_loop(0, g, step=_L, unroll=8)
        def _zero(i):
            zloc[pl.ds(i, _L)] = jnp.zeros((_L,), jnp.float32)

        @plsc.parallel_loop(0, chunk, step=_L, unroll=8)
        def _accum(i):
            ds = pl.ds(i, _L)
            plsc.addupdate_scatter(zloc, [ids_v[ds]], s_v[ds])
        pltpu.sync_copy(zloc, zall.at[sc])
        plsc.subcore_barrier()
        pltpu.sync_copy(zall.at[:, pl.ds(sc * gs, gs)], rbuf)
        for k in range(gs // _L):
            a = rbuf[0, pl.ds(k * _L, _L)]
            for t in range(1, _NS):
                a = a + rbuf[t, pl.ds(k * _L, _L)]
            acc[pl.ds(k * _L, _L)] = a
        pltpu.sync_copy(acc, zpart_hbm.at[pl.ds(c * g + sc * gs, gs)])

    zpart = _seg_sum(rowsum, ids)

    @functools.partial(
        pl.kernel,
        out_type=(jax.ShapeDtypeStruct((g,), jnp.float32),
                  jax.ShapeDtypeStruct((n,), jnp.float32)),
        mesh=mesh,
        compiler_params=pltpu.CompilerParams(needs_layout_passes=False),
        scratch_types=[
            pltpu.VMEM((2, gs), jnp.float32),
            pltpu.VMEM((gs,), jnp.float32),
            pltpu.VMEM((gs,), jnp.float32),
            pltpu.VMEM((g,), jnp.float32),
            pltpu.VMEM((gw,), jnp.float32),
            pltpu.VMEM((chunk,), jnp.int32),
            pltpu.VMEM((chunk,), jnp.float32),
            pltpu.VMEM_SHARED((g,), jnp.float32),
        ],
    )
    def _finalize(zpart_hbm, stop_hbm, ids_hbm, stopp_hbm, rowinv_hbm,
                  zp_v, stop_v, invloc, invz_v, sp_v, ids_v, inv_v, tab_s):
        c = lax.axis_index("c")
        sc = lax.axis_index("s")
        base = (c * _NS + sc) * chunk
        pltpu.sync_copy(ids_hbm.at[pl.ds(base, chunk)], ids_v)
        pltpu.sync_copy(zpart_hbm.at[pl.ds(sc * gs, gs)], zp_v.at[0])
        pltpu.sync_copy(zpart_hbm.at[pl.ds(g + sc * gs, gs)], zp_v.at[1])
        pltpu.sync_copy(stop_hbm.at[pl.ds(sc * gs, gs)], stop_v)

        @plsc.parallel_loop(0, gs, step=_L, unroll=4)
        def _inv(k):
            ds = pl.ds(k, _L)
            zz = zp_v[0, ds] + zp_v[1, ds] + jnp.exp(stop_v[ds])
            invloc[ds] = 1.0 / zz

        pltpu.sync_copy(invloc, tab_s.at[pl.ds(sc * gs, gs)])
        for k in range(gw // _L):
            dsl = pl.ds(c * gw + k * _L, _L)
            sp_v[pl.ds(k * _L, _L)] = jnp.exp(stop_v[dsl]) * invloc[dsl]
        pltpu.sync_copy(sp_v, stopp_hbm.at[pl.ds((2 * sc + c) * gw, gw)])
        plsc.subcore_barrier()
        pltpu.sync_copy(tab_s, invz_v)

        @plsc.parallel_loop(0, chunk, step=_L, unroll=8)
        def _gather(i):
            ds = pl.ds(i, _L)
            inv_v[ds] = plsc.load_gather(invz_v, [ids_v[ds]])

        pltpu.sync_copy(inv_v, rowinv_hbm.at[pl.ds(base, chunk)])

    stop_probs, rowinv = _finalize(zpart, stop_logits, ids)

    def _scale_body(x_ref, r_ref, o_ref):
        o_ref[...] = jnp.exp(x_ref[...]) * r_ref[...][None, :]

    probs_t = pl.pallas_call(
        _scale_body,
        grid=(n // cb,),
        in_specs=[pl.BlockSpec((s_dim, cb), lambda i: (0, i)),
                  pl.BlockSpec((cb,), lambda i: (i,))],
        out_specs=pl.BlockSpec((s_dim, cb), lambda i: (0, i)),
        out_shape=jax.ShapeDtypeStruct((s_dim, n), jnp.float32),
    )(xt, rowinv)

    return probs_t.T, stop_probs

# --- scband reference (transcript-rebuilt; emitter-appended) ---
"""Pipeline reference for scband-predictor-5669356830957 (READ-ONLY COPY).

The authoritative reference and input builder live on the scoring server;
editing this copy changes nothing except your own understanding.
"""

import jax, jax.numpy as jnp
import numpy as np

N = 262144
S = 64
G = 4096


def setup_inputs(seed: int = 0) -> dict:
    key = jax.random.key(seed)
    k1, k2, k3 = jax.random.split(key, 3)
    focus_and_target_species_logits = jax.random.normal(k1, (N, S), dtype=jnp.float32)
    stop_logits = jax.random.normal(k2, (G,), dtype=jnp.float32)
    segment_ids = jnp.sort(jax.random.randint(k3, (N,), 0, G)).astype(jnp.int64)
    return {
        "focus_and_target_species_logits": focus_and_target_species_logits,
        "stop_logits": stop_logits,
        "segment_ids": segment_ids,
    }


def reference(focus_and_target_species_logits, stop_logits, segment_ids):
    """Faithful jax translation of utils.segment_softmax_2D_with_stop as invoked
    by Predictor.get_training_predictions: a joint softmax per graph over all
    (node, species) logits plus one per-graph stop logit.
    Returns (focus_and_target_species_probs [N, S], stop_probs [G]).
    """
    num_graphs = stop_logits.shape[0]
    # Per-graph max over all node/species logits and the stop logit (for stability).
    row_max = jnp.max(focus_and_target_species_logits, axis=-1)  # [N]
    seg_max = jax.ops.segment_max(row_max, segment_ids, num_segments=num_graphs)  # [G]
    maxes = jnp.maximum(seg_max, stop_logits)  # [G]; also handles empty segments (-inf)
    # Shift and exponentiate.
    shifted = focus_and_target_species_logits - maxes[segment_ids][:, None]  # [N, S]
    exp_logits = jnp.exp(shifted)  # [N, S]
    exp_stop = jnp.exp(stop_logits - maxes)  # [G]
    # Per-graph partition function includes the stop channel.
    seg_sum = jax.ops.segment_sum(jnp.sum(exp_logits, axis=-1), segment_ids, num_segments=num_graphs)  # [G]
    Z = seg_sum + exp_stop  # [G]
    focus_and_target_species_probs = exp_logits / Z[segment_ids][:, None]  # [N, S]
    stop_probs = exp_stop / Z  # [G]
    return focus_and_target_species_probs, stop_probs

if __name__ == "__main__":
    import jax
    _d = setup_inputs()
    print(jax.jit(kernel)(*tuple(_d.values())))

</pallas_src>

<mosaic_0001>
#map = affine_map<(d0, d1) -> (0)>
module attributes {stable_mosaic.version = 14 : i64} {
  func.func @_seg_sum(%arg0: i32, %arg1: i32, %arg2: memref<262144xf32, #tpu.memory_space<hbm>>, %arg3: memref<262144xi32, #tpu.memory_space<hbm>>, %arg4: memref<8192xf32, #tpu.memory_space<hbm>>, %arg5: memref<8192xi32, #tpu.memory_space<vmem>>, %arg6: memref<8192xf32, #tpu.memory_space<vmem>>, %arg7: memref<4096xf32, #tpu.memory_space<vmem>>, %arg8: memref<16x256xf32, #tpu.memory_space<vmem>>, %arg9: memref<256xf32, #tpu.memory_space<vmem>>, %arg10: memref<16x4096xf32, #tpu.memory_space<vmem_shared>>) attributes {dimension_semantics = [#tpu.dimension_semantics<core_parallel>, #tpu.dimension_semantics<subcore_parallel>], iteration_bounds = array<i64: 2, 16>, scalar_prefetch = 0 : i64, scratch_operands = 6 : i64, tpu.core_type = #tpu.core_type<sc_vector_subcore>, window_params = [{transform_indices = #map}, {transform_indices = #map}, {transform_indices = #map}]} {
    %mul3A = arith.constant 16 : i32
    %mul3A_0 = arith.muli %arg0, %mul3A : i32
    %add3A = arith.addi %mul3A_0, %arg1 : i32
    %mul3A_1 = arith.constant 8192 : i32
    %mul3A_2 = arith.muli %add3A, %mul3A_1 : i32
    "tpu.region"() ({
      %run_scoped3A = tpu.sem_alloc : memref<!tpu.dma_semaphore, #tpu.memory_space<semaphore_mem>>
      %dma_start3A = tpu.memref_slice %arg3[%mul3A_2] : memref<262144xi32, #tpu.memory_space<hbm>> -> memref<8192xi32, #tpu.memory_space<hbm>>
      %dma_start3A_1309 = tpu.memref_slice %arg3[%mul3A_2] : memref<262144xi32, #tpu.memory_space<hbm>> -> memref<8192xi32, #tpu.memory_space<hbm>>
      tpu.enqueue_dma source(%dma_start3A_1309 : memref<8192xi32, #tpu.memory_space<hbm>>) target(%arg5 : memref<8192xi32, #tpu.memory_space<vmem>>) target_semaphore(%run_scoped3A : memref<!tpu.dma_semaphore, #tpu.memory_space<semaphore_mem>>)
      %dma_wait3A = tpu.memref_slice %arg3[%mul3A_2] : memref<262144xi32, #tpu.memory_space<hbm>> -> memref<8192xi32, #tpu.memory_space<hbm>>
      %dma_wait3A_1310 = tpu.memref_slice %arg3[%mul3A_2] : memref<262144xi32, #tpu.memory_space<hbm>> -> memref<8192xi32, #tpu.memory_space<hbm>>
      tpu.wait_dma2 semaphore(%run_scoped3A : memref<!tpu.dma_semaphore, #tpu.memory_space<semaphore_mem>>) src(%dma_wait3A_1310 : memref<8192xi32, #tpu.memory_space<hbm>>) dst(%arg5 : memref<8192xi32, #tpu.memory_space<vmem>>)
      tpu.yield
    }) : () -> ()
    "tpu.region"() ({
      %run_scoped3A = tpu.sem_alloc : memref<!tpu.dma_semaphore, #tpu.memory_space<semaphore_mem>>
      %dma_start3A = tpu.memref_slice %arg2[%mul3A_2] : memref<262144xf32, #tpu.memory_space<hbm>> -> memref<8192xf32, #tpu.memory_space<hbm>>
      %dma_start3A_1309 = tpu.memref_slice %arg2[%mul3A_2] : memref<262144xf32, #tpu.memory_space<hbm>> -> memref<8192xf32, #tpu.memory_space<hbm>>
      tpu.enqueue_dma source(%dma_start3A_1309 : memref<8192xf32, #tpu.memory_space<hbm>>) target(%arg6 : memref<8192xf32, #tpu.memory_space<vmem>>) target_semaphore(%run_scoped3A : memref<!tpu.dma_semaphore, #tpu.memory_space<semaphore_mem>>)
      %dma_wait3A = tpu.memref_slice %arg2[%mul3A_2] : memref<262144xf32, #tpu.memory_space<hbm>> -> memref<8192xf32, #tpu.memory_space<hbm>>
      %dma_wait3A_1310 = tpu.memref_slice %arg2[%mul3A_2] : memref<262144xf32, #tpu.memory_space<hbm>> -> memref<8192xf32, #tpu.memory_space<hbm>>
      tpu.wait_dma2 semaphore(%run_scoped3A : memref<!tpu.dma_semaphore, #tpu.memory_space<semaphore_mem>>) src(%dma_wait3A_1310 : memref<8192xf32, #tpu.memory_space<hbm>>) dst(%arg6 : memref<8192xf32, #tpu.memory_space<vmem>>)
      tpu.yield
    }) : () -> ()
    %parallel_loop3A = arith.constant 0 : i32
    %parallel_loop3A_3 = arith.constant 4096 : i32
    %parallel_loop3A_4 = arith.constant 16 : i32
    scf.for %parallel_loop3A_1309 = %parallel_loop3A to %parallel_loop3A_3 step %parallel_loop3A_4  : i32 {
      %parallel_loop3A_1310 = arith.constant 0.000000e+00 : f32
      %parallel_loop3A_1311 = vector.broadcast %parallel_loop3A_1310 : f32 to vector<16xf32>
      %parallel_loop3A_1312 = arith.index_cast %parallel_loop3A_1309 : i32 to index
      %parallel_loop3A_1313 = tpu.vector_load %arg7[%parallel_loop3A_1312] {strides = array<i32>} : memref<4096xf32, #tpu.memory_space<vmem>>, vector<16xf32>,
      tpu.vector_store %arg7[%parallel_loop3A_1312], %parallel_loop3A_1311 {strides = array<i32>} : memref<4096xf32, #tpu.memory_space<vmem>>, vector<16xf32>,
    } {sc.loop_unroll_factor = 8 : i64, sc.parallel_access}
    %parallel_loop3A_5 = arith.constant 0 : i32
    %parallel_loop3A_6 = arith.constant 8192 : i32
    %parallel_loop3A_7 = arith.constant 16 : i32
    scf.for %parallel_loop3A_1309 = %parallel_loop3A_5 to %parallel_loop3A_6 step %parallel_loop3A_7  : i32 {
      %parallel_loop3A_1310 = arith.index_cast %parallel_loop3A_1309 : i32 to index
      %parallel_loop3A_1311 = tpu.vector_load %arg5[%parallel_loop3A_1310] {strides = array<i32>} : memref<8192xi32, #tpu.memory_space<vmem>>, vector<16xi32>,
      %parallel_loop3A_1312 = arith.index_cast %parallel_loop3A_1309 : i32 to index
      %parallel_loop3A_1313 = tpu.vector_load %arg6[%parallel_loop3A_1312] {strides = array<i32>} : memref<8192xf32, #tpu.memory_space<vmem>>, vector<16xf32>,
      tpu.vector_store_idx %arg7[%parallel_loop3A_1311], %parallel_loop3A_1313 {add = true} : memref<4096xf32, #tpu.memory_space<vmem>>[vector<16xi32>], vector<16xf32>,
    } {sc.loop_unroll_factor = 8 : i64, sc.parallel_access}
    "tpu.region"() ({
      %run_scoped3A = tpu.sem_alloc : memref<!tpu.dma_semaphore, #tpu.memory_space<semaphore_mem>>
      %dma_start3A = arith.constant 0 : i32
      %dma_start3A_1309 = tpu.memref_slice %arg10[%arg1, %dma_start3A] : memref<16x4096xf32, #tpu.memory_space<vmem_shared>> -> memref<1x4096xf32, #tpu.memory_space<vmem_shared>>
      %dma_start3A_1310 = tpu.memref_squeeze %dma_start3A_1309 : memref<1x4096xf32, #tpu.memory_space<vmem_shared>> -> memref<4096xf32, #tpu.memory_space<vmem_shared>>
      %dma_start3A_1311 = arith.constant 0 : i32
      %dma_start3A_1312 = tpu.memref_slice %arg10[%arg1, %dma_start3A_1311] : memref<16x4096xf32, #tpu.memory_space<vmem_shared>> -> memref<1x4096xf32, #tpu.memory_space<vmem_shared>>
      %dma_start3A_1313 = tpu.memref_squeeze %dma_start3A_1312 : memref<1x4096xf32, #tpu.memory_space<vmem_shared>> -> memref<4096xf32, #tpu.memory_space<vmem_shared>>
      tpu.enqueue_dma source(%arg7 : memref<4096xf32, #tpu.memory_space<vmem>>) target(%dma_start3A_1313 : memref<4096xf32, #tpu.memory_space<vmem_shared>>) target_semaphore(%run_scoped3A : memref<!tpu.dma_semaphore, #tpu.memory_space<semaphore_mem>>)
      %dma_wait3A = arith.constant 0 : i32
      %dma_wait3A_1314 = tpu.memref_slice %arg10[%arg1, %dma_wait3A] : memref<16x4096xf32, #tpu.memory_space<vmem_shared>> -> memref<1x4096xf32, #tpu.memory_space<vmem_shared>>
      %dma_wait3A_1315 = tpu.memref_squeeze %dma_wait3A_1314 : memref<1x4096xf32, #tpu.memory_space<vmem_shared>> -> memref<4096xf32, #tpu.memory_space<vmem_shared>>
      %dma_wait3A_1316 = arith.constant 0 : i32
      %dma_wait3A_1317 = tpu.memref_slice %arg10[%arg1, %dma_wait3A_1316] : memref<16x4096xf32, #tpu.memory_space<vmem_shared>> -> memref<1x4096xf32, #tpu.memory_space<vmem_shared>>
      %dma_wait3A_1318 = tpu.memref_squeeze %dma_wait3A_1317 : memref<1x4096xf32, #tpu.memory_space<vmem_shared>> -> memref<4096xf32, #tpu.memory_space<vmem_shared>>
      tpu.wait_dma2 semaphore(%run_scoped3A : memref<!tpu.dma_semaphore, #tpu.memory_space<semaphore_mem>>) src(%arg7 : memref<4096xf32, #tpu.memory_space<vmem>>) dst(%dma_wait3A_1318 : memref<4096xf32, #tpu.memory_space<vmem_shared>>)
      tpu.yield
    }) : () -> ()
    %barrier3A = arith.constant 0 : index
    tpu.barrier barrier_id(%barrier3A)
    %mul3A_8 = arith.constant 256 : i32
    %mul3A_9 = arith.muli %arg1, %mul3A_8 : i32
    "tpu.region"() ({
      %run_scoped3A = tpu.sem_alloc : memref<!tpu.dma_semaphore, #tpu.memory_space<semaphore_mem>>
      %dma_start3A = arith.constant 0 : i32
      %dma_start3A_1309 = tpu.memref_slice %arg10[%dma_start3A, %mul3A_9] : memref<16x4096xf32, #tpu.memory_space<vmem_shared>> -> memref<16x256xf32, #tpu.memory_space<vmem_shared>>
      %dma_start3A_1310 = arith.constant 0 : i32
      %dma_start3A_1311 = tpu.memref_slice %arg10[%dma_start3A_1310, %mul3A_9] : memref<16x4096xf32, #tpu.memory_space<vmem_shared>> -> memref<16x256xf32, #tpu.memory_space<vmem_shared>>
      tpu.enqueue_dma source(%dma_start3A_1311 : memref<16x256xf32, #tpu.memory_space<vmem_shared>>) target(%arg8 : memref<16x256xf32, #tpu.memory_space<vmem>>) target_semaphore(%run_scoped3A : memref<!tpu.dma_semaphore, #tpu.memory_space<semaphore_mem>>)
      %dma_wait3A = arith.constant 0 : i32
      %dma_wait3A_1312 = tpu.memref_slice %arg10[%dma_wait3A, %mul3A_9] : memref<16x4096xf32, #tpu.memory_space<vmem_shared>> -> memref<16x256xf32, #tpu.memory_space<vmem_shared>>
      %dma_wait3A_1313 = arith.constant 0 : i32
      %dma_wait3A_1314 = tpu.memref_slice %arg10[%dma_wait3A_1313, %mul3A_9] : memref<16x4096xf32, #tpu.memory_space<vmem_shared>> -> memref<16x256xf32, #tpu.memory_space<vmem_shared>>
      tpu.wait_dma2 semaphore(%run_scoped3A : memref<!tpu.dma_semaphore, #tpu.memory_space<semaphore_mem>>) src(%dma_wait3A_1314 : memref<16x256xf32, #tpu.memory_space<vmem_shared>>) dst(%arg8 : memref<16x256xf32, #tpu.memory_space<vmem>>)
      tpu.yield
    }) : () -> ()
    %get3A = arith.constant 0 : i32
    %get3A_10 = arith.index_cast %get3A : i32 to index
    %get3A_11 = arith.constant 0 : index
    %get3A_12 = tpu.vector_load %arg8[%get3A_10, %get3A_11] {strides = array<i32>} : memref<16x256xf32, #tpu.memory_space<vmem>>, vector<16xf32>,
    %get3A_13 = arith.constant 1 : i32
    %get3A_14 = arith.index_cast %get3A_13 : i32 to index
    %get3A_15 = arith.constant 0 : index
    %get3A_16 = tpu.vector_load %arg8[%get3A_14, %get3A_15] {strides = array<i32>} : memref<16x256xf32, #tpu.memory_space<vmem>>, vector<16xf32>,
    %add3A_17 = arith.addf %get3A_12, %get3A_16 : vector<16xf32>
    %get3A_18 = arith.constant 2 : i32
    %get3A_19 = arith.index_cast %get3A_18 : i32 to index
    %get3A_20 = arith.constant 0 : index
    %get3A_21 = tpu.vector_load %arg8[%get3A_19, %get3A_20] {strides = array<i32>} : memref<16x256xf32, #tpu.memory_space<vmem>>, vector<16xf32>,
    %add3A_22 = arith.addf %add3A_17, %get3A_21 : vector<16xf32>
    %get3A_23 = arith.constant 3 : i32
    %get3A_24 = arith.index_cast %get3A_23 : i32 to index
    %get3A_25 = arith.constant 0 : index
    %get3A_26 = tpu.vector_load %arg8[%get3A_24, %get3A_25] {strides = array<i32>} : memref<16x256xf32, #tpu.memory_space<vmem>>, vector<16xf32>,
    %add3A_27 = arith.addf %add3A_22, %get3A_26 : vector<16xf32>
    %get3A_28 = arith.constant 4 : i32
    %get3A_29 = arith.index_cast %get3A_28 : i32 to index
    %get3A_30 = arith.constant 0 : index
    %get3A_31 = tpu.vector_load %arg8[%get3A_29, %get3A_30] {strides = array<i32>} : memref<16x256xf32, #tpu.memory_space<vmem>>, vector<16xf32>,
    %add3A_32 = arith.addf %add3A_27, %get3A_31 : vector<16xf32>
    %get3A_33 = arith.constant 5 : i32
    %get3A_34 = arith.index_cast %get3A_33 : i32 to index
    %get3A_35 = arith.constant 0 : index
    %get3A_36 = tpu.vector_load %arg8[%get3A_34, %get3A_35] {strides = array<i32>} : memref<16x256xf32, #tpu.memory_space<vmem>>, vector<16xf32>,
    %add3A_37 = arith.addf %add3A_32, %get3A_36 : vector<16xf32>
    %get3A_38 = arith.constant 6 : i32
    %get3A_39 = arith.index_cast %get3A_38 : i32 to index
    %get3A_40 = arith.constant 0 : index
    %get3A_41 = tpu.vector_load %arg8[%get3A_39, %get3A_40] {strides = array<i32>} : memref<16x256xf32, #tpu.memory_space<vmem>>, vector<16xf32>,
    %add3A_42 = arith.addf %add3A_37, %get3A_41 : vector<16xf32>
    %get3A_43 = arith.constant 7 : i32
    %get3A_44 = arith.index_cast %get3A_43 : i32 to index
    %get3A_45 = arith.constant 0 : index
    %get3A_46 = tpu.vector_load %arg8[%get3A_44, %get3A_45] {strides = array<i32>} : memref<16x256xf32, #tpu.memory_space<vmem>>, vector<16xf32>,
    %add3A_47 = arith.addf %add3A_42, %get3A_46 : vector<16xf32>
    %get3A_48 = arith.constant 8 : i32
    %get3A_49 = arith.index_cast %get3A_48 : i32 to index
    %get3A_50 = arith.constant 0 : index
    %get3A_51 = tpu.vector_load %arg8[%get3A_49, %get3A_50] {strides = array<i32>} : memref<16x256xf32, #tpu.memory_space<vmem>>, vector<16xf32>,
    %add3A_52 = arith.addf %add3A_47, %get3A_51 : vector<16xf32>
    %get3A_53 = arith.constant 9 : i32
    %get3A_54 = arith.index_cast %get3A_53 : i32 to index
    %get3A_55 = arith.constant 0 : index
    %get3A_56 = tpu.vector_load %arg8[%get3A_54, %get3A_55] {strides = array<i32>} : memref<16x256xf32, #tpu.memory_space<vmem>>, vector<16xf32>,
    %add3A_57 = arith.addf %add3A_52, %get3A_56 : vector<16xf32>
    %get3A_58 = arith.constant 10 : i32
    %get3A_59 = arith.index_cast %get3A_58 : i32 to index
    %get3A_60 = arith.constant 0 : index
    %get3A_61 = tpu.vector_load %arg8[%get3A_59, %get3A_60] {strides = array<i32>} : memref<16x256xf32, #tpu.memory_space<vmem>>, vector<16xf32>,
    %add3A_62 = arith.addf %add3A_57, %get3A_61 : vector<16xf32>
    %get3A_63 = arith.constant 11 : i32
    %get3A_64 = arith.index_cast %get3A_63 : i32 to index
    %get3A_65 = arith.constant 0 : index
    %get3A_66 = tpu.vector_load %arg8[%get3A_64, %get3A_65] {strides = array<i32>} : memref<16x256xf32, #tpu.memory_space<vmem>>, vector<16xf32>,
    %add3A_67 = arith.addf %add3A_62, %get3A_66 : vector<16xf32>
    %get3A_68 = arith.constant 12 : i32
    %get3A_69 = arith.index_cast %get3A_68 : i32 to index
    %get3A_70 = arith.constant 0 : index
    %get3A_71 = tpu.vector_load %arg8[%get3A_69, %get3A_70] {strides = array<i32>} : memref<16x256xf32, #tpu.memory_space<vmem>>, vector<16xf32>,
    %add3A_72 = arith.addf %add3A_67, %get3A_71 : vector<16xf32>
    %get3A_73 = arith.constant 13 : i32
    %get3A_74 = arith.index_cast %get3A_73 : i32 to index
    %get3A_75 = arith.constant 0 : index
    %get3A_76 = tpu.vector_load %arg8[%get3A_74, %get3A_75] {strides = array<i32>} : memref<16x256xf32, #tpu.memory_space<vmem>>, vector<16xf32>,
    %add3A_77 = arith.addf %add3A_72, %get3A_76 : vector<16xf32>
    %get3A_78 = arith.constant 14 : i32
    %get3A_79 = arith.index_cast %get3A_78 : i32 to index
    %get3A_80 = arith.constant 0 : index
    %get3A_81 = tpu.vector_load %arg8[%get3A_79, %get3A_80] {strides = array<i32>} : memref<16x256xf32, #tpu.memory_space<vmem>>, vector<16xf32>,
    %add3A_82 = arith.addf %add3A_77, %get3A_81 : vector<16xf32>
    %get3A_83 = arith.constant 15 : i32
    %get3A_84 = arith.index_cast %get3A_83 : i32 to index
    %get3A_85 = arith.constant 0 : index
    %get3A_86 = tpu.vector_load %arg8[%get3A_84, %get3A_85] {strides = array<i32>} : memref<16x256xf32, #tpu.memory_space<vmem>>, vector<16xf32>,
    %add3A_87 = arith.addf %add3A_82, %get3A_86 : vector<16xf32>
    %swap3A = arith.constant 0 : index
    %swap3A_88 = tpu.vector_load %arg9[%swap3A] {strides = array<i32>} : memref<256xf32, #tpu.memory_space<vmem>>, vector<16xf32>,
    tpu.vector_store %arg9[%swap3A], %add3A_87 {strides = array<i32>} : memref<256xf32, #tpu.memory_space<vmem>>, vector<16xf32>,
    %get3A_89 = arith.constant 0 : i32
    %get3A_90 = arith.index_cast %get3A_89 : i32 to index
    %get3A_91 = arith.constant 16 : index
    %get3A_92 = tpu.vector_load %arg8[%get3A_90, %get3A_91] {strides = array<i32>} : memref<16x256xf32, #tpu.memory_space<vmem>>, vector<16xf32>,
    %get3A_93 = arith.constant 1 : i32
    %get3A_94 = arith.index_cast %get3A_93 : i32 to index
    %get3A_95 = arith.constant 16 : index
    %get3A_96 = tpu.vector_load %arg8[%get3A_94, %get3A_95] {strides = array<i32>} : memref<16x256xf32, #tpu.memory_space<vmem>>, vector<16xf32>,
    %add3A_97 = arith.addf %get3A_92, %get3A_96 : vector<16xf32>
    %get3A_98 = arith.constant 2 : i32
    %get3A_99 = arith.index_cast %get3A_98 : i32 to index
    %get3A_100 = arith.constant 16 : index
    %get3A_101 = tpu.vector_load %arg8[%get3A_99, %get3A_100] {strides = array<i32>} : memref<16x256xf32, #tpu.memory_space<vmem>>, vector<16xf32>,
    %add3A_102 = arith.addf %add3A_97, %get3A_101 : vector<16xf32>
    %get3A_103 = arith.constant 3 : i32
    %get3A_104 = arith.index_cast %get3A_103 : i32 to index
    %get3A_105 = arith.constant 16 : index
    %get3A_106 = tpu.vector_load %arg8[%get3A_104, %get3A_105] {strides = array<i32>} : memref<16x256xf32, #tpu.memory_space<vmem>>, vector<16xf32>,
    %add3A_107 = arith.addf %add3A_102, %get3A_106 : vector<16xf32>
    %get3A_108 = arith.constant 4 : i32
    %get3A_109 = arith.index_cast %get3A_108 : i32 to index
    %get3A_110 = arith.constant 16 : index
    %get3A_111 = tpu.vector_load %arg8[%get3A_109, %get3A_110] {strides = array<i32>} : memref<16x256xf32, #tpu.memory_space<vmem>>, vector<16xf32>,
    %add3A_112 = arith.addf %add3A_107, %get3A_111 : vector<16xf32>
    %get3A_113 = arith.constant 5 : i32
    %get3A_114 = arith.index_cast %get3A_113 : i32 to index
    %get3A_115 = arith.constant 16 : index
    %get3A_116 = tpu.vector_load %arg8[%get3A_114, %get3A_115] {strides = array<i32>} : memref<16x256xf32, #tpu.memory_space<vmem>>, vector<16xf32>,
    %add3A_117 = arith.addf %add3A_112, %get3A_116 : vector<16xf32>
    %get3A_118 = arith.constant 6 : i32
    %get3A_119 = arith.index_cast %get3A_118 : i32 to index
    %get3A_120 = arith.constant 16 : index
    %get3A_121 = tpu.vector_load %arg8[%get3A_119, %get3A_120] {strides = array<i32>} : memref<16x256xf32, #tpu.memory_space<vmem>>, vector<16xf32>,
    %add3A_122 = arith.addf %add3A_117, %get3A_121 : vector<16xf32>
    %get3A_123 = arith.constant 7 : i32
    %get3A_124 = arith.index_cast %get3A_123 : i32 to index
    %get3A_125 = arith.constant 16 : index
    %get3A_126 = tpu.vector_load %arg8[%get3A_124, %get3A_125] {strides = array<i32>} : memref<16x256xf32, #tpu.memory_space<vmem>>, vector<16xf32>,
    %add3A_127 = arith.addf %add3A_122, %get3A_126 : vector<16xf32>
    %get3A_128 = arith.constant 8 : i32
    %get3A_129 = arith.index_cast %get3A_128 : i32 to index
    %get3A_130 = arith.constant 16 : index
    %get3A_131 = tpu.vector_load %arg8[%get3A_129, %get3A_130] {strides = array<i32>} : memref<16x256xf32, #tpu.memory_space<vmem>>, vector<16xf32>,
    %add3A_132 = arith.addf %add3A_127, %get3A_131 : vector<16xf32>
    %get3A_133 = arith.constant 9 : i32
    %get3A_134 = arith.index_cast %get3A_133 : i32 to index
    %get3A_135 = arith.constant 16 : index
    %get3A_136 = tpu.vector_load %arg8[%get3A_134, %get3A_135] {strides = array<i32>} : memref<16x256xf32, #tpu.memory_space<vmem>>, vector<16xf32>,
    %add3A_137 = arith.addf %add3A_132, %get3A_136 : vector<16xf32>
    %get3A_138 = arith.constant 10 : i32
    %get3A_139 = arith.index_cast %get3A_138 : i32 to index
    %get3A_140 = arith.constant 16 : index
    %get3A_141 = tpu.vector_load %arg8[%get3A_139, %get3A_140] {strides = array<i32>} : memref<16x256xf32, #tpu.memory_space<vmem>>, vector<16xf32>,
    %add3A_142 = arith.addf %add3A_137, %get3A_141 : vector<16xf32>
    %get3A_143 = arith.constant 11 : i32
    %get3A_144 = arith.index_cast %get3A_143 : i32 to index
    %get3A_145 = arith.constant 16 : index
    %get3A_146 = tpu.vector_load %arg8[%get3A_144, %get3A_145] {strides = array<i32>} : memref<16x256xf32, #tpu.memory_space<vmem>>, vector<16xf32>,
    %add3A_147 = arith.addf %add3A_142, %get3A_146 : vector<16xf32>
    %get3A_148 = arith.constant 12 : i32
    %get3A_149 = arith.index_cast %get3A_148 : i32 to index
    %get3A_150 = arith.constant 16 : index
    %get3A_151 = tpu.vector_load %arg8[%get3A_149, %get3A_150] {strides = array<i32>} : memref<16x256xf32, #tpu.memory_space<vmem>>, vector<16xf32>,
    %add3A_152 = arith.addf %add3A_147, %get3A_151 : vector<16xf32>
    %get3A_153 = arith.constant 13 : i32
    %get3A_154 = arith.index_cast %get3A_153 : i32 to index
    %get3A_155 = arith.constant 16 : index
    %get3A_156 = tpu.vector_load %arg8[%get3A_154, %get3A_155] {strides = array<i32>} : memref<16x256xf32, #tpu.memory_space<vmem>>, vector<16xf32>,
    %add3A_157 = arith.addf %add3A_152, %get3A_156 : vector<16xf32>
    %get3A_158 = arith.constant 14 : i32
    %get3A_159 = arith.index_cast %get3A_158 : i32 to index
    %get3A_160 = arith.constant 16 : index
    %get3A_161 = tpu.vector_load %arg8[%get3A_159, %get3A_160] {strides = array<i32>} : memref<16x256xf32, #tpu.memory_space<vmem>>, vector<16xf32>,
    %add3A_162 = arith.addf %add3A_157, %get3A_161 : vector<16xf32>
    %get3A_163 = arith.constant 15 : i32
    %get3A_164 = arith.index_cast %get3A_163 : i32 to index
    %get3A_165 = arith.constant 16 : index
    %get3A_166 = tpu.vector_load %arg8[%get3A_164, %get3A_165] {strides = array<i32>} : memref<16x256xf32, #tpu.memory_space<vmem>>, vector<16xf32>,
    %add3A_167 = arith.addf %add3A_162, %get3A_166 : vector<16xf32>
    %swap3A_168 = arith.constant 16 : index
    %swap3A_169 = tpu.vector_load %arg9[%swap3A_168] {strides = array<i32>} : memref<256xf32, #tpu.memory_space<vmem>>, vector<16xf32>,
    tpu.vector_store %arg9[%swap3A_168], %add3A_167 {strides = array<i32>} : memref<256xf32, #tpu.memory_space<vmem>>, vector<16xf32>,
    %get3A_170 = arith.constant 0 : i32
    %get3A_171 = arith.index_cast %get3A_170 : i32 to index
    %get3A_172 = arith.constant 32 : index
    %get3A_173 = tpu.vector_load %arg8[%get3A_171, %get3A_172] {strides = array<i32>} : memref<16x256xf32, #tpu.memory_space<vmem>>, vector<16xf32>,
    %get3A_174 = arith.constant 1 : i32
    %get3A_175 = arith.index_cast %get3A_174 : i32 to index
    %get3A_176 = arith.constant 32 : index
    %get3A_177 = tpu.vector_load %arg8[%get3A_175, %get3A_176] {strides = array<i32>} : memref<16x256xf32, #tpu.memory_space<vmem>>, vector<16xf32>,
    %add3A_178 = arith.addf %get3A_173, %get3A_177 : vector<16xf32>
    %get3A_179 = arith.constant 2 : i32
    %get3A_180 = arith.index_cast %get3A_179 : i32 to index
    %get3A_181 = arith.constant 32 : index
    %get3A_182 = tpu.vector_load %arg8[%get3A_180, %get3A_181] {strides = array<i32>} : memref<16x256xf32, #tpu.memory_space<vmem>>, vector<16xf32>,
    %add3A_183 = arith.addf %add3A_178, %get3A_182 : vector<16xf32>
    %get3A_184 = arith.constant 3 : i32
    %get3A_185 = arith.index_cast %get3A_184 : i32 to index
    %get3A_186 = arith.constant 32 : index
    %get3A_187 = tpu.vector_load %arg8[%get3A_185, %get3A_186] {strides = array<i32>} : memref<16x256xf32, #tpu.memory_space<vmem>>, vector<16xf32>,
    %add3A_188 = arith.addf %add3A_183, %get3A_187 : vector<16xf32>
    %get3A_189 = arith.constant 4 : i32
    %get3A_190 = arith.index_cast %get3A_189 : i32 to index
    %get3A_191 = arith.constant 32 : index
    %get3A_192 = tpu.vector_load %arg8[%get3A_190, %get3A_191] {strides = array<i32>} : memref<16x256xf32, #tpu.memory_space<vmem>>, vector<16xf32>,
    %add3A_193 = arith.addf %add3A_188, %get3A_192 : vector<16xf32>
    %get3A_194 = arith.constant 5 : i32
    %get3A_195 = arith.index_cast %get3A_194 : i32 to index
    %get3A_196 = arith.constant 32 : index
    %get3A_197 = tpu.vector_load %arg8[%get3A_195, %get3A_196] {strides = array<i32>} : memref<16x256xf32, #tpu.memory_space<vmem>>, vector<16xf32>,
    %add3A_198 = arith.addf %add3A_193, %get3A_197 : vector<16xf32>
    %get3A_199 = arith.constant 6 : i32
    %get3A_200 = arith.index_cast %get3A_199 : i32 to index
    %get3A_201 = arith.constant 32 : index
    %get3A_202 = tpu.vector_load %arg8[%get3A_200, %get3A_201] {strides = array<i32>} : memref<16x256xf32, #tpu.memory_space<vmem>>, vector<16xf32>,
    %add3A_203 = arith.addf %add3A_198, %get3A_202 : vector<16xf32>
    %get3A_204 = arith.constant 7 : i32
    %get3A_205 = arith.index_cast %get3A_204 : i32 to index
    %get3A_206 = arith.constant 32 : index
    %get3A_207 = tpu.vector_load %arg8[%get3A_205, %get3A_206] {strides = array<i32>} : memref<16x256xf32, #tpu.memory_space<vmem>>, vector<16xf32>,
    %add3A_208 = arith.addf %add3A_203, %get3A_207 : vector<16xf32>
    %get3A_209 = arith.constant 8 : i32
    %get3A_210 = arith.index_cast %get3A_209 : i32 to index
    %get3A_211 = arith.constant 32 : index
    %get3A_212 = tpu.vector_load %arg8[%get3A_210, %get3A_211] {strides = array<i32>} : memref<16x256xf32, #tpu.memory_space<vmem>>, vector<16xf32>,
    %add3A_213 = arith.addf %add3A_208, %get3A_212 : vector<16xf32>
    %get3A_214 = arith.constant 9 : i32
    %get3A_215 = arith.index_cast %get3A_214 : i32 to index
    %get3A_216 = arith.constant 32 : index
    %get3A_217 = tpu.vector_load %arg8[%get3A_215, %get3A_216] {strides = array<i32>} : memref<16x256xf32, #tpu.memory_space<vmem>>, vector<16xf32>,
    %add3A_218 = arith.addf %add3A_213, %get3A_217 : vector<16xf32>
    %get3A_219 = arith.constant 10 : i32
    %get3A_220 = arith.index_cast %get3A_219 : i32 to index
    %get3A_221 = arith.constant 32 : index
    %get3A_222 = tpu.vector_load %arg8[%get3A_220, %get3A_221] {strides = array<i32>} : memref<16x256xf32, #tpu.memory_space<vmem>>, vector<16xf32>,
    %add3A_223 = arith.addf %add3A_218, %get3A_222 : vector<16xf32>
    %get3A_224 = arith.constant 11 : i32
    %get3A_225 = arith.index_cast %get3A_224 : i32 to index
    %get3A_226 = arith.constant 32 : index
    %get3A_227 = tpu.vector_load %arg8[%get3A_225, %get3A_226] {strides = array<i32>} : memref<16x256xf32, #tpu.memory_space<vmem>>, vector<16xf32>,
    %add3A_228 = arith.addf %add3A_223, %get3A_227 : vector<16xf32>
    %get3A_229 = arith.constant 12 : i32
    %get3A_230 = arith.index_cast %get3A_229 : i32 to index
    %get3A_231 = arith.constant 32 : index
    %get3A_232 = tpu.vector_load %arg8[%get3A_230, %get3A_231] {strides = array<i32>} : memref<16x256xf32, #tpu.memory_space<vmem>>, vector<16xf32>,
    %add3A_233 = arith.addf %add3A_228, %get3A_232 : vector<16xf32>
    %get3A_234 = arith.constant 13 : i32
    %get3A_235 = arith.index_cast %get3A_234 : i32 to index
    %get3A_236 = arith.constant 32 : index
    %get3A_237 = tpu.vector_load %arg8[%get3A_235, %get3A_236] {strides = array<i32>} : memref<16x256xf32, #tpu.memory_space<vmem>>, vector<16xf32>,
    %add3A_238 = arith.addf %add3A_233, %get3A_237 : vector<16xf32>
    %get3A_239 = arith.constant 14 : i32
    %get3A_240 = arith.index_cast %get3A_239 : i32 to index
    %get3A_241 = arith.constant 32 : index
    %get3A_242 = tpu.vector_load %arg8[%get3A_240, %get3A_241] {strides = array<i32>} : memref<16x256xf32, #tpu.memory_space<vmem>>, vector<16xf32>,
    %add3A_243 = arith.addf %add3A_238, %get3A_242 : vector<16xf32>
    %get3A_244 = arith.constant 15 : i32
    %get3A_245 = arith.index_cast %get3A_244 : i32 to index
    %get3A_246 = arith.constant 32 : index
    %get3A_247 = tpu.vector_load %arg8[%get3A_245, %get3A_246] {strides = array<i32>} : memref<16x256xf32, #tpu.memory_space<vmem>>, vector<16xf32>,
    %add3A_248 = arith.addf %add3A_243, %get3A_247 : vector<16xf32>
    %swap3A_249 = arith.constant 32 : index
    %swap3A_250 = tpu.vector_load %arg9[%swap3A_249] {strides = array<i32>} : memref<256xf32, #tpu.memory_space<vmem>>, vector<16xf32>,
    tpu.vector_store %arg9[%swap3A_249], %add3A_248 {strides = array<i32>} : memref<256xf32, #tpu.memory_space<vmem>>, vector<16xf32>,
    %get3A_251 = arith.constant 0 : i32
    %get3A_252 = arith.index_cast %get3A_251 : i32 to index
    %get3A_253 = arith.constant 48 : index
    %get3A_254 = tpu.vector_load %arg8[%get3A_252, %get3A_253] {strides = array<i32>} : memref<16x256xf32, #tpu.memory_space<vmem>>, vector<16xf32>,
    %get3A_255 = arith.constant 1 : i32
    %get3A_256 = arith.index_cast %get3A_255 : i32 to index
    %get3A_257 = arith.constant 48 : index
    %get3A_258 = tpu.vector_load %arg8[%get3A_256, %get3A_257] {strides = array<i32>} : memref<16x256xf32, #tpu.memory_space<vmem>>, vector<16xf32>,
    %add3A_259 = arith.addf %get3A_254, %get3A_258 : vector<16xf32>
    %get3A_260 = arith.constant 2 : i32
    %get3A_261 = arith.index_cast %get3A_260 : i32 to index
    %get3A_262 = arith.constant 48 : index
    %get3A_263 = tpu.vector_load %arg8[%get3A_261, %get3A_262] {strides = array<i32>} : memref<16x256xf32, #tpu.memory_space<vmem>>, vector<16xf32>,
    %add3A_264 = arith.addf %add3A_259, %get3A_263 : vector<16xf32>
    %get3A_265 = arith.constant 3 : i32
    %get3A_266 = arith.index_cast %get3A_265 : i32 to index
    %get3A_267 = arith.constant 48 : index
    %get3A_268 = tpu.vector_load %arg8[%get3A_266, %get3A_267] {strides = array<i32>} : memref<16x256xf32, #tpu.memory_space<vmem>>, vector<16xf32>,
    %add3A_269 = arith.addf %add3A_264, %get3A_268 : vector<16xf32>
    %get3A_270 = arith.constant 4 : i32
    %get3A_271 = arith.index_cast %get3A_270 : i32 to index
    %get3A_272 = arith.constant 48 : index
    %get3A_273 = tpu.vector_load %arg8[%get3A_271, %get3A_272] {strides = array<i32>} : memref<16x256xf32, #tpu.memory_space<vmem>>, vector<16xf32>,
    %add3A_274 = arith.addf %add3A_269, %get3A_273 : vector<16xf32>
    %get3A_275 = arith.constant 5 : i32
    %get3A_276 = arith.index_cast %get3A_275 : i32 to index
    %get3A_277 = arith.constant 48 : index
    %get3A_278 = tpu.vector_load %arg8[%get3A_276, %get3A_277] {strides = array<i32>} : memref<16x256xf32, #tpu.memory_space<vmem>>, vector<16xf32>,
    %add3A_279 = arith.addf %add3A_274, %get3A_278 : vector<16xf32>
    %get3A_280 = arith.constant 6 : i32
    %get3A_281 = arith.index_cast %get3A_280 : i32 to index
    %get3A_282 = arith.constant 48 : index
    %get3A_283 = tpu.vector_load %arg8[%get3A_281, %get3A_282] {strides = array<i32>} : memref<16x256xf32, #tpu.memory_space<vmem>>, vector<16xf32>,
    %add3A_284 = arith.addf %add3A_279, %get3A_283 : vector<16xf32>
    %get3A_285 = arith.constant 7 : i32
    %get3A_286 = arith.index_cast %get3A_285 : i32 to index
    %get3A_287 = arith.constant 48 : index
    %get3A_288 = tpu.vector_load %arg8[%get3A_286, %get3A_287] {strides = array<i32>} : memref<16x256xf32, #tpu.memory_space<vmem>>, vector<16xf32>,
    %add3A_289 = arith.addf %add3A_284, %get3A_288 : vector<16xf32>
    %get3A_290 = arith.constant 8 : i32
    %get3A_291 = arith.index_cast %get3A_290 : i32 to index
    %get3A_292 = arith.constant 48 : index
    %get3A_293 = tpu.vector_load %arg8[%get3A_291, %get3A_292] {strides = array<i32>} : memref<16x256xf32, #tpu.memory_space<vmem>>, vector<16xf32>,
    %add3A_294 = arith.addf %add3A_289, %get3A_293 : vector<16xf32>
    %get3A_295 = arith.constant 9 : i32
    %get3A_296 = arith.index_cast %get3A_295 : i32 to index
    %get3A_297 = arith.constant 48 : index
    %get3A_298 = tpu.vector_load %arg8[%get3A_296, %get3A_297] {strides = array<i32>} : memref<16x256xf32, #tpu.memory_space<vmem>>, vector<16xf32>,
    %add3A_299 = arith.addf %add3A_294, %get3A_298 : vector<16xf32>
    %get3A_300 = arith.constant 10 : i32
    %get3A_301 = arith.index_cast %get3A_300 : i32 to index
    %get3A_302 = arith.constant 48 : index
    %get3A_303 = tpu.vector_load %arg8[%get3A_301, %get3A_302] {strides = array<i32>} : memref<16x256xf32, #tpu.memory_space<vmem>>, vector<16xf32>,
    %add3A_304 = arith.addf %add3A_299, %get3A_303 : vector<16xf32>
    %get3A_305 = arith.constant 11 : i32
    %get3A_306 = arith.index_cast %get3A_305 : i32 to index
    %get3A_307 = arith.constant 48 : index
    %get3A_308 = tpu.vector_load %arg8[%get3A_306, %get3A_307] {strides = array<i32>} : memref<16x256xf32, #tpu.memory_space<vmem>>, vector<16xf32>,
    %add3A_309 = arith.addf %add3A_304, %get3A_308 : vector<16xf32>
    %get3A_310 = arith.constant 12 : i32
    %get3A_311 = arith.index_cast %get3A_310 : i32 to index
    %get3A_312 = arith.constant 48 : index
    %get3A_313 = tpu.vector_load %arg8[%get3A_311, %get3A_312] {strides = array<i32>} : memref<16x256xf32, #tpu.memory_space<vmem>>, vector<16xf32>,
    %add3A_314 = arith.addf %add3A_309, %get3A_313 : vector<16xf32>
    %get3A_315 = arith.constant 13 : i32
    %get3A_316 = arith.index_cast %get3A_315 : i32 to index
    %get3A_317 = arith.constant 48 : index
    %get3A_318 = tpu.vector_load %arg8[%get3A_316, %get3A_317] {strides = array<i32>} : memref<16x256xf32, #tpu.memory_space<vmem>>, vector<16xf32>,
    %add3A_319 = arith.addf %add3A_314, %get3A_318 : vector<16xf32>
    %get3A_320 = arith.constant 14 : i32
    %get3A_321 = arith.index_cast %get3A_320 : i32 to index
    %get3A_322 = arith.constant 48 : index
    %get3A_323 = tpu.vector_load %arg8[%get3A_321, %get3A_322] {strides = array<i32>} : memref<16x256xf32, #tpu.memory_space<vmem>>, vector<16xf32>,
    %add3A_324 = arith.addf %add3A_319, %get3A_323 : vector<16xf32>
    %get3A_325 = arith.constant 15 : i32
    %get3A_326 = arith.index_cast %get3A_325 : i32 to index
    %get3A_327 = arith.constant 48 : index
    %get3A_328 = tpu.vector_load %arg8[%get3A_326, %get3A_327] {strides = array<i32>} : memref<16x256xf32, #tpu.memory_space<vmem>>, vector<16xf32>,
    %add3A_329 = arith.addf %add3A_324, %get3A_328 : vector<16xf32>
    %swap3A_330 = arith.constant 48 : index
    %swap3A_331 = tpu.vector_load %arg9[%swap3A_330] {strides = array<i32>} : memref<256xf32, #tpu.memory_space<vmem>>, vector<16xf32>,
    tpu.vector_store %arg9[%swap3A_330], %add3A_329 {strides = array<i32>} : memref<256xf32, #tpu.memory_space<vmem>>, vector<16xf32>,
    %get3A_332 = arith.constant 0 : i32
    %get3A_333 = arith.index_cast %get3A_332 : i32 to index
    %get3A_334 = arith.constant 64 : index
    %get3A_335 = tpu.vector_load %arg8[%get3A_333, %get3A_334] {strides = array<i32>} : memref<16x256xf32, #tpu.memory_space<vmem>>, vector<16xf32>,
    %get3A_336 = arith.constant 1 : i32
    %get3A_337 = arith.index_cast %get3A_336 : i32 to index
    %get3A_338 = arith.constant 64 : index
    %get3A_339 = tpu.vector_load %arg8[%get3A_337, %get3A_338] {strides = array<i32>} : memref<16x256xf32, #tpu.memory_space<vmem>>, vector<16xf32>,
    %add3A_340 = arith.addf %get3A_335, %get3A_339 : vector<16xf32>
    %get3A_341 = arith.constant 2 : i32
    %get3A_342 = arith.index_cast %get3A_341 : i32 to index
    %get3A_343 = arith.constant 64 : index
    %get3A_344 = tpu.vector_load %arg8[%get3A_342, %get3A_343] {strides = array<i32>} : memref<16x256xf32, #tpu.memory_space<vmem>>, vector<16xf32>,
    %add3A_345 = arith.addf %add3A_340, %get3A_344 : vector<16xf32>
    %get3A_346 = arith.constant 3 : i32
    %get3A_347 = arith.index_cast %get3A_346 : i32 to index
    %get3A_348 = arith.constant 64 : index
    %get3A_349 = tpu.vector_load %arg8[%get3A_347, %get3A_348] {strides = array<i32>} : memref<16x256xf32, #tpu.memory_space<vmem>>, vector<16xf32>,
    %add3A_350 = arith.addf %add3A_345, %get3A_349 : vector<16xf32>
    %get3A_351 = arith.constant 4 : i32
    %get3A_352 = arith.index_cast %get3A_351 : i32 to index
    %get3A_353 = arith.constant 64 : index
    %get3A_354 = tpu.vector_load %arg8[%get3A_352, %get3A_353] {strides = array<i32>} : memref<16x256xf32, #tpu.memory_space<vmem>>, vector<16xf32>,
    %add3A_355 = arith.addf %add3A_350, %get3A_354 : vector<16xf32>
    %get3A_356 = arith.constant 5 : i32
    %get3A_357 = arith.index_cast %get3A_356 : i32 to index
    %get3A_358 = arith.constant 64 : index
    %get3A_359 = tpu.vector_load %arg8[%get3A_357, %get3A_358] {strides = array<i32>} : memref<16x256xf32, #tpu.memory_space<vmem>>, vector<16xf32>,
    %add3A_360 = arith.addf %add3A_355, %get3A_359 : vector<16xf32>
    %get3A_361 = arith.constant 6 : i32
    %get3A_362 = arith.index_cast %get3A_361 : i32 to index
    %get3A_363 = arith.constant 64 : index
    %get3A_364 = tpu.vector_load %arg8[%get3A_362, %get3A_363] {strides = array<i32>} : memref<16x256xf32, #tpu.memory_space<vmem>>, vector<16xf32>,
    %add3A_365 = arith.addf %add3A_360, %get3A_364 : vector<16xf32>
    %get3A_366 = arith.constant 7 : i32
    %get3A_367 = arith.index_cast %get3A_366 : i32 to index
    %get3A_368 = arith.constant 64 : index
    %get3A_369 = tpu.vector_load %arg8[%get3A_367, %get3A_368] {strides = array<i32>} : memref<16x256xf32, #tpu.memory_space<vmem>>, vector<16xf32>,
    %add3A_370 = arith.addf %add3A_365, %get3A_369 : vector<16xf32>
    %get3A_371 = arith.constant 8 : i32
    %get3A_372 = arith.index_cast %get3A_371 : i32 to index
    %get3A_373 = arith.constant 64 : index
    %get3A_374 = tpu.vector_load %arg8[%get3A_372, %get3A_373] {strides = array<i32>} : memref<16x256xf32, #tpu.memory_space<vmem>>, vector<16xf32>,
    %add3A_375 = arith.addf %add3A_370, %get3A_374 : vector<16xf32>
    %get3A_376 = arith.constant 9 : i32
    %get3A_377 = arith.index_cast %get3A_376 : i32 to index
    %get3A_378 = arith.constant 64 : index
    %get3A_379 = tpu.vector_load %arg8[%get3A_377, %get3A_378] {strides = array<i32>} : memref<16x256xf32, #tpu.memory_space<vmem>>, vector<16xf32>,
    %add3A_380 = arith.addf %add3A_375, %get3A_379 : vector<16xf32>
    %get3A_381 = arith.constant 10 : i32
    %get3A_382 = arith.index_cast %get3A_381 : i32 to index
    %get3A_383 = arith.constant 64 : index
    %get3A_384 = tpu.vector_load %arg8[%get3A_382, %get3A_383] {strides = array<i32>} : memref<16x256xf32, #tpu.memory_space<vmem>>, vector<16xf32>,
    %add3A_385 = arith.addf %add3A_380, %get3A_384 : vector<16xf32>
    %get3A_386 = arith.constant 11 : i32
    %get3A_387 = arith.index_cast %get3A_386 : i32 to index
    %get3A_388 = arith.constant 64 : index
    %get3A_389 = tpu.vector_load %arg8[%get3A_387, %get3A_388] {strides = array<i32>} : memref<16x256xf32, #tpu.memory_space<vmem>>, vector<16xf32>,
    %add3A_390 = arith.addf %add3A_385, %get3A_389 : vector<16xf32>
    %get3A_391 = arith.constant 12 : i32
    %get3A_392 = arith.index_cast %get3A_391 : i32 to index
    %get3A_393 = arith.constant 64 : index
    %get3A_394 = tpu.vector_load %arg8[%get3A_392, %get3A_393] {strides = array<i32>} : memref<16x256xf32, #tpu.memory_space<vmem>>, vector<16xf32>,
    %add3A_395 = arith.addf %add3A_390, %get3A_394 : vector<16xf32>
    %get3A_396 = arith.constant 13 : i32
    %get3A_397 = arith.index_cast %get3A_396 : i32 to index
    %get3A_398 = arith.constant 64 : index
    %get3A_399 = tpu.vector_load %arg8[%get3A_397, %get3A_398] {strides = array<i32>} : memref<16x256xf32, #tpu.memory_space<vmem>>, vector<16xf32>,
    %add3A_400 = arith.addf %add3A_395, %get3A_399 : vector<16xf32>
    %get3A_401 = arith.constant 14 : i32
    %get3A_402 = arith.index_cast %get3A_401 : i32 to index
    %get3A_403 = arith.constant 64 : index
    %get3A_404 = tpu.vector_load %arg8[%get3A_402, %get3A_403] {strides = array<i32>} : memref<16x256xf32, #tpu.memory_space<vmem>>, vector<16xf32>,
    %add3A_405 = arith.addf %add3A_400, %get3A_404 : vector<16xf32>
    %get3A_406 = arith.constant 15 : i32
    %get3A_407 = arith.index_cast %get3A_406 : i32 to index
    %get3A_408 = arith.constant 64 : index
    %get3A_409 = tpu.vector_load %arg8[%get3A_407, %get3A_408] {strides = array<i32>} : memref<16x256xf32, #tpu.memory_space<vmem>>, vector<16xf32>,
    %add3A_410 = arith.addf %add3A_405, %get3A_409 : vector<16xf32>
    %swap3A_411 = arith.constant 64 : index
    %swap3A_412 = tpu.vector_load %arg9[%swap3A_411] {strides = array<i32>} : memref<256xf32, #tpu.memory_space<vmem>>, vector<16xf32>,
    tpu.vector_store %arg9[%swap3A_411], %add3A_410 {strides = array<i32>} : memref<256xf32, #tpu.memory_space<vmem>>, vector<16xf32>,
    %get3A_413 = arith.constant 0 : i32
    %get3A_414 = arith.index_cast %get3A_413 : i32 to index
    %get3A_415 = arith.constant 80 : index
    %get3A_416 = tpu.vector_load %arg8[%get3A_414, %get3A_415] {strides = array<i32>} : memref<16x256xf32, #tpu.memory_space<vmem>>, vector<16xf32>,
    %get3A_417 = arith.constant 1 : i32
    %get3A_418 = arith.index_cast %get3A_417 : i32 to index
    %get3A_419 = arith.constant 80 : index
    %get3A_420 = tpu.vector_load %arg8[%get3A_418, %get3A_419] {strides = array<i32>} : memref<16x256xf32, #tpu.memory_space<vmem>>, vector<16xf32>,
    %add3A_421 = arith.addf %get3A_416, %get3A_420 : vector<16xf32>
    %get3A_422 = arith.constant 2 : i32
    %get3A_423 = arith.index_cast %get3A_422 : i32 to index
    %get3A_424 = arith.constant 80 : index
    %get3A_425 = tpu.vector_load %arg8[%get3A_423, %get3A_424] {strides = array<i32>} : memref<16x256xf32, #tpu.memory_space<vmem>>, vector<16xf32>,
    %add3A_426 = arith.addf %add3A_421, %get3A_425 : vector<16xf32>
    %get3A_427 = arith.constant 3 : i32
    %get3A_428 = arith.index_cast %get3A_427 : i32 to index
    %get3A_429 = arith.constant 80 : index
    %get3A_430 = tpu.vector_load %arg8[%get3A_428, %get3A_429] {strides = array<i32>} : memref<16x256xf32, #tpu.memory_space<vmem>>, vector<16xf32>,
    %add3A_431 = arith.addf %add3A_426, %get3A_430 : vector<16xf32>
    %get3A_432 = arith.constant 4 : i32
    %get3A_433 = arith.index_cast %get3A_432 : i32 to index
    %get3A_434 = arith.constant 80 : index
    %get3A_435 = tpu.vector_load %arg8[%get3A_433, %get3A_434] {strides = array<i32>} : memref<16x256xf32, #tpu.memory_space<vmem>>, vector<16xf32>,
    %add3A_436 = arith.addf %add3A_431, %get3A_435 : vector<16xf32>
    %get3A_437 = arith.constant 5 : i32
    %get3A_438 = arith.index_cast %get3A_437 : i32 to index
    %get3A_439 = arith.constant 80 : index
    %get3A_440 = tpu.vector_load %arg8[%get3A_438, %get3A_439] {strides = array<i32>} : memref<16x256xf32, #tpu.memory_space<vmem>>, vector<16xf32>,
    %add3A_441 = arith.addf %add3A_436, %get3A_440 : vector<16xf32>
    %get3A_442 = arith.constant 6 : i32
    %get3A_443 = arith.index_cast %get3A_442 : i32 to index
    %get3A_444 = arith.constant 80 : index
    %get3A_445 = tpu.vector_load %arg8[%get3A_443, %get3A_444] {strides = array<i32>} : memref<16x256xf32, #tpu.memory_space<vmem>>, vector<16xf32>,
    %add3A_446 = arith.addf %add3A_441, %get3A_445 : vector<16xf32>
    %get3A_447 = arith.constant 7 : i32
    %get3A_448 = arith.index_cast %get3A_447 : i32 to index
    %get3A_449 = arith.constant 80 : index
    %get3A_450 = tpu.vector_load %arg8[%get3A_448, %get3A_449] {strides = array<i32>} : memref<16x256xf32, #tpu.memory_space<vmem>>, vector<16xf32>,
    %add3A_451 = arith.addf %add3A_446, %get3A_450 : vector<16xf32>
    %get3A_452 = arith.constant 8 : i32
    %get3A_453 = arith.index_cast %get3A_452 : i32 to index
    %get3A_454 = arith.constant 80 : index
    %get3A_455 = tpu.vector_load %arg8[%get3A_453, %get3A_454] {strides = array<i32>} : memref<16x256xf32, #tpu.memory_space<vmem>>, vector<16xf32>,
    %add3A_456 = arith.addf %add3A_451, %get3A_455 : vector<16xf32>
    %get3A_457 = arith.constant 9 : i32
    %get3A_458 = arith.index_cast %get3A_457 : i32 to index
    %get3A_459 = arith.constant 80 : index
    %get3A_460 = tpu.vector_load %arg8[%get3A_458, %get3A_459] {strides = array<i32>} : memref<16x256xf32, #tpu.memory_space<vmem>>, vector<16xf32>,
    %add3A_461 = arith.addf %add3A_456, %get3A_460 : vector<16xf32>
    %get3A_462 = arith.constant 10 : i32
    %get3A_463 = arith.index_cast %get3A_462 : i32 to index
    %get3A_464 = arith.constant 80 : index
    %get3A_465 = tpu.vector_load %arg8[%get3A_463, %get3A_464] {strides = array<i32>} : memref<16x256xf32, #tpu.memory_space<vmem>>, vector<16xf32>,
    %add3A_466 = arith.addf %add3A_461, %get3A_465 : vector<16xf32>
    %get3A_467 = arith.constant 11 : i32
    %get3A_468 = arith.index_cast %get3A_467 : i32 to index
    %get3A_469 = arith.constant 80 : index
    %get3A_470 = tpu.vector_load %arg8[%get3A_468, %get3A_469] {strides = array<i32>} : memref<16x256xf32, #tpu.memory_space<vmem>>, vector<16xf32>,
    %add3A_471 = arith.addf %add3A_466, %get3A_470 : vector<16xf32>
    %get3A_472 = arith.constant 12 : i32
    %get3A_473 = arith.index_cast %get3A_472 : i32 to index
    %get3A_474 = arith.constant 80 : index
    %get3A_475 = tpu.vector_load %arg8[%get3A_473, %get3A_474] {strides = array<i32>} : memref<16x256xf32, #tpu.memory_space<vmem>>, vector<16xf32>,
    %add3A_476 = arith.addf %add3A_471, %get3A_475 : vector<16xf32>
    %get3A_477 = arith.constant 13 : i32
    %get3A_478 = arith.index_cast %get3A_477 : i32 to index
    %get3A_479 = arith.constant 80 : index
    %get3A_480 = tpu.vector_load %arg8[%get3A_478, %get3A_479] {strides = array<i32>} : memref<16x256xf32, #tpu.memory_space<vmem>>, vector<16xf32>,
    %add3A_481 = arith.addf %add3A_476, %get3A_480 : vector<16xf32>
    %get3A_482 = arith.constant 14 : i32
    %get3A_483 = arith.index_cast %get3A_482 : i32 to index
    %get3A_484 = arith.constant 80 : index
    %get3A_485 = tpu.vector_load %arg8[%get3A_483, %get3A_484] {strides = array<i32>} : memref<16x256xf32, #tpu.memory_space<vmem>>, vector<16xf32>,
    %add3A_486 = arith.addf %add3A_481, %get3A_485 : vector<16xf32>
    %get3A_487 = arith.constant 15 : i32
    %get3A_488 = arith.index_cast %get3A_487 : i32 to index
    %get3A_489 = arith.constant 80 : index
    %get3A_490 = tpu.vector_load %arg8[%get3A_488, %get3A_489] {strides = array<i32>} : memref<16x256xf32, #tpu.memory_space<vmem>>, vector<16xf32>,
    %add3A_491 = arith.addf %add3A_486, %get3A_490 : vector<16xf32>
    %swap3A_492 = arith.constant 80 : index
    %swap3A_493 = tpu.vector_load %arg9[%swap3A_492] {strides = array<i32>} : memref<256xf32, #tpu.memory_space<vmem>>, vector<16xf32>,
    tpu.vector_store %arg9[%swap3A_492], %add3A_491 {strides = array<i32>} : memref<256xf32, #tpu.memory_space<vmem>>, vector<16xf32>,
    %get3A_494 = arith.constant 0 : i32
    %get3A_495 = arith.index_cast %get3A_494 : i32 to index
    %get3A_496 = arith.constant 96 : index
    %get3A_497 = tpu.vector_load %arg8[%get3A_495, %get3A_496] {strides = array<i32>} : memref<16x256xf32, #tpu.memory_space<vmem>>, vector<16xf32>,
    %get3A_498 = arith.constant 1 : i32
    %get3A_499 = arith.index_cast %get3A_498 : i32 to index
    %get3A_500 = arith.constant 96 : index
    %get3A_501 = tpu.vector_load %arg8[%get3A_499, %get3A_500] {strides = array<i32>} : memref<16x256xf32, #tpu.memory_space<vmem>>, vector<16xf32>,
    %add3A_502 = arith.addf %get3A_497, %get3A_501 : vector<16xf32>
    %get3A_503 = arith.constant 2 : i32
    %get3A_504 = arith.index_cast %get3A_503 : i32 to index
    %get3A_505 = arith.constant 96 : index
    %get3A_506 = tpu.vector_load %arg8[%get3A_504, %get3A_505] {strides = array<i32>} : memref<16x256xf32, #tpu.memory_space<vmem>>, vector<16xf32>,
    %add3A_507 = arith.addf %add3A_502, %get3A_506 : vector<16xf32>
    %get3A_508 = arith.constant 3 : i32
    %get3A_509 = arith.index_cast %get3A_508 : i32 to index
    %get3A_510 = arith.constant 96 : index
    %get3A_511 = tpu.vector_load %arg8[%get3A_509, %get3A_510] {strides = array<i32>} : memref<16x256xf32, #tpu.memory_space<vmem>>, vector<16xf32>,
    %add3A_512 = arith.addf %add3A_507, %get3A_511 : vector<16xf32>
    %get3A_513 = arith.constant 4 : i32
    %get3A_514 = arith.index_cast %get3A_513 : i32 to index
    %get3A_515 = arith.constant 96 : index
    %get3A_516 = tpu.vector_load %arg8[%get3A_514, %get3A_515] {strides = array<i32>} : memref<16x256xf32, #tpu.memory_space<vmem>>, vector<16xf32>,
    %add3A_517 = arith.addf %add3A_512, %get3A_516 : vector<16xf32>
    %get3A_518 = arith.constant 5 : i32
    %get3A_519 = arith.index_cast %get3A_518 : i32 to index
    %get3A_520 = arith.constant 96 : index
    %get3A_521 = tpu.vector_load %arg8[%get3A_519, %get3A_520] {strides = array<i32>} : memref<16x256xf32, #tpu.memory_space<vmem>>, vector<16xf32>,
    %add3A_522 = arith.addf %add3A_517, %get3A_521 : vector<16xf32>
    %get3A_523 = arith.constant 6 : i32
    %get3A_524 = arith.index_cast %get3A_523 : i32 to index
    %get3A_525 = arith.constant 96 : index
    %get3A_526 = tpu.vector_load %arg8[%get3A_524, %get3A_525] {strides = array<i32>} : memref<16x256xf32, #tpu.memory_space<vmem>>, vector<16xf32>,
    %add3A_527 = arith.addf %add3A_522, %get3A_526 : vector<16xf32>
    %get3A_528 = arith.constant 7 : i32
    %get3A_529 = arith.index_cast %get3A_528 : i32 to index
    %get3A_530 = arith.constant 96 : index
    %get3A_531 = tpu.vector_load %arg8[%get3A_529, %get3A_530] {strides = array<i32>} : memref<16x256xf32, #tpu.memory_space<vmem>>, vector<16xf32>,
    %add3A_532 = arith.addf %add3A_527, %get3A_531 : vector<16xf32>
    %get3A_533 = arith.constant 8 : i32
    %get3A_534 = arith.index_cast %get3A_533 : i32 to index
    %get3A_535 = arith.constant 96 : index
    %get3A_536 = tpu.vector_load %arg8[%get3A_534, %get3A_535] {strides = array<i32>} : memref<16x256xf32, #tpu.memory_space<vmem>>, vector<16xf32>,
    %add3A_537 = arith.addf %add3A_532, %get3A_536 : vector<16xf32>
    %get3A_538 = arith.constant 9 : i32
    %get3A_539 = arith.index_cast %get3A_538 : i32 to index
    %get3A_540 = arith.constant 96 : index
    %get3A_541 = tpu.vector_load %arg8[%get3A_539, %get3A_540] {strides = array<i32>} : memref<16x256xf32, #tpu.memory_space<vmem>>, vector<16xf32>,
    %add3A_542 = arith.addf %add3A_537, %get3A_541 : vector<16xf32>
    %get3A_543 = arith.constant 10 : i32
    %get3A_544 = arith.index_cast %get3A_543 : i32 to index
    %get3A_545 = arith.constant 96 : index
    %get3A_546 = tpu.vector_load %arg8[%get3A_544, %get3A_545] {strides = array<i32>} : memref<16x256xf32, #tpu.memory_space<vmem>>, vector<16xf32>,
    %add3A_547 = arith.addf %add3A_542, %get3A_546 : vector<16xf32>
    %get3A_548 = arith.constant 11 : i32
    %get3A_549 = arith.index_cast %get3A_548 : i32 to index
    %get3A_550 = arith.constant 96 : index
    %get3A_551 = tpu.vector_load %arg8[%get3A_549, %get3A_550] {strides = array<i32>} : memref<16x256xf32, #tpu.memory_space<vmem>>, vector<16xf32>,
    %add3A_552 = arith.addf %add3A_547, %get3A_551 : vector<16xf32>
    %get3A_553 = arith.constant 12 : i32
    %get3A_554 = arith.index_cast %get3A_553 : i32 to index
    %get3A_555 = arith.constant 96 : index
    %get3A_556 = tpu.vector_load %arg8[%get3A_554, %get3A_555] {strides = array<i32>} : memref<16x256xf32, #tpu.memory_space<vmem>>, vector<16xf32>,
    %add3A_557 = arith.addf %add3A_552, %get3A_556 : vector<16xf32>
    %get3A_558 = arith.constant 13 : i32
    %get3A_559 = arith.index_cast %get3A_558 : i32 to index
    %get3A_560 = arith.constant 96 : index
    %get3A_561 = tpu.vector_load %arg8[%get3A_559, %get3A_560] {strides = array<i32>} : memref<16x256xf32, #tpu.memory_space<vmem>>, vector<16xf32>,
    %add3A_562 = arith.addf %add3A_557, %get3A_561 : vector<16xf32>
    %get3A_563 = arith.constant 14 : i32
    %get3A_564 = arith.index_cast %get3A_563 : i32 to index
    %get3A_565 = arith.constant 96 : index
    %get3A_566 = tpu.vector_load %arg8[%get3A_564, %get3A_565] {strides = array<i32>} : memref<16x256xf32, #tpu.memory_space<vmem>>, vector<16xf32>,
    %add3A_567 = arith.addf %add3A_562, %get3A_566 : vector<16xf32>
    %get3A_568 = arith.constant 15 : i32
    %get3A_569 = arith.index_cast %get3A_568 : i32 to index
    %get3A_570 = arith.constant 96 : index
    %get3A_571 = tpu.vector_load %arg8[%get3A_569, %get3A_570] {strides = array<i32>} : memref<16x256xf32, #tpu.memory_space<vmem>>, vector<16xf32>,
    %add3A_572 = arith.addf %add3A_567, %get3A_571 : vector<16xf32>
    %swap3A_573 = arith.constant 96 : index
    %swap3A_574 = tpu.vector_load %arg9[%swap3A_573] {strides = array<i32>} : memref<256xf32, #tpu.memory_space<vmem>>, vector<16xf32>,
    tpu.vector_store %arg9[%swap3A_573], %add3A_572 {strides = array<i32>} : memref<256xf32, #tpu.memory_space<vmem>>, vector<16xf32>,
    %get3A_575 = arith.constant 0 : i32
    %get3A_576 = arith.index_cast %get3A_575 : i32 to index
    %get3A_577 = arith.constant 112 : index
    %get3A_578 = tpu.vector_load %arg8[%get3A_576, %get3A_577] {strides = array<i32>} : memref<16x256xf32, #tpu.memory_space<vmem>>, vector<16xf32>,
    %get3A_579 = arith.constant 1 : i32
    %get3A_580 = arith.index_cast %get3A_579 : i32 to index
    %get3A_581 = arith.constant 112 : index
    %get3A_582 = tpu.vector_load %arg8[%get3A_580, %get3A_581] {strides = array<i32>} : memref<16x256xf32, #tpu.memory_space<vmem>>, vector<16xf32>,
    %add3A_583 = arith.addf %get3A_578, %get3A_582 : vector<16xf32>
    %get3A_584 = arith.constant 2 : i32
    %get3A_585 = arith.index_cast %get3A_584 : i32 to index
    %get3A_586 = arith.constant 112 : index
    %get3A_587 = tpu.vector_load %arg8[%get3A_585, %get3A_586] {strides = array<i32>} : memref<16x256xf32, #tpu.memory_space<vmem>>, vector<16xf32>,
    %add3A_588 = arith.addf %add3A_583, %get3A_587 : vector<16xf32>
    %get3A_589 = arith.constant 3 : i32
    %get3A_590 = arith.index_cast %get3A_589 : i32 to index
    %get3A_591 = arith.constant 112 : index
    %get3A_592 = tpu.vector_load %arg8[%get3A_590, %get3A_591] {strides = array<i32>} : memref<16x256xf32, #tpu.memory_space<vmem>>, vector<16xf32>,
    %add3A_593 = arith.addf %add3A_588, %get3A_592 : vector<16xf32>
    %get3A_594 = arith.constant 4 : i32
    %get3A_595 = arith.index_cast %get3A_594 : i32 to index
    %get3A_596 = arith.constant 112 : index
    %get3A_597 = tpu.vector_load %arg8[%get3A_595, %get3A_596] {strides = array<i32>} : memref<16x256xf32, #tpu.memory_space<vmem>>, vector<16xf32>,
    %add3A_598 = arith.addf %add3A_593, %get3A_597 : vector<16xf32>
    %get3A_599 = arith.constant 5 : i32
    %get3A_600 = arith.index_cast %get3A_599 : i32 to index
    %get3A_601 = arith.constant 112 : index
    %get3A_602 = tpu.vector_load %arg8[%get3A_600, %get3A_601] {strides = array<i32>} : memref<16x256xf32, #tpu.memory_space<vmem>>, vector<16xf32>,
    %add3A_603 = arith.addf %add3A_598, %get3A_602 : vector<16xf32>
    %get3A_604 = arith.constant 6 : i32
    %get3A_605 = arith.index_cast %get3A_604 : i32 to index
    %get3A_606 = arith.constant 112 : index
    %get3A_607 = tpu.vector_load %arg8[%get3A_605, %get3A_606] {strides = array<i32>} : memref<16x256xf32, #tpu.memory_space<vmem>>, vector<16xf32>,
    %add3A_608 = arith.addf %add3A_603, %get3A_607 : vector<16xf32>
    %get3A_609 = arith.constant 7 : i32
    %get3A_610 = arith.index_cast %get3A_609 : i32 to index
    %get3A_611 = arith.constant 112 : index
    %get3A_612 = tpu.vector_load %arg8[%get3A_610, %get3A_611] {strides = array<i32>} : memref<16x256xf32, #tpu.memory_space<vmem>>, vector<16xf32>,
    %add3A_613 = arith.addf %add3A_608, %get3A_612 : vector<16xf32>
    %get3A_614 = arith.constant 8 : i32
    %get3A_615 = arith.index_cast %get3A_614 : i32 to index
    %get3A_616 = arith.constant 112 : index
    %get3A_617 = tpu.vector_load %arg8[%get3A_615, %get3A_616] {strides = array<i32>} : memref<16x256xf32, #tpu.memory_space<vmem>>, vector<16xf32>,
    %add3A_618 = arith.addf %add3A_613, %get3A_617 : vector<16xf32>
    %get3A_619 = arith.constant 9 : i32
    %get3A_620 = arith.index_cast %get3A_619 : i32 to index
    %get3A_621 = arith.constant 112 : index
    %get3A_622 = tpu.vector_load %arg8[%get3A_620, %get3A_621] {strides = array<i32>} : memref<16x256xf32, #tpu.memory_space<vmem>>, vector<16xf32>,
    %add3A_623 = arith.addf %add3A_618, %get3A_622 : vector<16xf32>
    %get3A_624 = arith.constant 10 : i32
    %get3A_625 = arith.index_cast %get3A_624 : i32 to index
    %get3A_626 = arith.constant 112 : index
    %get3A_627 = tpu.vector_load %arg8[%get3A_625, %get3A_626] {strides = array<i32>} : memref<16x256xf32, #tpu.memory_space<vmem>>, vector<16xf32>,
    %add3A_628 = arith.addf %add3A_623, %get3A_627 : vector<16xf32>
    %get3A_629 = arith.constant 11 : i32
    %get3A_630 = arith.index_cast %get3A_629 : i32 to index
    %get3A_631 = arith.constant 112 : index
    %get3A_632 = tpu.vector_load %arg8[%get3A_630, %get3A_631] {strides = array<i32>} : memref<16x256xf32, #tpu.memory_space<vmem>>, vector<16xf32>,
    %add3A_633 = arith.addf %add3A_628, %get3A_632 : vector<16xf32>
    %get3A_634 = arith.constant 12 : i32
    %get3A_635 = arith.index_cast %get3A_634 : i32 to index
    %get3A_636 = arith.constant 112 : index
    %get3A_637 = tpu.vector_load %arg8[%get3A_635, %get3A_636] {strides = array<i32>} : memref<16x256xf32, #tpu.memory_space<vmem>>, vector<16xf32>,
    %add3A_638 = arith.addf %add3A_633, %get3A_637 : vector<16xf32>
    %get3A_639 = arith.constant 13 : i32
    %get3A_640 = arith.index_cast %get3A_639 : i32 to index
    %get3A_641 = arith.constant 112 : index
    %get3A_642 = tpu.vector_load %arg8[%get3A_640, %get3A_641] {strides = array<i32>} : memref<16x256xf32, #tpu.memory_space<vmem>>, vector<16xf32>,
    %add3A_643 = arith.addf %add3A_638, %get3A_642 : vector<16xf32>
    %get3A_644 = arith.constant 14 : i32
    %get3A_645 = arith.index_cast %get3A_644 : i32 to index
    %get3A_646 = arith.constant 112 : index
    %get3A_647 = tpu.vector_load %arg8[%get3A_645, %get3A_646] {strides = array<i32>} : memref<16x256xf32, #tpu.memory_space<vmem>>, vector<16xf32>,
    %add3A_648 = arith.addf %add3A_643, %get3A_647 : vector<16xf32>
    %get3A_649 = arith.constant 15 : i32
    %get3A_650 = arith.index_cast %get3A_649 : i32 to index
    %get3A_651 = arith.constant 112 : index
    %get3A_652 = tpu.vector_load %arg8[%get3A_650, %get3A_651] {strides = array<i32>} : memref<16x256xf32, #tpu.memory_space<vmem>>, vector<16xf32>,
    %add3A_653 = arith.addf %add3A_648, %get3A_652 : vector<16xf32>
    %swap3A_654 = arith.constant 112 : index
    %swap3A_655 = tpu.vector_load %arg9[%swap3A_654] {strides = array<i32>} : memref<256xf32, #tpu.memory_space<vmem>>, vector<16xf32>,
    tpu.vector_store %arg9[%swap3A_654], %add3A_653 {strides = array<i32>} : memref<256xf32, #tpu.memory_space<vmem>>, vector<16xf32>,
    %get3A_656 = arith.constant 0 : i32
    %get3A_657 = arith.index_cast %get3A_656 : i32 to index
    %get3A_658 = arith.constant 128 : index
    %get3A_659 = tpu.vector_load %arg8[%get3A_657, %get3A_658] {strides = array<i32>} : memref<16x256xf32, #tpu.memory_space<vmem>>, vector<16xf32>,
    %get3A_660 = arith.constant 1 : i32
    %get3A_661 = arith.index_cast %get3A_660 : i32 to index
    %get3A_662 = arith.constant 128 : index
    %get3A_663 = tpu.vector_load %arg8[%get3A_661, %get3A_662] {strides = array<i32>} : memref<16x256xf32, #tpu.memory_space<vmem>>, vector<16xf32>,
    %add3A_664 = arith.addf %get3A_659, %get3A_663 : vector<16xf32>
    %get3A_665 = arith.constant 2 : i32
    %get3A_666 = arith.index_cast %get3A_665 : i32 to index
    %get3A_667 = arith.constant 128 : index
    %get3A_668 = tpu.vector_load %arg8[%get3A_666, %get3A_667] {strides = array<i32>} : memref<16x256xf32, #tpu.memory_space<vmem>>, vector<16xf32>,
    %add3A_669 = arith.addf %add3A_664, %get3A_668 : vector<16xf32>
    %get3A_670 = arith.constant 3 : i32
    %get3A_671 = arith.index_cast %get3A_670 : i32 to index
    %get3A_672 = arith.constant 128 : index
    %get3A_673 = tpu.vector_load %arg8[%get3A_671, %get3A_672] {strides = array<i32>} : memref<16x256xf32, #tpu.memory_space<vmem>>, vector<16xf32>,
    %add3A_674 = arith.addf %add3A_669, %get3A_673 : vector<16xf32>
    %get3A_675 = arith.constant 4 : i32
    %get3A_676 = arith.index_cast %get3A_675 : i32 to index
    %get3A_677 = arith.constant 128 : index
    %get3A_678 = tpu.vector_load %arg8[%get3A_676, %get3A_677] {strides = array<i32>} : memref<16x256xf32, #tpu.memory_space<vmem>>, vector<16xf32>,
    %add3A_679 = arith.addf %add3A_674, %get3A_678 : vector<16xf32>
    %get3A_680 = arith.constant 5 : i32
    %get3A_681 = arith.index_cast %get3A_680 : i32 to index
    %get3A_682 = arith.constant 128 : index
    %get3A_683 = tpu.vector_load %arg8[%get3A_681, %get3A_682] {strides = array<i32>} : memref<16x256xf32, #tpu.memory_space<vmem>>, vector<16xf32>,
    %add3A_684 = arith.addf %add3A_679, %get3A_683 : vector<16xf32>
    %get3A_685 = arith.constant 6 : i32
    %get3A_686 = arith.index_cast %get3A_685 : i32 to index
    %get3A_687 = arith.constant 128 : index
    %get3A_688 = tpu.vector_load %arg8[%get3A_686, %get3A_687] {strides = array<i32>} : memref<16x256xf32, #tpu.memory_space<vmem>>, vector<16xf32>,
    %add3A_689 = arith.addf %add3A_684, %get3A_688 : vector<16xf32>
    %get3A_690 = arith.constant 7 : i32
    %get3A_691 = arith.index_cast %get3A_690 : i32 to index
    %get3A_692 = arith.constant 128 : index
    %get3A_693 = tpu.vector_load %arg8[%get3A_691, %get3A_692] {strides = array<i32>} : memref<16x256xf32, #tpu.memory_space<vmem>>, vector<16xf32>,
    %add3A_694 = arith.addf %add3A_689, %get3A_693 : vector<16xf32>
    %get3A_695 = arith.constant 8 : i32
    %get3A_696 = arith.index_cast %get3A_695 : i32 to index
    %get3A_697 = arith.constant 128 : index
    %get3A_698 = tpu.vector_load %arg8[%get3A_696, %get3A_697] {strides = array<i32>} : memref<16x256xf32, #tpu.memory_space<vmem>>, vector<16xf32>,
    %add3A_699 = arith.addf %add3A_694, %get3A_698 : vector<16xf32>
    %get3A_700 = arith.constant 9 : i32
    %get3A_701 = arith.index_cast %get3A_700 : i32 to index
    %get3A_702 = arith.constant 128 : index
    %get3A_703 = tpu.vector_load %arg8[%get3A_701, %get3A_702] {strides = array<i32>} : memref<16x256xf32, #tpu.memory_space<vmem>>, vector<16xf32>,
    %add3A_704 = arith.addf %add3A_699, %get3A_703 : vector<16xf32>
    %get3A_705 = arith.constant 10 : i32
    %get3A_706 = arith.index_cast %get3A_705 : i32 to index
    %get3A_707 = arith.constant 128 : index
    %get3A_708 = tpu.vector_load %arg8[%get3A_706, %get3A_707] {strides = array<i32>} : memref<16x256xf32, #tpu.memory_space<vmem>>, vector<16xf32>,
    %add3A_709 = arith.addf %add3A_704, %get3A_708 : vector<16xf32>
    %get3A_710 = arith.constant 11 : i32
    %get3A_711 = arith.index_cast %get3A_710 : i32 to index
    %get3A_712 = arith.constant 128 : index
    %get3A_713 = tpu.vector_load %arg8[%get3A_711, %get3A_712] {strides = array<i32>} : memref<16x256xf32, #tpu.memory_space<vmem>>, vector<16xf32>,
    %add3A_714 = arith.addf %add3A_709, %get3A_713 : vector<16xf32>
    %get3A_715 = arith.constant 12 : i32
    %get3A_716 = arith.index_cast %get3A_715 : i32 to index
    %get3A_717 = arith.constant 128 : index
    %get3A_718 = tpu.vector_load %arg8[%get3A_716, %get3A_717] {strides = array<i32>} : memref<16x256xf32, #tpu.memory_space<vmem>>, vector<16xf32>,
    %add3A_719 = arith.addf %add3A_714, %get3A_718 : vector<16xf32>
    %get3A_720 = arith.constant 13 : i32
    %get3A_721 = arith.index_cast %get3A_720 : i32 to index
    %get3A_722 = arith.constant 128 : index
    %get3A_723 = tpu.vector_load %arg8[%get3A_721, %get3A_722] {strides = array<i32>} : memref<16x256xf32, #tpu.memory_space<vmem>>, vector<16xf32>,
    %add3A_724 = arith.addf %add3A_719, %get3A_723 : vector<16xf32>
    %get3A_725 = arith.constant 14 : i32
    %get3A_726 = arith.index_cast %get3A_725 : i32 to index
    %get3A_727 = arith.constant 128 : index
    %get3A_728 = tpu.vector_load %arg8[%get3A_726, %get3A_727] {strides = array<i32>} : memref<16x256xf32, #tpu.memory_space<vmem>>, vector<16xf32>,
    %add3A_729 = arith.addf %add3A_724, %get3A_728 : vector<16xf32>
    %get3A_730 = arith.constant 15 : i32
    %get3A_731 = arith.index_cast %get3A_730 : i32 to index
    %get3A_732 = arith.constant 128 : index
    %get3A_733 = tpu.vector_load %arg8[%get3A_731, %get3A_732] {strides = array<i32>} : memref<16x256xf32, #tpu.memory_space<vmem>>, vector<16xf32>,
    %add3A_734 = arith.addf %add3A_729, %get3A_733 : vector<16xf32>
    %swap3A_735 = arith.constant 128 : index
    %swap3A_736 = tpu.vector_load %arg9[%swap3A_735] {strides = array<i32>} : memref<256xf32, #tpu.memory_space<vmem>>, vector<16xf32>,
    tpu.vector_store %arg9[%swap3A_735], %add3A_734 {strides = array<i32>} : memref<256xf32, #tpu.memory_space<vmem>>, vector<16xf32>,
    %get3A_737 = arith.constant 0 : i32
    %get3A_738 = arith.index_cast %get3A_737 : i32 to index
    %get3A_739 = arith.constant 144 : index
    %get3A_740 = tpu.vector_load %arg8[%get3A_738, %get3A_739] {strides = array<i32>} : memref<16x256xf32, #tpu.memory_space<vmem>>, vector<16xf32>,
    %get3A_741 = arith.constant 1 : i32
    %get3A_742 = arith.index_cast %get3A_741 : i32 to index
    %get3A_743 = arith.constant 144 : index
    %get3A_744 = tpu.vector_load %arg8[%get3A_742, %get3A_743] {strides = array<i32>} : memref<16x256xf32, #tpu.memory_space<vmem>>, vector<16xf32>,
    %add3A_745 = arith.addf %get3A_740, %get3A_744 : vector<16xf32>
    %get3A_746 = arith.constant 2 : i32
    %get3A_747 = arith.index_cast %get3A_746 : i32 to index
    %get3A_748 = arith.constant 144 : index
    %get3A_749 = tpu.vector_load %arg8[%get3A_747, %get3A_748] {strides = array<i32>} : memref<16x256xf32, #tpu.memory_space<vmem>>, vector<16xf32>,
    %add3A_750 = arith.addf %add3A_745, %get3A_749 : vector<16xf32>
    %get3A_751 = arith.constant 3 : i32
    %get3A_752 = arith.index_cast %get3A_751 : i32 to index
    %get3A_753 = arith.constant 144 : index
    %get3A_754 = tpu.vector_load %arg8[%get3A_752, %get3A_753] {strides = array<i32>} : memref<16x256xf32, #tpu.memory_space<vmem>>, vector<16xf32>,
    %add3A_755 = arith.addf %add3A_750, %get3A_754 : vector<16xf32>
    %get3A_756 = arith.constant 4 : i32
    %get3A_757 = arith.index_cast %get3A_756 : i32 to index
    %get3A_758 = arith.constant 144 : index
    %get3A_759 = tpu.vector_load %arg8[%get3A_757, %get3A_758] {strides = array<i32>} : memref<16x256xf32, #tpu.memory_space<vmem>>, vector<16xf32>,
    %add3A_760 = arith.addf %add3A_755, %get3A_759 : vector<16xf32>
    %get3A_761 = arith.constant 5 : i32
    %get3A_762 = arith.index_cast %get3A_761 : i32 to index
    %get3A_763 = arith.constant 144 : index
    %get3A_764 = tpu.vector_load %arg8[%get3A_762, %get3A_763] {strides = array<i32>} : memref<16x256xf32, #tpu.memory_space<vmem>>, vector<16xf32>,
    %add3A_765 = arith.addf %add3A_760, %get3A_764 : vector<16xf32>
    %get3A_766 = arith.constant 6 : i32
    %get3A_767 = arith.index_cast %get3A_766 : i32 to index
    %get3A_768 = arith.constant 144 : index
    %get3A_769 = tpu.vector_load %arg8[%get3A_767, %get3A_768] {strides = array<i32>} : memref<16x256xf32, #tpu.memory_space<vmem>>, vector<16xf32>,
    %add3A_770 = arith.addf %add3A_765, %get3A_769 : vector<16xf32>
    %get3A_771 = arith.constant 7 : i32
    %get3A_772 = arith.index_cast %get3A_771 : i32 to index
    %get3A_773 = arith.constant 144 : index
    %get3A_774 = tpu.vector_load %arg8[%get3A_772, %get3A_773] {strides = array<i32>} : memref<16x256xf32, #tpu.memory_space<vmem>>, vector<16xf32>,
    %add3A_775 = arith.addf %add3A_770, %get3A_774 : vector<16xf32>
    %get3A_776 = arith.constant 8 : i32
    %get3A_777 = arith.index_cast %get3A_776 : i32 to index
    %get3A_778 = arith.constant 144 : index
    %get3A_779 = tpu.vector_load %arg8[%get3A_777, %get3A_778] {strides = array<i32>} : memref<16x256xf32, #tpu.memory_space<vmem>>, vector<16xf32>,
    %add3A_780 = arith.addf %add3A_775, %get3A_779 : vector<16xf32>
    %get3A_781 = arith.constant 9 : i32
    %get3A_782 = arith.index_cast %get3A_781 : i32 to index
    %get3A_783 = arith.constant 144 : index
    %get3A_784 = tpu.vector_load %arg8[%get3A_782, %get3A_783] {strides = array<i32>} : memref<16x256xf32, #tpu.memory_space<vmem>>, vector<16xf32>,
    %add3A_785 = arith.addf %add3A_780, %get3A_784 : vector<16xf32>
    %get3A_786 = arith.constant 10 : i32
    %get3A_787 = arith.index_cast %get3A_786 : i32 to index
    %get3A_788 = arith.constant 144 : index
    %get3A_789 = tpu.vector_load %arg8[%get3A_787, %get3A_788] {strides = array<i32>} : memref<16x256xf32, #tpu.memory_space<vmem>>, vector<16xf32>,
    %add3A_790 = arith.addf %add3A_785, %get3A_789 : vector<16xf32>
    %get3A_791 = arith.constant 11 : i32
    %get3A_792 = arith.index_cast %get3A_791 : i32 to index
    %get3A_793 = arith.constant 144 : index
    %get3A_794 = tpu.vector_load %arg8[%get3A_792, %get3A_793] {strides = array<i32>} : memref<16x256xf32, #tpu.memory_space<vmem>>, vector<16xf32>,
    %add3A_795 = arith.addf %add3A_790, %get3A_794 : vector<16xf32>
    %get3A_796 = arith.constant 12 : i32
    %get3A_797 = arith.index_cast %get3A_796 : i32 to index
    %get3A_798 = arith.constant 144 : index
    %get3A_799 = tpu.vector_load %arg8[%get3A_797, %get3A_798] {strides = array<i32>} : memref<16x256xf32, #tpu.memory_space<vmem>>, vector<16xf32>,
    %add3A_800 = arith.addf %add3A_795, %get3A_799 : vector<16xf32>
    %get3A_801 = arith.constant 13 : i32
    %get3A_802 = arith.index_cast %get3A_801 : i32 to index
    %get3A_803 = arith.constant 144 : index
    %get3A_804 = tpu.vector_load %arg8[%get3A_802, %get3A_803] {strides = array<i32>} : memref<16x256xf32, #tpu.memory_space<vmem>>, vector<16xf32>,
    %add3A_805 = arith.addf %add3A_800, %get3A_804 : vector<16xf32>
    %get3A_806 = arith.constant 14 : i32
    %get3A_807 = arith.index_cast %get3A_806 : i32 to index
    %get3A_808 = arith.constant 144 : index
    %get3A_809 = tpu.vector_load %arg8[%get3A_807, %get3A_808] {strides = array<i32>} : memref<16x256xf32, #tpu.memory_space<vmem>>, vector<16xf32>,
    %add3A_810 = arith.addf %add3A_805, %get3A_809 : vector<16xf32>
    %get3A_811 = arith.constant 15 : i32
    %get3A_812 = arith.index_cast %get3A_811 : i32 to index
    %get3A_813 = arith.constant 144 : index
    %get3A_814 = tpu.vector_load %arg8[%get3A_812, %get3A_813] {strides = array<i32>} : memref<16x256xf32, #tpu.memory_space<vmem>>, vector<16xf32>,
    %add3A_815 = arith.addf %add3A_810, %get3A_814 : vector<16xf32>
    %swap3A_816 = arith.constant 144 : index
    %swap3A_817 = tpu.vector_load %arg9[%swap3A_816] {strides = array<i32>} : memref<256xf32, #tpu.memory_space<vmem>>, vector<16xf32>,
    tpu.vector_store %arg9[%swap3A_816], %add3A_815 {strides = array<i32>} : memref<256xf32, #tpu.memory_space<vmem>>, vector<16xf32>,
    %get3A_818 = arith.constant 0 : i32
    %get3A_819 = arith.index_cast %get3A_818 : i32 to index
    %get3A_820 = arith.constant 160 : index
    %get3A_821 = tpu.vector_load %arg8[%get3A_819, %get3A_820] {strides = array<i32>} : memref<16x256xf32, #tpu.memory_space<vmem>>, vector<16xf32>,
    %get3A_822 = arith.constant 1 : i32
    %get3A_823 = arith.index_cast %get3A_822 : i32 to index
    %get3A_824 = arith.constant 160 : index
    %get3A_825 = tpu.vector_load %arg8[%get3A_823, %get3A_824] {strides = array<i32>} : memref<16x256xf32, #tpu.memory_space<vmem>>, vector<16xf32>,
    %add3A_826 = arith.addf %get3A_821, %get3A_825 : vector<16xf32>
    %get3A_827 = arith.constant 2 : i32
    %get3A_828 = arith.index_cast %get3A_827 : i32 to index
    %get3A_829 = arith.constant 160 : index
    %get3A_830 = tpu.vector_load %arg8[%get3A_828, %get3A_829] {strides = array<i32>} : memref<16x256xf32, #tpu.memory_space<vmem>>, vector<16xf32>,
    %add3A_831 = arith.addf %add3A_826, %get3A_830 : vector<16xf32>
    %get3A_832 = arith.constant 3 : i32
    %get3A_833 = arith.index_cast %get3A_832 : i32 to index
    %get3A_834 = arith.constant 160 : index
    %get3A_835 = tpu.vector_load %arg8[%get3A_833, %get3A_834] {strides = array<i32>} : memref<16x256xf32, #tpu.memory_space<vmem>>, vector<16xf32>,
    %add3A_836 = arith.addf %add3A_831, %get3A_835 : vector<16xf32>
    %get3A_837 = arith.constant 4 : i32
    %get3A_838 = arith.index_cast %get3A_837 : i32 to index
    %get3A_839 = arith.constant 160 : index
    %get3A_840 = tpu.vector_load %arg8[%get3A_838, %get3A_839] {strides = array<i32>} : memref<16x256xf32, #tpu.memory_space<vmem>>, vector<16xf32>,
    %add3A_841 = arith.addf %add3A_836, %get3A_840 : vector<16xf32>
    %get3A_842 = arith.constant 5 : i32
    %get3A_843 = arith.index_cast %get3A_842 : i32 to index
    %get3A_844 = arith.constant 160 : index
    %get3A_845 = tpu.vector_load %arg8[%get3A_843, %get3A_844] {strides = array<i32>} : memref<16x256xf32, #tpu.memory_space<vmem>>, vector<16xf32>,
    %add3A_846 = arith.addf %add3A_841, %get3A_845 : vector<16xf32>
    %get3A_847 = arith.constant 6 : i32
    %get3A_848 = arith.index_cast %get3A_847 : i32 to index
    %get3A_849 = arith.constant 160 : index
    %get3A_850 = tpu.vector_load %arg8[%get3A_848, %get3A_849] {strides = array<i32>} : memref<16x256xf32, #tpu.memory_space<vmem>>, vector<16xf32>,
    %add3A_851 = arith.addf %add3A_846, %get3A_850 : vector<16xf32>
    %get3A_852 = arith.constant 7 : i32
    %get3A_853 = arith.index_cast %get3A_852 : i32 to index
    %get3A_854 = arith.constant 160 : index
    %get3A_855 = tpu.vector_load %arg8[%get3A_853, %get3A_854] {strides = array<i32>} : memref<16x256xf32, #tpu.memory_space<vmem>>, vector<16xf32>,
    %add3A_856 = arith.addf %add3A_851, %get3A_855 : vector<16xf32>
    %get3A_857 = arith.constant 8 : i32
    %get3A_858 = arith.index_cast %get3A_857 : i32 to index
    %get3A_859 = arith.constant 160 : index
    %get3A_860 = tpu.vector_load %arg8[%get3A_858, %get3A_859] {strides = array<i32>} : memref<16x256xf32, #tpu.memory_space<vmem>>, vector<16xf32>,
    %add3A_861 = arith.addf %add3A_856, %get3A_860 : vector<16xf32>
    %get3A_862 = arith.constant 9 : i32
    %get3A_863 = arith.index_cast %get3A_862 : i32 to index
    %get3A_864 = arith.constant 160 : index
    %get3A_865 = tpu.vector_load %arg8[%get3A_863, %get3A_864] {strides = array<i32>} : memref<16x256xf32, #tpu.memory_space<vmem>>, vector<16xf32>,
    %add3A_866 = arith.addf %add3A_861, %get3A_865 : vector<16xf32>
    %get3A_867 = arith.constant 10 : i32
    %get3A_868 = arith.index_cast %get3A_867 : i32 to index
    %get3A_869 = arith.constant 160 : index
    %get3A_870 = tpu.vector_load %arg8[%get3A_868, %get3A_869] {strides = array<i32>} : memref<16x256xf32, #tpu.memory_space<vmem>>, vector<16xf32>,
    %add3A_871 = arith.addf %add3A_866, %get3A_870 : vector<16xf32>
    %get3A_872 = arith.constant 11 : i32
    %get3A_873 = arith.index_cast %get3A_872 : i32 to index
    %get3A_874 = arith.constant 160 : index
    %get3A_875 = tpu.vector_load %arg8[%get3A_873, %get3A_874] {strides = array<i32>} : memref<16x256xf32, #tpu.memory_space<vmem>>, vector<16xf32>,
    %add3A_876 = arith.addf %add3A_871, %get3A_875 : vector<16xf32>
    %get3A_877 = arith.constant 12 : i32
    %get3A_878 = arith.index_cast %get3A_877 : i32 to index
    %get3A_879 = arith.constant 160 : index
    %get3A_880 = tpu.vector_load %arg8[%get3A_878, %get3A_879] {strides = array<i32>} : memref<16x256xf32, #tpu.memory_space<vmem>>, vector<16xf32>,
    %add3A_881 = arith.addf %add3A_876, %get3A_880 : vector<16xf32>
    %get3A_882 = arith.constant 13 : i32
    %get3A_883 = arith.index_cast %get3A_882 : i32 to index
    %get3A_884 = arith.constant 160 : index
    %get3A_885 = tpu.vector_load %arg8[%get3A_883, %get3A_884] {strides = array<i32>} : memref<16x256xf32, #tpu.memory_space<vmem>>, vector<16xf32>,
    %add3A_886 = arith.addf %add3A_881, %get3A_885 : vector<16xf32>
    %get3A_887 = arith.constant 14 : i32
    %get3A_888 = arith.index_cast %get3A_887 : i32 to index
    %get3A_889 = arith.constant 160 : index
    %get3A_890 = tpu.vector_load %arg8[%get3A_888, %get3A_889] {strides = array<i32>} : memref<16x256xf32, #tpu.memory_space<vmem>>, vector<16xf32>,
    %add3A_891 = arith.addf %add3A_886, %get3A_890 : vector<16xf32>
    %get3A_892 = arith.constant 15 : i32
    %get3A_893 = arith.index_cast %get3A_892 : i32 to index
    %get3A_894 = arith.constant 160 : index
    %get3A_895 = tpu.vector_load %arg8[%get3A_893, %get3A_894] {strides = array<i32>} : memref<16x256xf32, #tpu.memory_space<vmem>>, vector<16xf32>,
    %add3A_896 = arith.addf %add3A_891, %get3A_895 : vector<16xf32>
    %swap3A_897 = arith.constant 160 : index
    %swap3A_898 = tpu.vector_load %arg9[%swap3A_897] {strides = array<i32>} : memref<256xf32, #tpu.memory_space<vmem>>, vector<16xf32>,
    tpu.vector_store %arg9[%swap3A_897], %add3A_896 {strides = array<i32>} : memref<256xf32, #tpu.memory_space<vmem>>, vector<16xf32>,
    %get3A_899 = arith.constant 0 : i32
    %get3A_900 = arith.index_cast %get3A_899 : i32 to index
    %get3A_901 = arith.constant 176 : index
    %get3A_902 = tpu.vector_load %arg8[%get3A_900, %get3A_901] {strides = array<i32>} : memref<16x256xf32, #tpu.memory_space<vmem>>, vector<16xf32>,
    %get3A_903 = arith.constant 1 : i32
    %get3A_904 = arith.index_cast %get3A_903 : i32 to index
    %get3A_905 = arith.constant 176 : index
    %get3A_906 = tpu.vector_load %arg8[%get3A_904, %get3A_905] {strides = array<i32>} : memref<16x256xf32, #tpu.memory_space<vmem>>, vector<16xf32>,
    %add3A_907 = arith.addf %get3A_902, %get3A_906 : vector<16xf32>
    %get3A_908 = arith.constant 2 : i32
    %get3A_909 = arith.index_cast %get3A_908 : i32 to index
    %get3A_910 = arith.constant 176 : index
    %get3A_911 = tpu.vector_load %arg8[%get3A_909, %get3A_910] {strides = array<i32>} : memref<16x256xf32, #tpu.memory_space<vmem>>, vector<16xf32>,
    %add3A_912 = arith.addf %add3A_907, %get3A_911 : vector<16xf32>
    %get3A_913 = arith.constant 3 : i32
    %get3A_914 = arith.index_cast %get3A_913 : i32 to index
    %get3A_915 = arith.constant 176 : index
    %get3A_916 = tpu.vector_load %arg8[%get3A_914, %get3A_915] {strides = array<i32>} : memref<16x256xf32, #tpu.memory_space<vmem>>, vector<16xf32>,
    %add3A_917 = arith.addf %add3A_912, %get3A_916 : vector<16xf32>
    %get3A_918 = arith.constant 4 : i32
    %get3A_919 = arith.index_cast %get3A_918 : i32 to index
    %get3A_920 = arith.constant 176 : index
    %get3A_921 = tpu.vector_load %arg8[%get3A_919, %get3A_920] {strides = array<i32>} : memref<16x256xf32, #tpu.memory_space<vmem>>, vector<16xf32>,
    %add3A_922 = arith.addf %add3A_917, %get3A_921 : vector<16xf32>
    %get3A_923 = arith.constant 5 : i32
    %get3A_924 = arith.index_cast %get3A_923 : i32 to index
    %get3A_925 = arith.constant 176 : index
    %get3A_926 = tpu.vector_load %arg8[%get3A_924, %get3A_925] {strides = array<i32>} : memref<16x256xf32, #tpu.memory_space<vmem>>, vector<16xf32>,
    %add3A_927 = arith.addf %add3A_922, %get3A_926 : vector<16xf32>
    %get3A_928 = arith.constant 6 : i32
    %get3A_929 = arith.index_cast %get3A_928 : i32 to index
    %get3A_930 = arith.constant 176 : index
    %get3A_931 = tpu.vector_load %arg8[%get3A_929, %get3A_930] {strides = array<i32>} : memref<16x256xf32, #tpu.memory_space<vmem>>, vector<16xf32>,
    %add3A_932 = arith.addf %add3A_927, %get3A_931 : vector<16xf32>
    %get3A_933 = arith.constant 7 : i32
    %get3A_934 = arith.index_cast %get3A_933 : i32 to index
    %get3A_935 = arith.constant 176 : index
    %get3A_936 = tpu.vector_load %arg8[%get3A_934, %get3A_935] {strides = array<i32>} : memref<16x256xf32, #tpu.memory_space<vmem>>, vector<16xf32>,
    %add3A_937 = arith.addf %add3A_932, %get3A_936 : vector<16xf32>
    %get3A_938 = arith.constant 8 : i32
    %get3A_939 = arith.index_cast %get3A_938 : i32 to index
    %get3A_940 = arith.constant 176 : index
    %get3A_941 = tpu.vector_load %arg8[%get3A_939, %get3A_940] {strides = array<i32>} : memref<16x256xf32, #tpu.memory_space<vmem>>, vector<16xf32>,
    %add3A_942 = arith.addf %add3A_937, %get3A_941 : vector<16xf32>
    %get3A_943 = arith.constant 9 : i32
    %get3A_944 = arith.index_cast %get3A_943 : i32 to index
    %get3A_945 = arith.constant 176 : index
    %get3A_946 = tpu.vector_load %arg8[%get3A_944, %get3A_945] {strides = array<i32>} : memref<16x256xf32, #tpu.memory_space<vmem>>, vector<16xf32>,
    %add3A_947 = arith.addf %add3A_942, %get3A_946 : vector<16xf32>
    %get3A_948 = arith.constant 10 : i32
    %get3A_949 = arith.index_cast %get3A_948 : i32 to index
    %get3A_950 = arith.constant 176 : index
    %get3A_951 = tpu.vector_load %arg8[%get3A_949, %get3A_950] {strides = array<i32>} : memref<16x256xf32, #tpu.memory_space<vmem>>, vector<16xf32>,
    %add3A_952 = arith.addf %add3A_947, %get3A_951 : vector<16xf32>
    %get3A_953 = arith.constant 11 : i32
    %get3A_954 = arith.index_cast %get3A_953 : i32 to index
    %get3A_955 = arith.constant 176 : index
    %get3A_956 = tpu.vector_load %arg8[%get3A_954, %get3A_955] {strides = array<i32>} : memref<16x256xf32, #tpu.memory_space<vmem>>, vector<16xf32>,
    %add3A_957 = arith.addf %add3A_952, %get3A_956 : vector<16xf32>
    %get3A_958 = arith.constant 12 : i32
    %get3A_959 = arith.index_cast %get3A_958 : i32 to index
    %get3A_960 = arith.constant 176 : index
    %get3A_961 = tpu.vector_load %arg8[%get3A_959, %get3A_960] {strides = array<i32>} : memref<16x256xf32, #tpu.memory_space<vmem>>, vector<16xf32>,
    %add3A_962 = arith.addf %add3A_957, %get3A_961 : vector<16xf32>
    %get3A_963 = arith.constant 13 : i32
    %get3A_964 = arith.index_cast %get3A_963 : i32 to index
    %get3A_965 = arith.constant 176 : index
    %get3A_966 = tpu.vector_load %arg8[%get3A_964, %get3A_965] {strides = array<i32>} : memref<16x256xf32, #tpu.memory_space<vmem>>, vector<16xf32>,
    %add3A_967 = arith.addf %add3A_962, %get3A_966 : vector<16xf32>
    %get3A_968 = arith.constant 14 : i32
    %get3A_969 = arith.index_cast %get3A_968 : i32 to index
    %get3A_970 = arith.constant 176 : index
    %get3A_971 = tpu.vector_load %arg8[%get3A_969, %get3A_970] {strides = array<i32>} : memref<16x256xf32, #tpu.memory_space<vmem>>, vector<16xf32>,
    %add3A_972 = arith.addf %add3A_967, %get3A_971 : vector<16xf32>
    %get3A_973 = arith.constant 15 : i32
    %get3A_974 = arith.index_cast %get3A_973 : i32 to index
    %get3A_975 = arith.constant 176 : index
    %get3A_976 = tpu.vector_load %arg8[%get3A_974, %get3A_975] {strides = array<i32>} : memref<16x256xf32, #tpu.memory_space<vmem>>, vector<16xf32>,
    %add3A_977 = arith.addf %add3A_972, %get3A_976 : vector<16xf32>
    %swap3A_978 = arith.constant 176 : index
    %swap3A_979 = tpu.vector_load %arg9[%swap3A_978] {strides = array<i32>} : memref<256xf32, #tpu.memory_space<vmem>>, vector<16xf32>,
    tpu.vector_store %arg9[%swap3A_978], %add3A_977 {strides = array<i32>} : memref<256xf32, #tpu.memory_space<vmem>>, vector<16xf32>,
    %get3A_980 = arith.constant 0 : i32
    %get3A_981 = arith.index_cast %get3A_980 : i32 to index
    %get3A_982 = arith.constant 192 : index
    %get3A_983 = tpu.vector_load %arg8[%get3A_981, %get3A_982] {strides = array<i32>} : memref<16x256xf32, #tpu.memory_space<vmem>>, vector<16xf32>,
    %get3A_984 = arith.constant 1 : i32
    %get3A_985 = arith.index_cast %get3A_984 : i32 to index
    %get3A_986 = arith.constant 192 : index
    %get3A_987 = tpu.vector_load %arg8[%get3A_985, %get3A_986] {strides = array<i32>} : memref<16x256xf32, #tpu.memory_space<vmem>>, vector<16xf32>,
    %add3A_988 = arith.addf %get3A_983, %get3A_987 : vector<16xf32>
    %get3A_989 = arith.constant 2 : i32
    %get3A_990 = arith.index_cast %get3A_989 : i32 to index
    %get3A_991 = arith.constant 192 : index
    %get3A_992 = tpu.vector_load %arg8[%get3A_990, %get3A_991] {strides = array<i32>} : memref<16x256xf32, #tpu.memory_space<vmem>>, vector<16xf32>,
    %add3A_993 = arith.addf %add3A_988, %get3A_992 : vector<16xf32>
    %get3A_994 = arith.constant 3 : i32
    %get3A_995 = arith.index_cast %get3A_994 : i32 to index
    %get3A_996 = arith.constant 192 : index
    %get3A_997 = tpu.vector_load %arg8[%get3A_995, %get3A_996] {strides = array<i32>} : memref<16x256xf32, #tpu.memory_space<vmem>>, vector<16xf32>,
    %add3A_998 = arith.addf %add3A_993, %get3A_997 : vector<16xf32>
    %get3A_999 = arith.constant 4 : i32
    %get3A_1000 = arith.index_cast %get3A_999 : i32 to index
    %get3A_1001 = arith.constant 192 : index
    %get3A_1002 = tpu.vector_load %arg8[%get3A_1000, %get3A_1001] {strides = array<i32>} : memref<16x256xf32, #tpu.memory_space<vmem>>, vector<16xf32>,
    %add3A_1003 = arith.addf %add3A_998, %get3A_1002 : vector<16xf32>
    %get3A_1004 = arith.constant 5 : i32
    %get3A_1005 = arith.index_cast %get3A_1004 : i32 to index
    %get3A_1006 = arith.constant 192 : index
    %get3A_1007 = tpu.vector_load %arg8[%get3A_1005, %get3A_1006] {strides = array<i32>} : memref<16x256xf32, #tpu.memory_space<vmem>>, vector<16xf32>,
    %add3A_1008 = arith.addf %add3A_1003, %get3A_1007 : vector<16xf32>
    %get3A_1009 = arith.constant 6 : i32
    %get3A_1010 = arith.index_cast %get3A_1009 : i32 to index
    %get3A_1011 = arith.constant 192 : index
    %get3A_1012 = tpu.vector_load %arg8[%get3A_1010, %get3A_1011] {strides = array<i32>} : memref<16x256xf32, #tpu.memory_space<vmem>>, vector<16xf32>,
    %add3A_1013 = arith.addf %add3A_1008, %get3A_1012 : vector<16xf32>
    %get3A_1014 = arith.constant 7 : i32
    %get3A_1015 = arith.index_cast %get3A_1014 : i32 to index
    %get3A_1016 = arith.constant 192 : index
    %get3A_1017 = tpu.vector_load %arg8[%get3A_1015, %get3A_1016] {strides = array<i32>} : memref<16x256xf32, #tpu.memory_space<vmem>>, vector<16xf32>,
    %add3A_1018 = arith.addf %add3A_1013, %get3A_1017 : vector<16xf32>
    %get3A_1019 = arith.constant 8 : i32
    %get3A_1020 = arith.index_cast %get3A_1019 : i32 to index
    %get3A_1021 = arith.constant 192 : index
    %get3A_1022 = tpu.vector_load %arg8[%get3A_1020, %get3A_1021] {strides = array<i32>} : memref<16x256xf32, #tpu.memory_space<vmem>>, vector<16xf32>,
    %add3A_1023 = arith.addf %add3A_1018, %get3A_1022 : vector<16xf32>
    %get3A_1024 = arith.constant 9 : i32
    %get3A_1025 = arith.index_cast %get3A_1024 : i32 to index
    %get3A_1026 = arith.constant 192 : index
    %get3A_1027 = tpu.vector_load %arg8[%get3A_1025, %get3A_1026] {strides = array<i32>} : memref<16x256xf32, #tpu.memory_space<vmem>>, vector<16xf32>,
    %add3A_1028 = arith.addf %add3A_1023, %get3A_1027 : vector<16xf32>
    %get3A_1029 = arith.constant 10 : i32
    %get3A_1030 = arith.index_cast %get3A_1029 : i32 to index
    %get3A_1031 = arith.constant 192 : index
    %get3A_1032 = tpu.vector_load %arg8[%get3A_1030, %get3A_1031] {strides = array<i32>} : memref<16x256xf32, #tpu.memory_space<vmem>>, vector<16xf32>,
    %add3A_1033 = arith.addf %add3A_1028, %get3A_1032 : vector<16xf32>
    %get3A_1034 = arith.constant 11 : i32
    %get3A_1035 = arith.index_cast %get3A_1034 : i32 to index
    %get3A_1036 = arith.constant 192 : index
    %get3A_1037 = tpu.vector_load %arg8[%get3A_1035, %get3A_1036] {strides = array<i32>} : memref<16x256xf32, #tpu.memory_space<vmem>>, vector<16xf32>,
    %add3A_1038 = arith.addf %add3A_1033, %get3A_1037 : vector<16xf32>
    %get3A_1039 = arith.constant 12 : i32
    %get3A_1040 = arith.index_cast %get3A_1039 : i32 to index
    %get3A_1041 = arith.constant 192 : index
    %get3A_1042 = tpu.vector_load %arg8[%get3A_1040, %get3A_1041] {strides = array<i32>} : memref<16x256xf32, #tpu.memory_space<vmem>>, vector<16xf32>,
    %add3A_1043 = arith.addf %add3A_1038, %get3A_1042 : vector<16xf32>
    %get3A_1044 = arith.constant 13 : i32
    %get3A_1045 = arith.index_cast %get3A_1044 : i32 to index
    %get3A_1046 = arith.constant 192 : index
    %get3A_1047 = tpu.vector_load %arg8[%get3A_1045, %get3A_1046] {strides = array<i32>} : memref<16x256xf32, #tpu.memory_space<vmem>>, vector<16xf32>,
    %add3A_1048 = arith.addf %add3A_1043, %get3A_1047 : vector<16xf32>
    %get3A_1049 = arith.constant 14 : i32
    %get3A_1050 = arith.index_cast %get3A_1049 : i32 to index
    %get3A_1051 = arith.constant 192 : index
    %get3A_1052 = tpu.vector_load %arg8[%get3A_1050, %get3A_1051] {strides = array<i32>} : memref<16x256xf32, #tpu.memory_space<vmem>>, vector<16xf32>,
    %add3A_1053 = arith.addf %add3A_1048, %get3A_1052 : vector<16xf32>
    %get3A_1054 = arith.constant 15 : i32
    %get3A_1055 = arith.index_cast %get3A_1054 : i32 to index
    %get3A_1056 = arith.constant 192 : index
    %get3A_1057 = tpu.vector_load %arg8[%get3A_1055, %get3A_1056] {strides = array<i32>} : memref<16x256xf32, #tpu.memory_space<vmem>>, vector<16xf32>,
    %add3A_1058 = arith.addf %add3A_1053, %get3A_1057 : vector<16xf32>
    %swap3A_1059 = arith.constant 192 : index
    %swap3A_1060 = tpu.vector_load %arg9[%swap3A_1059] {strides = array<i32>} : memref<256xf32, #tpu.memory_space<vmem>>, vector<16xf32>,
    tpu.vector_store %arg9[%swap3A_1059], %add3A_1058 {strides = array<i32>} : memref<256xf32, #tpu.memory_space<vmem>>, vector<16xf32>,
    %get3A_1061 = arith.constant 0 : i32
    %get3A_1062 = arith.index_cast %get3A_1061 : i32 to index
    %get3A_1063 = arith.constant 208 : index
    %get3A_1064 = tpu.vector_load %arg8[%get3A_1062, %get3A_1063] {strides = array<i32>} : memref<16x256xf32, #tpu.memory_space<vmem>>, vector<16xf32>,
    %get3A_1065 = arith.constant 1 : i32
    %get3A_1066 = arith.index_cast %get3A_1065 : i32 to index
    %get3A_1067 = arith.constant 208 : index
    %get3A_1068 = tpu.vector_load %arg8[%get3A_1066, %get3A_1067] {strides = array<i32>} : memref<16x256xf32, #tpu.memory_space<vmem>>, vector<16xf32>,
    %add3A_1069 = arith.addf %get3A_1064, %get3A_1068 : vector<16xf32>
    %get3A_1070 = arith.constant 2 : i32
    %get3A_1071 = arith.index_cast %get3A_1070 : i32 to index
    %get3A_1072 = arith.constant 208 : index
    %get3A_1073 = tpu.vector_load %arg8[%get3A_1071, %get3A_1072] {strides = array<i32>} : memref<16x256xf32, #tpu.memory_space<vmem>>, vector<16xf32>,
    %add3A_1074 = arith.addf %add3A_1069, %get3A_1073 : vector<16xf32>
    %get3A_1075 = arith.constant 3 : i32
    %get3A_1076 = arith.index_cast %get3A_1075 : i32 to index
    %get3A_1077 = arith.constant 208 : index
    %get3A_1078 = tpu.vector_load %arg8[%get3A_1076, %get3A_1077] {strides = array<i32>} : memref<16x256xf32, #tpu.memory_space<vmem>>, vector<16xf32>,
    %add3A_1079 = arith.addf %add3A_1074, %get3A_1078 : vector<16xf32>
    %get3A_1080 = arith.constant 4 : i32
    %get3A_1081 = arith.index_cast %get3A_1080 : i32 to index
    %get3A_1082 = arith.constant 208 : index
    %get3A_1083 = tpu.vector_load %arg8[%get3A_1081, %get3A_1082] {strides = array<i32>} : memref<16x256xf32, #tpu.memory_space<vmem>>, vector<16xf32>,
    %add3A_1084 = arith.addf %add3A_1079, %get3A_1083 : vector<16xf32>
    %get3A_1085 = arith.constant 5 : i32
    %get3A_1086 = arith.index_cast %get3A_1085 : i32 to index
    %get3A_1087 = arith.constant 208 : index
    %get3A_1088 = tpu.vector_load %arg8[%get3A_1086, %get3A_1087] {strides = array<i32>} : memref<16x256xf32, #tpu.memory_space<vmem>>, vector<16xf32>,
    %add3A_1089 = arith.addf %add3A_1084, %get3A_1088 : vector<16xf32>
    %get3A_1090 = arith.constant 6 : i32
    %get3A_1091 = arith.index_cast %get3A_1090 : i32 to index
    %get3A_1092 = arith.constant 208 : index
    %get3A_1093 = tpu.vector_load %arg8[%get3A_1091, %get3A_1092] {strides = array<i32>} : memref<16x256xf32, #tpu.memory_space<vmem>>, vector<16xf32>,
    %add3A_1094 = arith.addf %add3A_1089, %get3A_1093 : vector<16xf32>
    %get3A_1095 = arith.constant 7 : i32
    %get3A_1096 = arith.index_cast %get3A_1095 : i32 to index
    %get3A_1097 = arith.constant 208 : index
    %get3A_1098 = tpu.vector_load %arg8[%get3A_1096, %get3A_1097] {strides = array<i32>} : memref<16x256xf32, #tpu.memory_space<vmem>>, vector<16xf32>,
    %add3A_1099 = arith.addf %add3A_1094, %get3A_1098 : vector<16xf32>
    %get3A_1100 = arith.constant 8 : i32
    %get3A_1101 = arith.index_cast %get3A_1100 : i32 to index
    %get3A_1102 = arith.constant 208 : index
    %get3A_1103 = tpu.vector_load %arg8[%get3A_1101, %get3A_1102] {strides = array<i32>} : memref<16x256xf32, #tpu.memory_space<vmem>>, vector<16xf32>,
    %add3A_1104 = arith.addf %add3A_1099, %get3A_1103 : vector<16xf32>
    %get3A_1105 = arith.constant 9 : i32
    %get3A_1106 = arith.index_cast %get3A_1105 : i32 to index
    %get3A_1107 = arith.constant 208 : index
    %get3A_1108 = tpu.vector_load %arg8[%get3A_1106, %get3A_1107] {strides = array<i32>} : memref<16x256xf32, #tpu.memory_space<vmem>>, vector<16xf32>,
    %add3A_1109 = arith.addf %add3A_1104, %get3A_1108 : vector<16xf32>
    %get3A_1110 = arith.constant 10 : i32
    %get3A_1111 = arith.index_cast %get3A_1110 : i32 to index
    %get3A_1112 = arith.constant 208 : index
    %get3A_1113 = tpu.vector_load %arg8[%get3A_1111, %get3A_1112] {strides = array<i32>} : memref<16x256xf32, #tpu.memory_space<vmem>>, vector<16xf32>,
    %add3A_1114 = arith.addf %add3A_1109, %get3A_1113 : vector<16xf32>
    %get3A_1115 = arith.constant 11 : i32
    %get3A_1116 = arith.index_cast %get3A_1115 : i32 to index
    %get3A_1117 = arith.constant 208 : index
    %get3A_1118 = tpu.vector_load %arg8[%get3A_1116, %get3A_1117] {strides = array<i32>} : memref<16x256xf32, #tpu.memory_space<vmem>>, vector<16xf32>,
    %add3A_1119 = arith.addf %add3A_1114, %get3A_1118 : vector<16xf32>
    %get3A_1120 = arith.constant 12 : i32
    %get3A_1121 = arith.index_cast %get3A_1120 : i32 to index
    %get3A_1122 = arith.constant 208 : index
    %get3A_1123 = tpu.vector_load %arg8[%get3A_1121, %get3A_1122] {strides = array<i32>} : memref<16x256xf32, #tpu.memory_space<vmem>>, vector<16xf32>,
    %add3A_1124 = arith.addf %add3A_1119, %get3A_1123 : vector<16xf32>
    %get3A_1125 = arith.constant 13 : i32
    %get3A_1126 = arith.index_cast %get3A_1125 : i32 to index
    %get3A_1127 = arith.constant 208 : index
    %get3A_1128 = tpu.vector_load %arg8[%get3A_1126, %get3A_1127] {strides = array<i32>} : memref<16x256xf32, #tpu.memory_space<vmem>>, vector<16xf32>,
    %add3A_1129 = arith.addf %add3A_1124, %get3A_1128 : vector<16xf32>
    %get3A_1130 = arith.constant 14 : i32
    %get3A_1131 = arith.index_cast %get3A_1130 : i32 to index
    %get3A_1132 = arith.constant 208 : index
    %get3A_1133 = tpu.vector_load %arg8[%get3A_1131, %get3A_1132] {strides = array<i32>} : memref<16x256xf32, #tpu.memory_space<vmem>>, vector<16xf32>,
    %add3A_1134 = arith.addf %add3A_1129, %get3A_1133 : vector<16xf32>
    %get3A_1135 = arith.constant 15 : i32
    %get3A_1136 = arith.index_cast %get3A_1135 : i32 to index
    %get3A_1137 = arith.constant 208 : index
    %get3A_1138 = tpu.vector_load %arg8[%get3A_1136, %get3A_1137] {strides = array<i32>} : memref<16x256xf32, #tpu.memory_space<vmem>>, vector<16xf32>,
    %add3A_1139 = arith.addf %add3A_1134, %get3A_1138 : vector<16xf32>
    %swap3A_1140 = arith.constant 208 : index
    %swap3A_1141 = tpu.vector_load %arg9[%swap3A_1140] {strides = array<i32>} : memref<256xf32, #tpu.memory_space<vmem>>, vector<16xf32>,
    tpu.vector_store %arg9[%swap3A_1140], %add3A_1139 {strides = array<i32>} : memref<256xf32, #tpu.memory_space<vmem>>, vector<16xf32>,
    %get3A_1142 = arith.constant 0 : i32
    %get3A_1143 = arith.index_cast %get3A_1142 : i32 to index
    %get3A_1144 = arith.constant 224 : index
    %get3A_1145 = tpu.vector_load %arg8[%get3A_1143, %get3A_1144] {strides = array<i32>} : memref<16x256xf32, #tpu.memory_space<vmem>>, vector<16xf32>,
    %get3A_1146 = arith.constant 1 : i32
    %get3A_1147 = arith.index_cast %get3A_1146 : i32 to index
    %get3A_1148 = arith.constant 224 : index
    %get3A_1149 = tpu.vector_load %arg8[%get3A_1147, %get3A_1148] {strides = array<i32>} : memref<16x256xf32, #tpu.memory_space<vmem>>, vector<16xf32>,
    %add3A_1150 = arith.addf %get3A_1145, %get3A_1149 : vector<16xf32>
    %get3A_1151 = arith.constant 2 : i32
    %get3A_1152 = arith.index_cast %get3A_1151 : i32 to index
    %get3A_1153 = arith.constant 224 : index
    %get3A_1154 = tpu.vector_load %arg8[%get3A_1152, %get3A_1153] {strides = array<i32>} : memref<16x256xf32, #tpu.memory_space<vmem>>, vector<16xf32>,
    %add3A_1155 = arith.addf %add3A_1150, %get3A_1154 : vector<16xf32>
    %get3A_1156 = arith.constant 3 : i32
    %get3A_1157 = arith.index_cast %get3A_1156 : i32 to index
    %get3A_1158 = arith.constant 224 : index
    %get3A_1159 = tpu.vector_load %arg8[%get3A_1157, %get3A_1158] {strides = array<i32>} : memref<16x256xf32, #tpu.memory_space<vmem>>, vector<16xf32>,
    %add3A_1160 = arith.addf %add3A_1155, %get3A_1159 : vector<16xf32>
    %get3A_1161 = arith.constant 4 : i32
    %get3A_1162 = arith.index_cast %get3A_1161 : i32 to index
    %get3A_1163 = arith.constant 224 : index
    %get3A_1164 = tpu.vector_load %arg8[%get3A_1162, %get3A_1163] {strides = array<i32>} : memref<16x256xf32, #tpu.memory_space<vmem>>, vector<16xf32>,
    %add3A_1165 = arith.addf %add3A_1160, %get3A_1164 : vector<16xf32>
    %get3A_1166 = arith.constant 5 : i32
    %get3A_1167 = arith.index_cast %get3A_1166 : i32 to index
    %get3A_1168 = arith.constant 224 : index
    %get3A_1169 = tpu.vector_load %arg8[%get3A_1167, %get3A_1168] {strides = array<i32>} : memref<16x256xf32, #tpu.memory_space<vmem>>, vector<16xf32>,
    %add3A_1170 = arith.addf %add3A_1165, %get3A_1169 : vector<16xf32>
    %get3A_1171 = arith.constant 6 : i32
    %get3A_1172 = arith.index_cast %get3A_1171 : i32 to index
    %get3A_1173 = arith.constant 224 : index
    %get3A_1174 = tpu.vector_load %arg8[%get3A_1172, %get3A_1173] {strides = array<i32>} : memref<16x256xf32, #tpu.memory_space<vmem>>, vector<16xf32>,
    %add3A_1175 = arith.addf %add3A_1170, %get3A_1174 : vector<16xf32>
    %get3A_1176 = arith.constant 7 : i32
    %get3A_1177 = arith.index_cast %get3A_1176 : i32 to index
    %get3A_1178 = arith.constant 224 : index
    %get3A_1179 = tpu.vector_load %arg8[%get3A_1177, %get3A_1178] {strides = array<i32>} : memref<16x256xf32, #tpu.memory_space<vmem>>, vector<16xf32>,
    %add3A_1180 = arith.addf %add3A_1175, %get3A_1179 : vector<16xf32>
    %get3A_1181 = arith.constant 8 : i32
    %get3A_1182 = arith.index_cast %get3A_1181 : i32 to index
    %get3A_1183 = arith.constant 224 : index
    %get3A_1184 = tpu.vector_load %arg8[%get3A_1182, %get3A_1183] {strides = array<i32>} : memref<16x256xf32, #tpu.memory_space<vmem>>, vector<16xf32>,
    %add3A_1185 = arith.addf %add3A_1180, %get3A_1184 : vector<16xf32>
    %get3A_1186 = arith.constant 9 : i32
    %get3A_1187 = arith.index_cast %get3A_1186 : i32 to index
    %get3A_1188 = arith.constant 224 : index
    %get3A_1189 = tpu.vector_load %arg8[%get3A_1187, %get3A_1188] {strides = array<i32>} : memref<16x256xf32, #tpu.memory_space<vmem>>, vector<16xf32>,
    %add3A_1190 = arith.addf %add3A_1185, %get3A_1189 : vector<16xf32>
    %get3A_1191 = arith.constant 10 : i32
    %get3A_1192 = arith.index_cast %get3A_1191 : i32 to index
    %get3A_1193 = arith.constant 224 : index
    %get3A_1194 = tpu.vector_load %arg8[%get3A_1192, %get3A_1193] {strides = array<i32>} : memref<16x256xf32, #tpu.memory_space<vmem>>, vector<16xf32>,
    %add3A_1195 = arith.addf %add3A_1190, %get3A_1194 : vector<16xf32>
    %get3A_1196 = arith.constant 11 : i32
    %get3A_1197 = arith.index_cast %get3A_1196 : i32 to index
    %get3A_1198 = arith.constant 224 : index
    %get3A_1199 = tpu.vector_load %arg8[%get3A_1197, %get3A_1198] {strides = array<i32>} : memref<16x256xf32, #tpu.memory_space<vmem>>, vector<16xf32>,
    %add3A_1200 = arith.addf %add3A_1195, %get3A_1199 : vector<16xf32>
    %get3A_1201 = arith.constant 12 : i32
    %get3A_1202 = arith.index_cast %get3A_1201 : i32 to index
    %get3A_1203 = arith.constant 224 : index
    %get3A_1204 = tpu.vector_load %arg8[%get3A_1202, %get3A_1203] {strides = array<i32>} : memref<16x256xf32, #tpu.memory_space<vmem>>, vector<16xf32>,
    %add3A_1205 = arith.addf %add3A_1200, %get3A_1204 : vector<16xf32>
    %get3A_1206 = arith.constant 13 : i32
    %get3A_1207 = arith.index_cast %get3A_1206 : i32 to index
    %get3A_1208 = arith.constant 224 : index
    %get3A_1209 = tpu.vector_load %arg8[%get3A_1207, %get3A_1208] {strides = array<i32>} : memref<16x256xf32, #tpu.memory_space<vmem>>, vector<16xf32>,
    %add3A_1210 = arith.addf %add3A_1205, %get3A_1209 : vector<16xf32>
    %get3A_1211 = arith.constant 14 : i32
    %get3A_1212 = arith.index_cast %get3A_1211 : i32 to index
    %get3A_1213 = arith.constant 224 : index
    %get3A_1214 = tpu.vector_load %arg8[%get3A_1212, %get3A_1213] {strides = array<i32>} : memref<16x256xf32, #tpu.memory_space<vmem>>, vector<16xf32>,
    %add3A_1215 = arith.addf %add3A_1210, %get3A_1214 : vector<16xf32>
    %get3A_1216 = arith.constant 15 : i32
    %get3A_1217 = arith.index_cast %get3A_1216 : i32 to index
    %get3A_1218 = arith.constant 224 : index
    %get3A_1219 = tpu.vector_load %arg8[%get3A_1217, %get3A_1218] {strides = array<i32>} : memref<16x256xf32, #tpu.memory_space<vmem>>, vector<16xf32>,
    %add3A_1220 = arith.addf %add3A_1215, %get3A_1219 : vector<16xf32>
    %swap3A_1221 = arith.constant 224 : index
    %swap3A_1222 = tpu.vector_load %arg9[%swap3A_1221] {strides = array<i32>} : memref<256xf32, #tpu.memory_space<vmem>>, vector<16xf32>,
    tpu.vector_store %arg9[%swap3A_1221], %add3A_1220 {strides = array<i32>} : memref<256xf32, #tpu.memory_space<vmem>>, vector<16xf32>,
    %get3A_1223 = arith.constant 0 : i32
    %get3A_1224 = arith.index_cast %get3A_1223 : i32 to index
    %get3A_1225 = arith.constant 240 : index
    %get3A_1226 = tpu.vector_load %arg8[%get3A_1224, %get3A_1225] {strides = array<i32>} : memref<16x256xf32, #tpu.memory_space<vmem>>, vector<16xf32>,
    %get3A_1227 = arith.constant 1 : i32
    %get3A_1228 = arith.index_cast %get3A_1227 : i32 to index
    %get3A_1229 = arith.constant 240 : index
    %get3A_1230 = tpu.vector_load %arg8[%get3A_1228, %get3A_1229] {strides = array<i32>} : memref<16x256xf32, #tpu.memory_space<vmem>>, vector<16xf32>,
    %add3A_1231 = arith.addf %get3A_1226, %get3A_1230 : vector<16xf32>
    %get3A_1232 = arith.constant 2 : i32
    %get3A_1233 = arith.index_cast %get3A_1232 : i32 to index
    %get3A_1234 = arith.constant 240 : index
    %get3A_1235 = tpu.vector_load %arg8[%get3A_1233, %get3A_1234] {strides = array<i32>} : memref<16x256xf32, #tpu.memory_space<vmem>>, vector<16xf32>,
    %add3A_1236 = arith.addf %add3A_1231, %get3A_1235 : vector<16xf32>
    %get3A_1237 = arith.constant 3 : i32
    %get3A_1238 = arith.index_cast %get3A_1237 : i32 to index
    %get3A_1239 = arith.constant 240 : index
    %get3A_1240 = tpu.vector_load %arg8[%get3A_1238, %get3A_1239] {strides = array<i32>} : memref<16x256xf32, #tpu.memory_space<vmem>>, vector<16xf32>,
    %add3A_1241 = arith.addf %add3A_1236, %get3A_1240 : vector<16xf32>
    %get3A_1242 = arith.constant 4 : i32
    %get3A_1243 = arith.index_cast %get3A_1242 : i32 to index
    %get3A_1244 = arith.constant 240 : index
    %get3A_1245 = tpu.vector_load %arg8[%get3A_1243, %get3A_1244] {strides = array<i32>} : memref<16x256xf32, #tpu.memory_space<vmem>>, vector<16xf32>,
    %add3A_1246 = arith.addf %add3A_1241, %get3A_1245 : vector<16xf32>
    %get3A_1247 = arith.constant 5 : i32
    %get3A_1248 = arith.index_cast %get3A_1247 : i32 to index
    %get3A_1249 = arith.constant 240 : index
    %get3A_1250 = tpu.vector_load %arg8[%get3A_1248, %get3A_1249] {strides = array<i32>} : memref<16x256xf32, #tpu.memory_space<vmem>>, vector<16xf32>,
    %add3A_1251 = arith.addf %add3A_1246, %get3A_1250 : vector<16xf32>
    %get3A_1252 = arith.constant 6 : i32
    %get3A_1253 = arith.index_cast %get3A_1252 : i32 to index
    %get3A_1254 = arith.constant 240 : index
    %get3A_1255 = tpu.vector_load %arg8[%get3A_1253, %get3A_1254] {strides = array<i32>} : memref<16x256xf32, #tpu.memory_space<vmem>>, vector<16xf32>,
    %add3A_1256 = arith.addf %add3A_1251, %get3A_1255 : vector<16xf32>
    %get3A_1257 = arith.constant 7 : i32
    %get3A_1258 = arith.index_cast %get3A_1257 : i32 to index
    %get3A_1259 = arith.constant 240 : index
    %get3A_1260 = tpu.vector_load %arg8[%get3A_1258, %get3A_1259] {strides = array<i32>} : memref<16x256xf32, #tpu.memory_space<vmem>>, vector<16xf32>,
    %add3A_1261 = arith.addf %add3A_1256, %get3A_1260 : vector<16xf32>
    %get3A_1262 = arith.constant 8 : i32
    %get3A_1263 = arith.index_cast %get3A_1262 : i32 to index
    %get3A_1264 = arith.constant 240 : index
    %get3A_1265 = tpu.vector_load %arg8[%get3A_1263, %get3A_1264] {strides = array<i32>} : memref<16x256xf32, #tpu.memory_space<vmem>>, vector<16xf32>,
    %add3A_1266 = arith.addf %add3A_1261, %get3A_1265 : vector<16xf32>
    %get3A_1267 = arith.constant 9 : i32
    %get3A_1268 = arith.index_cast %get3A_1267 : i32 to index
    %get3A_1269 = arith.constant 240 : index
    %get3A_1270 = tpu.vector_load %arg8[%get3A_1268, %get3A_1269] {strides = array<i32>} : memref<16x256xf32, #tpu.memory_space<vmem>>, vector<16xf32>,
    %add3A_1271 = arith.addf %add3A_1266, %get3A_1270 : vector<16xf32>
    %get3A_1272 = arith.constant 10 : i32
    %get3A_1273 = arith.index_cast %get3A_1272 : i32 to index
    %get3A_1274 = arith.constant 240 : index
    %get3A_1275 = tpu.vector_load %arg8[%get3A_1273, %get3A_1274] {strides = array<i32>} : memref<16x256xf32, #tpu.memory_space<vmem>>, vector<16xf32>,
    %add3A_1276 = arith.addf %add3A_1271, %get3A_1275 : vector<16xf32>
    %get3A_1277 = arith.constant 11 : i32
    %get3A_1278 = arith.index_cast %get3A_1277 : i32 to index
    %get3A_1279 = arith.constant 240 : index
    %get3A_1280 = tpu.vector_load %arg8[%get3A_1278, %get3A_1279] {strides = array<i32>} : memref<16x256xf32, #tpu.memory_space<vmem>>, vector<16xf32>,
    %add3A_1281 = arith.addf %add3A_1276, %get3A_1280 : vector<16xf32>
    %get3A_1282 = arith.constant 12 : i32
    %get3A_1283 = arith.index_cast %get3A_1282 : i32 to index
    %get3A_1284 = arith.constant 240 : index
    %get3A_1285 = tpu.vector_load %arg8[%get3A_1283, %get3A_1284] {strides = array<i32>} : memref<16x256xf32, #tpu.memory_space<vmem>>, vector<16xf32>,
    %add3A_1286 = arith.addf %add3A_1281, %get3A_1285 : vector<16xf32>
    %get3A_1287 = arith.constant 13 : i32
    %get3A_1288 = arith.index_cast %get3A_1287 : i32 to index
    %get3A_1289 = arith.constant 240 : index
    %get3A_1290 = tpu.vector_load %arg8[%get3A_1288, %get3A_1289] {strides = array<i32>} : memref<16x256xf32, #tpu.memory_space<vmem>>, vector<16xf32>,
    %add3A_1291 = arith.addf %add3A_1286, %get3A_1290 : vector<16xf32>
    %get3A_1292 = arith.constant 14 : i32
    %get3A_1293 = arith.index_cast %get3A_1292 : i32 to index
    %get3A_1294 = arith.constant 240 : index
    %get3A_1295 = tpu.vector_load %arg8[%get3A_1293, %get3A_1294] {strides = array<i32>} : memref<16x256xf32, #tpu.memory_space<vmem>>, vector<16xf32>,
    %add3A_1296 = arith.addf %add3A_1291, %get3A_1295 : vector<16xf32>
    %get3A_1297 = arith.constant 15 : i32
    %get3A_1298 = arith.index_cast %get3A_1297 : i32 to index
    %get3A_1299 = arith.constant 240 : index
    %get3A_1300 = tpu.vector_load %arg8[%get3A_1298, %get3A_1299] {strides = array<i32>} : memref<16x256xf32, #tpu.memory_space<vmem>>, vector<16xf32>,
    %add3A_1301 = arith.addf %add3A_1296, %get3A_1300 : vector<16xf32>
    %swap3A_1302 = arith.constant 240 : index
    %swap3A_1303 = tpu.vector_load %arg9[%swap3A_1302] {strides = array<i32>} : memref<256xf32, #tpu.memory_space<vmem>>, vector<16xf32>,
    tpu.vector_store %arg9[%swap3A_1302], %add3A_1301 {strides = array<i32>} : memref<256xf32, #tpu.memory_space<vmem>>, vector<16xf32>,
    %mul3A_1304 = arith.constant 4096 : i32
    %mul3A_1305 = arith.muli %arg0, %mul3A_1304 : i32
    %mul3A_1306 = arith.constant 256 : i32
    %mul3A_1307 = arith.muli %arg1, %mul3A_1306 : i32
    %add3A_1308 = arith.addi %mul3A_1305, %mul3A_1307 : i32
    "tpu.region"() ({
      %run_scoped3A = tpu.sem_alloc : memref<!tpu.dma_semaphore, #tpu.memory_space<semaphore_mem>>
      %dma_start3A = tpu.memref_slice %arg4[%add3A_1308] : memref<8192xf32, #tpu.memory_space<hbm>> -> memref<256xf32, #tpu.memory_space<hbm>>
      %dma_start3A_1309 = tpu.memref_slice %arg4[%add3A_1308] : memref<8192xf32, #tpu.memory_space<hbm>> -> memref<256xf32, #tpu.memory_space<hbm>>
      tpu.enqueue_dma source(%arg9 : memref<256xf32, #tpu.memory_space<vmem>>) target(%dma_start3A_1309 : memref<256xf32, #tpu.memory_space<hbm>>) target_semaphore(%run_scoped3A : memref<!tpu.dma_semaphore, #tpu.memory_space<semaphore_mem>>)
      %dma_wait3A = tpu.memref_slice %arg4[%add3A_1308] : memref<8192xf32, #tpu.memory_space<hbm>> -> memref<256xf32, #tpu.memory_space<hbm>>
      %dma_wait3A_1310 = tpu.memref_slice %arg4[%add3A_1308] : memref<8192xf32, #tpu.memory_space<hbm>> -> memref<256xf32, #tpu.memory_space<hbm>>
      tpu.wait_dma2 semaphore(%run_scoped3A : memref<!tpu.dma_semaphore, #tpu.memory_space<semaphore_mem>>) src(%arg9 : memref<256xf32, #tpu.memory_space<vmem>>) dst(%dma_wait3A_1310 : memref<256xf32, #tpu.memory_space<hbm>>)
      tpu.yield
    }) : () -> ()
    return
  }
}

#map = affine_map<(d0, d1) -> (0)>
module attributes {stable_mosaic.version = 14 : i64} {
  func.func @_finalize(%arg0: i32, %arg1: i32, %arg2: memref<8192xf32, #tpu.memory_space<hbm>>, %arg3: memref<4096xf32, #tpu.memory_space<hbm>>, %arg4: memref<262144xi32, #tpu.memory_space<hbm>>, %arg5: memref<4096xf32, #tpu.memory_space<hbm>>, %arg6: memref<262144xf32, #tpu.memory_space<hbm>>, %arg7: memref<2x256xf32, #tpu.memory_space<vmem>>, %arg8: memref<256xf32, #tpu.memory_space<vmem>>, %arg9: memref<256xf32, #tpu.memory_space<vmem>>, %arg10: memref<4096xf32, #tpu.memory_space<vmem>>, %arg11: memref<128xf32, #tpu.memory_space<vmem>>, %arg12: memref<8192xi32, #tpu.memory_space<vmem>>, %arg13: memref<8192xf32, #tpu.memory_space<vmem>>, %arg14: memref<4096xf32, #tpu.memory_space<vmem_shared>>) attributes {dimension_semantics = [#tpu.dimension_semantics<core_parallel>, #tpu.dimension_semantics<subcore_parallel>], iteration_bounds = array<i64: 2, 16>, scalar_prefetch = 0 : i64, scratch_operands = 8 : i64, tpu.core_type = #tpu.core_type<sc_vector_subcore>, window_params = [{transform_indices = #map}, {transform_indices = #map}, {transform_indices = #map}, {transform_indices = #map}, {transform_indices = #map}]} {
    %mul3A = arith.constant 16 : i32
    %mul3A_0 = arith.muli %arg0, %mul3A : i32
    %add3A = arith.addi %mul3A_0, %arg1 : i32
    %mul3A_1 = arith.constant 8192 : i32
    %mul3A_2 = arith.muli %add3A, %mul3A_1 : i32
    "tpu.region"() ({
      %run_scoped3A_117 = tpu.sem_alloc : memref<!tpu.dma_semaphore, #tpu.memory_space<semaphore_mem>>
      %dma_start3A = tpu.memref_slice %arg4[%mul3A_2] : memref<262144xi32, #tpu.memory_space<hbm>> -> memref<8192xi32, #tpu.memory_space<hbm>>
      %dma_start3A_118 = tpu.memref_slice %arg4[%mul3A_2] : memref<262144xi32, #tpu.memory_space<hbm>> -> memref<8192xi32, #tpu.memory_space<hbm>>
      tpu.enqueue_dma source(%dma_start3A_118 : memref<8192xi32, #tpu.memory_space<hbm>>) target(%arg12 : memref<8192xi32, #tpu.memory_space<vmem>>) target_semaphore(%run_scoped3A_117 : memref<!tpu.dma_semaphore, #tpu.memory_space<semaphore_mem>>)
      %dma_wait3A = tpu.memref_slice %arg4[%mul3A_2] : memref<262144xi32, #tpu.memory_space<hbm>> -> memref<8192xi32, #tpu.memory_space<hbm>>
      %dma_wait3A_119 = tpu.memref_slice %arg4[%mul3A_2] : memref<262144xi32, #tpu.memory_space<hbm>> -> memref<8192xi32, #tpu.memory_space<hbm>>
      tpu.wait_dma2 semaphore(%run_scoped3A_117 : memref<!tpu.dma_semaphore, #tpu.memory_space<semaphore_mem>>) src(%dma_wait3A_119 : memref<8192xi32, #tpu.memory_space<hbm>>) dst(%arg12 : memref<8192xi32, #tpu.memory_space<vmem>>)
      tpu.yield
    }) : () -> ()
    %mul3A_3 = arith.constant 256 : i32
    %mul3A_4 = arith.muli %arg1, %mul3A_3 : i32
    %run_scoped3A = arith.constant 0 : i32
    "tpu.region"() ({
      %run_scoped3A_117 = tpu.sem_alloc : memref<!tpu.dma_semaphore, #tpu.memory_space<semaphore_mem>>
      %dma_start3A = arith.constant 0 : i32
      %dma_start3A_118 = tpu.memref_slice %arg7[%run_scoped3A, %dma_start3A] : memref<2x256xf32, #tpu.memory_space<vmem>> -> memref<1x256xf32, #tpu.memory_space<vmem>>
      %dma_start3A_119 = tpu.memref_squeeze %dma_start3A_118 : memref<1x256xf32, #tpu.memory_space<vmem>> -> memref<256xf32, #tpu.memory_space<vmem>>
      %dma_start3A_120 = tpu.memref_slice %arg2[%mul3A_4] : memref<8192xf32, #tpu.memory_space<hbm>> -> memref<256xf32, #tpu.memory_space<hbm>>
      %dma_start3A_121 = arith.constant 0 : i32
      %dma_start3A_122 = tpu.memref_slice %arg7[%run_scoped3A, %dma_start3A_121] : memref<2x256xf32, #tpu.memory_space<vmem>> -> memref<1x256xf32, #tpu.memory_space<vmem>>
      %dma_start3A_123 = tpu.memref_squeeze %dma_start3A_122 : memref<1x256xf32, #tpu.memory_space<vmem>> -> memref<256xf32, #tpu.memory_space<vmem>>
      %dma_start3A_124 = tpu.memref_slice %arg2[%mul3A_4] : memref<8192xf32, #tpu.memory_space<hbm>> -> memref<256xf32, #tpu.memory_space<hbm>>
      tpu.enqueue_dma source(%dma_start3A_124 : memref<256xf32, #tpu.memory_space<hbm>>) target(%dma_start3A_123 : memref<256xf32, #tpu.memory_space<vmem>>) target_semaphore(%run_scoped3A_117 : memref<!tpu.dma_semaphore, #tpu.memory_space<semaphore_mem>>)
      %dma_wait3A = arith.constant 0 : i32
      %dma_wait3A_125 = tpu.memref_slice %arg7[%run_scoped3A, %dma_wait3A] : memref<2x256xf32, #tpu.memory_space<vmem>> -> memref<1x256xf32, #tpu.memory_space<vmem>>
      %dma_wait3A_126 = tpu.memref_squeeze %dma_wait3A_125 : memref<1x256xf32, #tpu.memory_space<vmem>> -> memref<256xf32, #tpu.memory_space<vmem>>
      %dma_wait3A_127 = tpu.memref_slice %arg2[%mul3A_4] : memref<8192xf32, #tpu.memory_space<hbm>> -> memref<256xf32, #tpu.memory_space<hbm>>
      %dma_wait3A_128 = arith.constant 0 : i32
      %dma_wait3A_129 = tpu.memref_slice %arg7[%run_scoped3A, %dma_wait3A_128] : memref<2x256xf32, #tpu.memory_space<vmem>> -> memref<1x256xf32, #tpu.memory_space<vmem>>
      %dma_wait3A_130 = tpu.memref_squeeze %dma_wait3A_129 : memref<1x256xf32, #tpu.memory_space<vmem>> -> memref<256xf32, #tpu.memory_space<vmem>>
      %dma_wait3A_131 = tpu.memref_slice %arg2[%mul3A_4] : memref<8192xf32, #tpu.memory_space<hbm>> -> memref<256xf32, #tpu.memory_space<hbm>>
      tpu.wait_dma2 semaphore(%run_scoped3A_117 : memref<!tpu.dma_semaphore, #tpu.memory_space<semaphore_mem>>) src(%dma_wait3A_131 : memref<256xf32, #tpu.memory_space<hbm>>) dst(%dma_wait3A_130 : memref<256xf32, #tpu.memory_space<vmem>>)
      tpu.yield
    }) : () -> ()
    %mul3A_5 = arith.constant 256 : i32
    %mul3A_6 = arith.muli %arg1, %mul3A_5 : i32
    %add3A_7 = arith.constant 4096 : i32
    %add3A_8 = arith.addi %add3A_7, %mul3A_6 : i32
    %run_scoped3A_9 = arith.constant 1 : i32
    "tpu.region"() ({
      %run_scoped3A_117 = tpu.sem_alloc : memref<!tpu.dma_semaphore, #tpu.memory_space<semaphore_mem>>
      %dma_start3A = arith.constant 0 : i32
      %dma_start3A_118 = tpu.memref_slice %arg7[%run_scoped3A_9, %dma_start3A] : memref<2x256xf32, #tpu.memory_space<vmem>> -> memref<1x256xf32, #tpu.memory_space<vmem>>
      %dma_start3A_119 = tpu.memref_squeeze %dma_start3A_118 : memref<1x256xf32, #tpu.memory_space<vmem>> -> memref<256xf32, #tpu.memory_space<vmem>>
      %dma_start3A_120 = tpu.memref_slice %arg2[%add3A_8] : memref<8192xf32, #tpu.memory_space<hbm>> -> memref<256xf32, #tpu.memory_space<hbm>>
      %dma_start3A_121 = arith.constant 0 : i32
      %dma_start3A_122 = tpu.memref_slice %arg7[%run_scoped3A_9, %dma_start3A_121] : memref<2x256xf32, #tpu.memory_space<vmem>> -> memref<1x256xf32, #tpu.memory_space<vmem>>
      %dma_start3A_123 = tpu.memref_squeeze %dma_start3A_122 : memref<1x256xf32, #tpu.memory_space<vmem>> -> memref<256xf32, #tpu.memory_space<vmem>>
      %dma_start3A_124 = tpu.memref_slice %arg2[%add3A_8] : memref<8192xf32, #tpu.memory_space<hbm>> -> memref<256xf32, #tpu.memory_space<hbm>>
      tpu.enqueue_dma source(%dma_start3A_124 : memref<256xf32, #tpu.memory_space<hbm>>) target(%dma_start3A_123 : memref<256xf32, #tpu.memory_space<vmem>>) target_semaphore(%run_scoped3A_117 : memref<!tpu.dma_semaphore, #tpu.memory_space<semaphore_mem>>)
      %dma_wait3A = arith.constant 0 : i32
      %dma_wait3A_125 = tpu.memref_slice %arg7[%run_scoped3A_9, %dma_wait3A] : memref<2x256xf32, #tpu.memory_space<vmem>> -> memref<1x256xf32, #tpu.memory_space<vmem>>
      %dma_wait3A_126 = tpu.memref_squeeze %dma_wait3A_125 : memref<1x256xf32, #tpu.memory_space<vmem>> -> memref<256xf32, #tpu.memory_space<vmem>>
      %dma_wait3A_127 = tpu.memref_slice %arg2[%add3A_8] : memref<8192xf32, #tpu.memory_space<hbm>> -> memref<256xf32, #tpu.memory_space<hbm>>
      %dma_wait3A_128 = arith.constant 0 : i32
      %dma_wait3A_129 = tpu.memref_slice %arg7[%run_scoped3A_9, %dma_wait3A_128] : memref<2x256xf32, #tpu.memory_space<vmem>> -> memref<1x256xf32, #tpu.memory_space<vmem>>
      %dma_wait3A_130 = tpu.memref_squeeze %dma_wait3A_129 : memref<1x256xf32, #tpu.memory_space<vmem>> -> memref<256xf32, #tpu.memory_space<vmem>>
      %dma_wait3A_131 = tpu.memref_slice %arg2[%add3A_8] : memref<8192xf32, #tpu.memory_space<hbm>> -> memref<256xf32, #tpu.memory_space<hbm>>
      tpu.wait_dma2 semaphore(%run_scoped3A_117 : memref<!tpu.dma_semaphore, #tpu.memory_space<semaphore_mem>>) src(%dma_wait3A_131 : memref<256xf32, #tpu.memory_space<hbm>>) dst(%dma_wait3A_130 : memref<256xf32, #tpu.memory_space<vmem>>)
      tpu.yield
    }) : () -> ()
    %mul3A_10 = arith.constant 256 : i32
    %mul3A_11 = arith.muli %arg1, %mul3A_10 : i32
    "tpu.region"() ({
      %run_scoped3A_117 = tpu.sem_alloc : memref<!tpu.dma_semaphore, #tpu.memory_space<semaphore_mem>>
      %dma_start3A = tpu.memref_slice %arg3[%mul3A_11] : memref<4096xf32, #tpu.memory_space<hbm>> -> memref<256xf32, #tpu.memory_space<hbm>>
      %dma_start3A_118 = tpu.memref_slice %arg3[%mul3A_11] : memref<4096xf32, #tpu.memory_space<hbm>> -> memref<256xf32, #tpu.memory_space<hbm>>
      tpu.enqueue_dma source(%dma_start3A_118 : memref<256xf32, #tpu.memory_space<hbm>>) target(%arg8 : memref<256xf32, #tpu.memory_space<vmem>>) target_semaphore(%run_scoped3A_117 : memref<!tpu.dma_semaphore, #tpu.memory_space<semaphore_mem>>)
      %dma_wait3A = tpu.memref_slice %arg3[%mul3A_11] : memref<4096xf32, #tpu.memory_space<hbm>> -> memref<256xf32, #tpu.memory_space<hbm>>
      %dma_wait3A_119 = tpu.memref_slice %arg3[%mul3A_11] : memref<4096xf32, #tpu.memory_space<hbm>> -> memref<256xf32, #tpu.memory_space<hbm>>
      tpu.wait_dma2 semaphore(%run_scoped3A_117 : memref<!tpu.dma_semaphore, #tpu.memory_space<semaphore_mem>>) src(%dma_wait3A_119 : memref<256xf32, #tpu.memory_space<hbm>>) dst(%arg8 : memref<256xf32, #tpu.memory_space<vmem>>)
      tpu.yield
    }) : () -> ()
    %parallel_loop3A = arith.constant 0 : i32
    %parallel_loop3A_12 = arith.constant 256 : i32
    %parallel_loop3A_13 = arith.constant 16 : i32
    scf.for %parallel_loop3A_117 = %parallel_loop3A to %parallel_loop3A_12 step %parallel_loop3A_13  : i32 {
      %parallel_loop3A_118 = arith.constant 0 : i32
      %parallel_loop3A_119 = arith.index_cast %parallel_loop3A_118 : i32 to index
      %parallel_loop3A_120 = arith.index_cast %parallel_loop3A_117 : i32 to index
      %parallel_loop3A_121 = tpu.vector_load %arg7[%parallel_loop3A_119, %parallel_loop3A_120] {strides = array<i32>} : memref<2x256xf32, #tpu.memory_space<vmem>>, vector<16xf32>,
      %parallel_loop3A_122 = arith.constant 1 : i32
      %parallel_loop3A_123 = arith.index_cast %parallel_loop3A_122 : i32 to index
      %parallel_loop3A_124 = arith.index_cast %parallel_loop3A_117 : i32 to index
      %parallel_loop3A_125 = tpu.vector_load %arg7[%parallel_loop3A_123, %parallel_loop3A_124] {strides = array<i32>} : memref<2x256xf32, #tpu.memory_space<vmem>>, vector<16xf32>,
      %parallel_loop3A_126 = arith.addf %parallel_loop3A_121, %parallel_loop3A_125 : vector<16xf32>
      %parallel_loop3A_127 = arith.index_cast %parallel_loop3A_117 : i32 to index
      %parallel_loop3A_128 = tpu.vector_load %arg8[%parallel_loop3A_127] {strides = array<i32>} : memref<256xf32, #tpu.memory_space<vmem>>, vector<16xf32>,
      %parallel_loop3A_129 = math.exp %parallel_loop3A_128 : vector<16xf32>
      %parallel_loop3A_130 = arith.addf %parallel_loop3A_126, %parallel_loop3A_129 : vector<16xf32>
      %parallel_loop3A_131 = arith.constant 1.000000e+00 : f32
      %parallel_loop3A_132 = vector.broadcast %parallel_loop3A_131 : f32 to vector<16xf32>
      %parallel_loop3A_133 = arith.divf %parallel_loop3A_132, %parallel_loop3A_130 : vector<16xf32>
      %parallel_loop3A_134 = arith.index_cast %parallel_loop3A_117 : i32 to index
      %parallel_loop3A_135 = tpu.vector_load %arg9[%parallel_loop3A_134] {strides = array<i32>} : memref<256xf32, #tpu.memory_space<vmem>>, vector<16xf32>,
      tpu.vector_store %arg9[%parallel_loop3A_134], %parallel_loop3A_133 {strides = array<i32>} : memref<256xf32, #tpu.memory_space<vmem>>, vector<16xf32>,
    } {sc.loop_unroll_factor = 4 : i64, sc.parallel_access}
    %mul3A_14 = arith.constant 256 : i32
    %mul3A_15 = arith.muli %arg1, %mul3A_14 : i32
    "tpu.region"() ({
      %run_scoped3A_117 = tpu.sem_alloc : memref<!tpu.dma_semaphore, #tpu.memory_space<semaphore_mem>>
      %dma_start3A = tpu.memref_slice %arg14[%mul3A_15] : memref<4096xf32, #tpu.memory_space<vmem_shared>> -> memref<256xf32, #tpu.memory_space<vmem_shared>>
      %dma_start3A_118 = tpu.memref_slice %arg14[%mul3A_15] : memref<4096xf32, #tpu.memory_space<vmem_shared>> -> memref<256xf32, #tpu.memory_space<vmem_shared>>
      tpu.enqueue_dma source(%arg9 : memref<256xf32, #tpu.memory_space<vmem>>) target(%dma_start3A_118 : memref<256xf32, #tpu.memory_space<vmem_shared>>) target_semaphore(%run_scoped3A_117 : memref<!tpu.dma_semaphore, #tpu.memory_space<semaphore_mem>>)
      %dma_wait3A = tpu.memref_slice %arg14[%mul3A_15] : memref<4096xf32, #tpu.memory_space<vmem_shared>> -> memref<256xf32, #tpu.memory_space<vmem_shared>>
      %dma_wait3A_119 = tpu.memref_slice %arg14[%mul3A_15] : memref<4096xf32, #tpu.memory_space<vmem_shared>> -> memref<256xf32, #tpu.memory_space<vmem_shared>>
      tpu.wait_dma2 semaphore(%run_scoped3A_117 : memref<!tpu.dma_semaphore, #tpu.memory_space<semaphore_mem>>) src(%arg9 : memref<256xf32, #tpu.memory_space<vmem>>) dst(%dma_wait3A_119 : memref<256xf32, #tpu.memory_space<vmem_shared>>)
      tpu.yield
    }) : () -> ()
    %mul3A_16 = arith.constant 128 : i32
    %mul3A_17 = arith.muli %arg0, %mul3A_16 : i32
    %add3A_18 = arith.constant 0 : i32
    %add3A_19 = arith.addi %mul3A_17, %add3A_18 : i32
    %get3A = arith.index_cast %add3A_19 : i32 to index
    %get3A_20 = tpu.vector_load %arg8[%get3A] {strides = array<i32>} : memref<256xf32, #tpu.memory_space<vmem>>, vector<16xf32>,
    %exp3A = math.exp %get3A_20 : vector<16xf32>
    %get3A_21 = arith.index_cast %add3A_19 : i32 to index
    %get3A_22 = tpu.vector_load %arg9[%get3A_21] {strides = array<i32>} : memref<256xf32, #tpu.memory_space<vmem>>, vector<16xf32>,
    %mul3A_23 = arith.mulf %exp3A, %get3A_22 : vector<16xf32>
    %swap3A = arith.constant 0 : index
    %swap3A_24 = tpu.vector_load %arg11[%swap3A] {strides = array<i32>} : memref<128xf32, #tpu.memory_space<vmem>>, vector<16xf32>,
    tpu.vector_store %arg11[%swap3A], %mul3A_23 {strides = array<i32>} : memref<128xf32, #tpu.memory_space<vmem>>, vector<16xf32>,
    %mul3A_25 = arith.constant 128 : i32
    %mul3A_26 = arith.muli %arg0, %mul3A_25 : i32
    %add3A_27 = arith.constant 16 : i32
    %add3A_28 = arith.addi %mul3A_26, %add3A_27 : i32
    %get3A_29 = arith.index_cast %add3A_28 : i32 to index
    %get3A_30 = tpu.vector_load %arg8[%get3A_29] {strides = array<i32>} : memref<256xf32, #tpu.memory_space<vmem>>, vector<16xf32>,
    %exp3A_31 = math.exp %get3A_30 : vector<16xf32>
    %get3A_32 = arith.index_cast %add3A_28 : i32 to index
    %get3A_33 = tpu.vector_load %arg9[%get3A_32] {strides = array<i32>} : memref<256xf32, #tpu.memory_space<vmem>>, vector<16xf32>,
    %mul3A_34 = arith.mulf %exp3A_31, %get3A_33 : vector<16xf32>
    %swap3A_35 = arith.constant 16 : index
    %swap3A_36 = tpu.vector_load %arg11[%swap3A_35] {strides = array<i32>} : memref<128xf32, #tpu.memory_space<vmem>>, vector<16xf32>,
    tpu.vector_store %arg11[%swap3A_35], %mul3A_34 {strides = array<i32>} : memref<128xf32, #tpu.memory_space<vmem>>, vector<16xf32>,
    %mul3A_37 = arith.constant 128 : i32
    %mul3A_38 = arith.muli %arg0, %mul3A_37 : i32
    %add3A_39 = arith.constant 32 : i32
    %add3A_40 = arith.addi %mul3A_38, %add3A_39 : i32
    %get3A_41 = arith.index_cast %add3A_40 : i32 to index
    %get3A_42 = tpu.vector_load %arg8[%get3A_41] {strides = array<i32>} : memref<256xf32, #tpu.memory_space<vmem>>, vector<16xf32>,
    %exp3A_43 = math.exp %get3A_42 : vector<16xf32>
    %get3A_44 = arith.index_cast %add3A_40 : i32 to index
    %get3A_45 = tpu.vector_load %arg9[%get3A_44] {strides = array<i32>} : memref<256xf32, #tpu.memory_space<vmem>>, vector<16xf32>,
    %mul3A_46 = arith.mulf %exp3A_43, %get3A_45 : vector<16xf32>
    %swap3A_47 = arith.constant 32 : index
    %swap3A_48 = tpu.vector_load %arg11[%swap3A_47] {strides = array<i32>} : memref<128xf32, #tpu.memory_space<vmem>>, vector<16xf32>,
    tpu.vector_store %arg11[%swap3A_47], %mul3A_46 {strides = array<i32>} : memref<128xf32, #tpu.memory_space<vmem>>, vector<16xf32>,
    %mul3A_49 = arith.constant 128 : i32
    %mul3A_50 = arith.muli %arg0, %mul3A_49 : i32
    %add3A_51 = arith.constant 48 : i32
    %add3A_52 = arith.addi %mul3A_50, %add3A_51 : i32
    %get3A_53 = arith.index_cast %add3A_52 : i32 to index
    %get3A_54 = tpu.vector_load %arg8[%get3A_53] {strides = array<i32>} : memref<256xf32, #tpu.memory_space<vmem>>, vector<16xf32>,
    %exp3A_55 = math.exp %get3A_54 : vector<16xf32>
    %get3A_56 = arith.index_cast %add3A_52 : i32 to index
    %get3A_57 = tpu.vector_load %arg9[%get3A_56] {strides = array<i32>} : memref<256xf32, #tpu.memory_space<vmem>>, vector<16xf32>,
    %mul3A_58 = arith.mulf %exp3A_55, %get3A_57 : vector<16xf32>
    %swap3A_59 = arith.constant 48 : index
    %swap3A_60 = tpu.vector_load %arg11[%swap3A_59] {strides = array<i32>} : memref<128xf32, #tpu.memory_space<vmem>>, vector<16xf32>,
    tpu.vector_store %arg11[%swap3A_59], %mul3A_58 {strides = array<i32>} : memref<128xf32, #tpu.memory_space<vmem>>, vector<16xf32>,
    %mul3A_61 = arith.constant 128 : i32
    %mul3A_62 = arith.muli %arg0, %mul3A_61 : i32
    %add3A_63 = arith.constant 64 : i32
    %add3A_64 = arith.addi %mul3A_62, %add3A_63 : i32
    %get3A_65 = arith.index_cast %add3A_64 : i32 to index
    %get3A_66 = tpu.vector_load %arg8[%get3A_65] {strides = array<i32>} : memref<256xf32, #tpu.memory_space<vmem>>, vector<16xf32>,
    %exp3A_67 = math.exp %get3A_66 : vector<16xf32>
    %get3A_68 = arith.index_cast %add3A_64 : i32 to index
    %get3A_69 = tpu.vector_load %arg9[%get3A_68] {strides = array<i32>} : memref<256xf32, #tpu.memory_space<vmem>>, vector<16xf32>,
    %mul3A_70 = arith.mulf %exp3A_67, %get3A_69 : vector<16xf32>
    %swap3A_71 = arith.constant 64 : index
    %swap3A_72 = tpu.vector_load %arg11[%swap3A_71] {strides = array<i32>} : memref<128xf32, #tpu.memory_space<vmem>>, vector<16xf32>,
    tpu.vector_store %arg11[%swap3A_71], %mul3A_70 {strides = array<i32>} : memref<128xf32, #tpu.memory_space<vmem>>, vector<16xf32>,
    %mul3A_73 = arith.constant 128 : i32
    %mul3A_74 = arith.muli %arg0, %mul3A_73 : i32
    %add3A_75 = arith.constant 80 : i32
    %add3A_76 = arith.addi %mul3A_74, %add3A_75 : i32
    %get3A_77 = arith.index_cast %add3A_76 : i32 to index
    %get3A_78 = tpu.vector_load %arg8[%get3A_77] {strides = array<i32>} : memref<256xf32, #tpu.memory_space<vmem>>, vector<16xf32>,
    %exp3A_79 = math.exp %get3A_78 : vector<16xf32>
    %get3A_80 = arith.index_cast %add3A_76 : i32 to index
    %get3A_81 = tpu.vector_load %arg9[%get3A_80] {strides = array<i32>} : memref<256xf32, #tpu.memory_space<vmem>>, vector<16xf32>,
    %mul3A_82 = arith.mulf %exp3A_79, %get3A_81 : vector<16xf32>
    %swap3A_83 = arith.constant 80 : index
    %swap3A_84 = tpu.vector_load %arg11[%swap3A_83] {strides = array<i32>} : memref<128xf32, #tpu.memory_space<vmem>>, vector<16xf32>,
    tpu.vector_store %arg11[%swap3A_83], %mul3A_82 {strides = array<i32>} : memref<128xf32, #tpu.memory_space<vmem>>, vector<16xf32>,
    %mul3A_85 = arith.constant 128 : i32
    %mul3A_86 = arith.muli %arg0, %mul3A_85 : i32
    %add3A_87 = arith.constant 96 : i32
    %add3A_88 = arith.addi %mul3A_86, %add3A_87 : i32
    %get3A_89 = arith.index_cast %add3A_88 : i32 to index
    %get3A_90 = tpu.vector_load %arg8[%get3A_89] {strides = array<i32>} : memref<256xf32, #tpu.memory_space<vmem>>, vector<16xf32>,
    %exp3A_91 = math.exp %get3A_90 : vector<16xf32>
    %get3A_92 = arith.index_cast %add3A_88 : i32 to index
    %get3A_93 = tpu.vector_load %arg9[%get3A_92] {strides = array<i32>} : memref<256xf32, #tpu.memory_space<vmem>>, vector<16xf32>,
    %mul3A_94 = arith.mulf %exp3A_91, %get3A_93 : vector<16xf32>
    %swap3A_95 = arith.constant 96 : index
    %swap3A_96 = tpu.vector_load %arg11[%swap3A_95] {strides = array<i32>} : memref<128xf32, #tpu.memory_space<vmem>>, vector<16xf32>,
    tpu.vector_store %arg11[%swap3A_95], %mul3A_94 {strides = array<i32>} : memref<128xf32, #tpu.memory_space<vmem>>, vector<16xf32>,
    %mul3A_97 = arith.constant 128 : i32
    %mul3A_98 = arith.muli %arg0, %mul3A_97 : i32
    %add3A_99 = arith.constant 112 : i32
    %add3A_100 = arith.addi %mul3A_98, %add3A_99 : i32
    %get3A_101 = arith.index_cast %add3A_100 : i32 to index
    %get3A_102 = tpu.vector_load %arg8[%get3A_101] {strides = array<i32>} : memref<256xf32, #tpu.memory_space<vmem>>, vector<16xf32>,
    %exp3A_103 = math.exp %get3A_102 : vector<16xf32>
    %get3A_104 = arith.index_cast %add3A_100 : i32 to index
    %get3A_105 = tpu.vector_load %arg9[%get3A_104] {strides = array<i32>} : memref<256xf32, #tpu.memory_space<vmem>>, vector<16xf32>,
    %mul3A_106 = arith.mulf %exp3A_103, %get3A_105 : vector<16xf32>
    %swap3A_107 = arith.constant 112 : index
    %swap3A_108 = tpu.vector_load %arg11[%swap3A_107] {strides = array<i32>} : memref<128xf32, #tpu.memory_space<vmem>>, vector<16xf32>,
    tpu.vector_store %arg11[%swap3A_107], %mul3A_106 {strides = array<i32>} : memref<128xf32, #tpu.memory_space<vmem>>, vector<16xf32>,
    %mul3A_109 = arith.constant 2 : i32
    %mul3A_110 = arith.muli %mul3A_109, %arg1 : i32
    %add3A_111 = arith.addi %mul3A_110, %arg0 : i32
    %mul3A_112 = arith.constant 128 : i32
    %mul3A_113 = arith.muli %add3A_111, %mul3A_112 : i32
    "tpu.region"() ({
      %run_scoped3A_117 = tpu.sem_alloc : memref<!tpu.dma_semaphore, #tpu.memory_space<semaphore_mem>>
      %dma_start3A = tpu.memref_slice %arg5[%mul3A_113] : memref<4096xf32, #tpu.memory_space<hbm>> -> memref<128xf32, #tpu.memory_space<hbm>>
      %dma_start3A_118 = tpu.memref_slice %arg5[%mul3A_113] : memref<4096xf32, #tpu.memory_space<hbm>> -> memref<128xf32, #tpu.memory_space<hbm>>
      tpu.enqueue_dma source(%arg11 : memref<128xf32, #tpu.memory_space<vmem>>) target(%dma_start3A_118 : memref<128xf32, #tpu.memory_space<hbm>>) target_semaphore(%run_scoped3A_117 : memref<!tpu.dma_semaphore, #tpu.memory_space<semaphore_mem>>)
      %dma_wait3A = tpu.memref_slice %arg5[%mul3A_113] : memref<4096xf32, #tpu.memory_space<hbm>> -> memref<128xf32, #tpu.memory_space<hbm>>
      %dma_wait3A_119 = tpu.memref_slice %arg5[%mul3A_113] : memref<4096xf32, #tpu.memory_space<hbm>> -> memref<128xf32, #tpu.memory_space<hbm>>
      tpu.wait_dma2 semaphore(%run_scoped3A_117 : memref<!tpu.dma_semaphore, #tpu.memory_space<semaphore_mem>>) src(%arg11 : memref<128xf32, #tpu.memory_space<vmem>>) dst(%dma_wait3A_119 : memref<128xf32, #tpu.memory_space<hbm>>)
      tpu.yield
    }) : () -> ()
    %barrier3A = arith.constant 0 : index
    tpu.barrier barrier_id(%barrier3A)
    "tpu.region"() ({
      %run_scoped3A_117 = tpu.sem_alloc : memref<!tpu.dma_semaphore, #tpu.memory_space<semaphore_mem>>
      tpu.enqueue_dma source(%arg14 : memref<4096xf32, #tpu.memory_space<vmem_shared>>) target(%arg10 : memref<4096xf32, #tpu.memory_space<vmem>>) target_semaphore(%run_scoped3A_117 : memref<!tpu.dma_semaphore, #tpu.memory_space<semaphore_mem>>)
      tpu.wait_dma2 semaphore(%run_scoped3A_117 : memref<!tpu.dma_semaphore, #tpu.memory_space<semaphore_mem>>) src(%arg14 : memref<4096xf32, #tpu.memory_space<vmem_shared>>) dst(%arg10 : memref<4096xf32, #tpu.memory_space<vmem>>)
      tpu.yield
    }) : () -> ()
    %parallel_loop3A_114 = arith.constant 0 : i32
    %parallel_loop3A_115 = arith.constant 8192 : i32
    %parallel_loop3A_116 = arith.constant 16 : i32
    scf.for %parallel_loop3A_117 = %parallel_loop3A_114 to %parallel_loop3A_115 step %parallel_loop3A_116  : i32 {
      %parallel_loop3A_118 = arith.index_cast %parallel_loop3A_117 : i32 to index
      %parallel_loop3A_119 = tpu.vector_load %arg12[%parallel_loop3A_118] {strides = array<i32>} : memref<8192xi32, #tpu.memory_space<vmem>>, vector<16xi32>,
      %parallel_loop3A_120 = tpu.vector_load_idx %arg10[%parallel_loop3A_119] : memref<4096xf32, #tpu.memory_space<vmem>>[vector<16xi32>], vector<16xf32>,
      %parallel_loop3A_121 = arith.index_cast %parallel_loop3A_117 : i32 to index
      %parallel_loop3A_122 = tpu.vector_load %arg13[%parallel_loop3A_121] {strides = array<i32>} : memref<8192xf32, #tpu.memory_space<vmem>>, vector<16xf32>,
      tpu.vector_store %arg13[%parallel_loop3A_121], %parallel_loop3A_120 {strides = array<i32>} : memref<8192xf32, #tpu.memory_space<vmem>>, vector<16xf32>,
    } {sc.loop_unroll_factor = 8 : i64, sc.parallel_access}
    "tpu.region"() ({
      %run_scoped3A_117 = tpu.sem_alloc : memref<!tpu.dma_semaphore, #tpu.memory_space<semaphore_mem>>
      %dma_start3A = tpu.memref_slice %arg6[%mul3A_2] : memref<262144xf32, #tpu.memory_space<hbm>> -> memref<8192xf32, #tpu.memory_space<hbm>>
      %dma_start3A_118 = tpu.memref_slice %arg6[%mul3A_2] : memref<262144xf32, #tpu.memory_space<hbm>> -> memref<8192xf32, #tpu.memory_space<hbm>>
      tpu.enqueue_dma source(%arg13 : memref<8192xf32, #tpu.memory_space<vmem>>) target(%dma_start3A_118 : memref<8192xf32, #tpu.memory_space<hbm>>) target_semaphore(%run_scoped3A_117 : memref<!tpu.dma_semaphore, #tpu.memory_space<semaphore_mem>>)
      %dma_wait3A = tpu.memref_slice %arg6[%mul3A_2] : memref<262144xf32, #tpu.memory_space<hbm>> -> memref<8192xf32, #tpu.memory_space<hbm>>
      %dma_wait3A_119 = tpu.memref_slice %arg6[%mul3A_2] : memref<262144xf32, #tpu.memory_space<hbm>> -> memref<8192xf32, #tpu.memory_space<hbm>>
      tpu.wait_dma2 semaphore(%run_scoped3A_117 : memref<!tpu.dma_semaphore, #tpu.memory_space<semaphore_mem>>) src(%arg13 : memref<8192xf32, #tpu.memory_space<vmem>>) dst(%dma_wait3A_119 : memref<8192xf32, #tpu.memory_space<hbm>>)
      tpu.yield
    }) : () -> ()
    return
  }
}

module attributes {stable_mosaic.version = 14 : i64} {
  func.func @_scale_body(%arg0: i32, %arg1: memref<64x32768xf32, #tpu.memory_space<vmem>>, %arg2: memref<32768xf32, #tpu.memory_space<vmem>>, %arg3: memref<64x32768xf32, #tpu.memory_space<vmem>>) attributes {dimension_semantics = [#tpu.dimension_semantics<arbitrary>], iteration_bounds = array<i64: 8>, scalar_prefetch = 0 : i64, scratch_operands = 0 : i64, tpu.core_type = #tpu.core_type<tc>, window_params = [{transform_indices = @transform_0, window_bounds = array<i64: 64, 32768>}, {transform_indices = @transform_1, window_bounds = array<i64: 32768>}, {transform_indices = @transform_2, window_bounds = array<i64: 64, 32768>}]} {
    %get3A = arith.constant 0 : index
    %get3A_0 = arith.constant 0 : index
    %get3A_1 = vector.load %arg1[%get3A, %get3A_0] : memref<64x32768xf32, #tpu.memory_space<vmem>>, vector<64x32768xf32>
    %exp3A = math.exp %get3A_1 : vector<64x32768xf32>
    %get3A_2 = arith.constant 0 : index
    %get3A_3 = vector.load %arg2[%get3A_2] : memref<32768xf32, #tpu.memory_space<vmem>>, vector<32768xf32>
    %broadcast_in_dim3A = vector.shape_cast %get3A_3 : vector<32768xf32> to vector<1x32768xf32>
    %mul3A = vector.broadcast %broadcast_in_dim3A : vector<1x32768xf32> to vector<64x32768xf32>
    %mul3A_4 = arith.mulf %exp3A, %mul3A : vector<64x32768xf32>
    %swap3A = arith.constant 0 : index
    %swap3A_5 = arith.constant 0 : index
    %swap3A_6 = vector.load %arg3[%swap3A, %swap3A_5] : memref<64x32768xf32, #tpu.memory_space<vmem>>, vector<64x32768xf32>
    tpu.vector_store %arg3[%swap3A, %swap3A_5], %mul3A_4 {strides = array<i32>} : memref<64x32768xf32, #tpu.memory_space<vmem>>, vector<64x32768xf32>,
    return
  }
  func.func @transform_0(%arg0: i32) -> (i32, i32) {
    %c0_i32 = arith.constant 0 : i32
    %c0_i32_0 = arith.constant 0 : i32
    return %c0_i32, %arg0 : i32, i32
  }
  func.func @transform_1(%arg0: i32) -> i32 {
    %c0_i32 = arith.constant 0 : i32
    return %arg0 : i32
  }
  func.func @transform_2(%arg0: i32) -> (i32, i32) {
    %c0_i32 = arith.constant 0 : i32
    %c0_i32_0 = arith.constant 0 : i32
    return %c0_i32, %arg0 : i32, i32
  }
}

module attributes {stable_mosaic.version = 14 : i64} {
  func.func @_rowsum_body(%arg0: i32, %arg1: memref<64x65536xf32, #tpu.memory_space<vmem>>, %arg2: memref<65536xf32, #tpu.memory_space<vmem>>) attributes {dimension_semantics = [#tpu.dimension_semantics<arbitrary>], iteration_bounds = array<i64: 4>, scalar_prefetch = 0 : i64, scratch_operands = 0 : i64, tpu.core_type = #tpu.core_type<tc>, window_params = [{transform_indices = @transform_0, window_bounds = array<i64: 64, 65536>}, {transform_indices = @transform_1, window_bounds = array<i64: 65536>}]} {
    %get3A = arith.constant 0 : index
    %get3A_0 = arith.constant 0 : index
    %get3A_1 = vector.load %arg1[%get3A, %get3A_0] : memref<64x65536xf32, #tpu.memory_space<vmem>>, vector<64x65536xf32>
    %exp3A = math.exp %get3A_1 : vector<64x65536xf32>
    %reduce_sum3A = arith.constant dense<0.000000e+00> : vector<65536xf32>
    %reduce_sum3A_2 = vector.multi_reduction <add>, %exp3A, %reduce_sum3A [0] : vector<64x65536xf32> to vector<65536xf32>
    %swap3A = arith.constant 0 : index
    %swap3A_3 = vector.load %arg2[%swap3A] : memref<65536xf32, #tpu.memory_space<vmem>>, vector<65536xf32>
    tpu.vector_store %arg2[%swap3A], %reduce_sum3A_2 {strides = array<i32>} : memref<65536xf32, #tpu.memory_space<vmem>>, vector<65536xf32>,
    return
  }
  func.func @transform_0(%arg0: i32) -> (i32, i32) {
    %c0_i32 = arith.constant 0 : i32
    %c0_i32_0 = arith.constant 0 : i32
    return %c0_i32, %arg0 : i32, i32
  }
  func.func @transform_1(%arg0: i32) -> i32 {
    %c0_i32 = arith.constant 0 : i32
    return %arg0 : i32
  }
}

</mosaic_0001>

<sc_bundles>
// kernel: kernel.6.cloned.1.call-start
scs
__scs_entry_jumppad:
0x0: {  	(pc) =	sbr.rel $0x88, $3  }
0x1: {  	(tag) =	ssettag $0x0;
	lr =	simm.s32 $0x1  }
0x2: {  	[smem:$0x3F9E] =	sst lr;
	_ =	strace $0xD0000000  }
0x3: {  	_ = 	snop  }
0x4: {  	_ = 	snop  }
0x5: {  	_ = 	snop  }
0x6: {  	_ = 	snop  }
0x7: {  	_ = 	snop  }
__scs_overlays_trampoline_lowered:
0x8: {  	[smem:$0x3FAD] =	sst s0  }
0x9: {  	[smem:$0x3FAE] =	sst s1  }
0xa: {  	[smem:$0x3FAF] =	sst s2  }
0xb: {  	[smem:$0x3FB0] =	sst s3  }
0xc: {  	[smem:$0x3FB1] =	sst s4  }
0xd: {  	[smem:$0x3FB2] =	sst s5  }
0xe: {  	[smem:$0x3FB3] =	sst s6  }
0xf: {  	[smem:$0x3FB4] =	sst s7  }
0x10: {  	[smem:$0x3FB5] =	sst s8  }
0x11: {  	[smem:$0x3FB6] =	sst s9;
	s0 =	simm.s32 @!p0 $0x0  }
0x12: {  	s1 =	sld [smem:$0x3F9C];
	s0 =	simm.s32 @p0 $0x1  }
0x13: {  	[smem:$0x3FB7] =	sst s0;
	s0 =	simm.s32 @!p1 $0x0  }
0x14: {  	s2 =	sld [smem:$0x3F9B];
	s0 =	simm.s32 @p1 $0x1  }
0x15: {  	[smem:$0x3FB8] =	sst s0;
	s0 =	simm.s32 @!p2 $0x0  }
0x16: {  	s3 =	sld [smem:$0x3FDB];
	s0 =	simm.s32 @p2 $0x1  }
0x17: {  	s4 =	simm.s32 $0x1BF5;
	[smem:$0x3FBA] =	sst s0  }
0x18: {  	s0 =	sld [smem:$0x3F9D];
	_ =	swait.ge [sflag:s4], $0x0  }
0x19: {  	s7 =	sld [smem:$0x3F9E]  }
0x1a: {  	s8 =	sadd.s32 $0xFFFFE003, lr  }
0x1b: {  	s9 =	sadd.s32 $0xFFFFFEF7, lr;
	s5 =	simm.s32 $0xFFFFFFFF;
	p2 =	slt.u32 s8, $0xFFFFF086  }
0x1c: {  	p1 =	slt.u32 s9, $0xF7A;
	s5 =	simm.s32 @!p2 $0x0  }
0x1d: {  	s5 =	simm.s32 @p1 $0x1;
	p0 =	seq.s32 s7, s2  }
0x1e: {  	s7 =	smul.u32 @!p0 $0xF7A, s2;
	p2 =	seq.s32 @!p0 s5, $0x0  }
0x1f: {  	s9 =	smul.u32 $0xF7A, s1;
	s8 =	simm.s32 @!p0 $0x1BF5;
	p2 =	por !p2, p0  }
0x20: {  	[sflag:s8] =	ssyncset.s32 @!p0 $0xFFFFF086;
	s6 =	sadd.s32 @!p0 s3, s7;
	s7 =	simm.s32 @!p0 $0x108  }
0x21: {  	s3 =	sadd.s32 s3, s9;
	s6 =	sadd.s32 @!p0 $0x88, s6;
	s7 =	simm.s32 @p2 $0x1082  }
0x22: {  	[simem:s7], [sflag:s8] =	dma.local @!p0 [hbm:s6], $0xF7A  }
0x23: {  	s9 =	sor.u32 $0xD0000000, s2;
	s6 =	simm.s32 $0x108;
	_ =	swait.ge @!p0 [sflag:s8], $0x0  }
0x24: {  	s3 =	sadd.s32 $0x88, s3;
	s6 =	simm.s32 @!p1 $0x1082;
	[sflag:s4] =	ssyncset.s32 $0xFFFFF086  }
0x25: {  	[simem:s6], [sflag:s4] =	dma.local [hbm:s3], $0xF7A  }
0x26: {  	[smem:$0x3F9E] =	sst s1;
	(tag) =	ssettag s2;
	_ =	strace s9  }
0x27: {  	s1 =	sld [smem:$0x3FAE]  }
0x28: {  	s2 =	sld [smem:$0x3FAF]  }
0x29: {  	s4 =	sld [smem:$0x3FB1]  }
0x2a: {  	p0 =	seq.s32 s5, $0x0;
	s5 =	sld [smem:$0x3FB2]  }
0x2b: {  	s6 =	sld [smem:$0x3FB3]  }
0x2c: {  	s7 =	sld [smem:$0x3FB4]  }
0x2d: {  	s3 =	simm.s32 $0x108;
	s8 =	sld [smem:$0x3FB5]  }
0x2e: {  	s3 =	simm.s32 @!p0 $0x1082;
	s9 =	sld [smem:$0x3FB6]  }
0x2f: {  	lr =	sadd.s32 s0, s3;
	s0 =	sld [smem:$0x3FAD]  }
0x30: {  	s3 =	sld [smem:$0x3FB0]  }
0x31: {  	[smem:$0x3FB9] =	sst s10  }
0x32: {  	s10 =	sld [smem:$0x3FB7];
	_ =	sdelay $0x3  }
0x33: {  	p0 =	seq.s32 s10, $0x1;
	s10 =	sld [smem:$0x3FB9];
	_ =	sdelay $0x3  }
0x34: {  	[smem:$0x3FB9] =	sst s10  }
0x35: {  	s10 =	sld [smem:$0x3FB8];
	_ =	sdelay $0x3  }
0x36: {  	p1 =	seq.s32 s10, $0x1;
	s10 =	sld [smem:$0x3FB9];
	_ =	sdelay $0x3  }
0x37: {  	[smem:$0x3FB9] =	sst s10  }
0x38: {  	s10 =	sld [smem:$0x3FBA]  }
0x39: {  	_ = 	snop;
	(pc) =	sbr.ind lr, $3  }
0x3a: {  	_ = 	snop  }
0x3b: {  	_ = 	snop  }
0x3c: {  	p2 =	seq.s32 s10, $0x1;
	s10 =	sld [smem:$0x3FB9]  }
0x3d: {  	_ =	shalt  }
0x3e: {  	_ =	shalt  }
0x3f: {  	_ =	shalt  }
0x40: {  	_ =	shalt  }
0x41: {  	_ =	shalt  }
0x42: {  	_ =	shalt  }
0x43: {  	_ =	shalt  }
0x44: {  	_ =	shalt  }
0x45: {  	_ =	shalt  }
0x46: {  	_ =	shalt  }
0x47: {  	_ =	shalt  }
0x48: {  	_ =	shalt  }
0x49: {  	_ =	shalt  }
0x4a: {  	_ =	shalt  }
0x4b: {  	_ =	shalt  }
0x4c: {  	_ =	shalt  }
0x4d: {  	_ =	shalt  }
0x4e: {  	_ =	shalt  }
0x4f: {  	_ =	shalt  }
0x50: {  	_ =	shalt  }
0x51: {  	_ =	shalt  }
0x52: {  	_ =	shalt  }
0x53: {  	_ =	shalt  }
0x54: {  	_ =	shalt  }
0x55: {  	_ =	shalt  }
0x56: {  	_ =	shalt  }
0x57: {  	_ =	shalt  }
0x58: {  	_ =	shalt  }
0x59: {  	_ =	shalt  }
0x5a: {  	_ =	shalt  }
0x5b: {  	_ =	shalt  }
0x5c: {  	_ =	shalt  }
0x5d: {  	_ =	shalt  }
0x5e: {  	_ =	shalt  }
0x5f: {  	_ =	shalt  }
0x60: {  	_ =	shalt  }
0x61: {  	_ =	shalt  }
0x62: {  	_ =	shalt  }
0x63: {  	_ =	shalt  }
0x64: {  	_ =	shalt  }
0x65: {  	_ =	shalt  }
0x66: {  	_ =	shalt  }
0x67: {  	_ =	shalt  }
0x68: {  	_ =	shalt  }
0x69: {  	_ =	shalt  }
0x6a: {  	_ =	shalt  }
0x6b: {  	_ =	shalt  }
0x6c: {  	_ =	shalt  }
0x6d: {  	_ =	shalt  }
0x6e: {  	_ =	shalt  }
0x6f: {  	_ =	shalt  }
0x70: {  	_ =	shalt  }
0x71: {  	_ =	shalt  }
0x72: {  	_ =	shalt  }
0x73: {  	_ =	shalt  }
0x74: {  	_ =	shalt  }
0x75: {  	_ =	shalt  }
0x76: {  	_ =	shalt  }
0x77: {  	_ =	shalt  }
0x78: {  	_ =	shalt  }
0x79: {  	_ =	shalt  }
0x7a: {  	_ =	shalt  }
0x7b: {  	_ =	shalt  }
0x7c: {  	_ =	shalt  }
0x7d: {  	_ =	shalt  }
0x7e: {  	_ =	shalt  }
0x7f: {  	_ =	shalt  }
0x80: {  	_ =	shalt  }
0x81: {  	_ =	shalt  }
0x82: {  	_ =	shalt  }
0x83: {  	_ =	shalt  }
0x84: {  	_ =	shalt  }
0x85: {  	_ =	shalt  }
0x86: {  	_ =	shalt  }
0x87: {  	_ =	shalt  }
.Lfunc_end0:
.L_simem_size_0:
called_computation_lowered:
.L_overlay_start_0:
0x88: {  	s2 =	sld [smem:$0x3FD9]  }
0x89: {  	s3 =	sld [smem:$0x3FFE];
	_ =	sdelay $0x1  }
0x8a: {  	s1 =	srdreg.scid  }
0x8b: {  	s0 =	sand.u32 $0x1, s1  }
0x8c: {  	s14 =	sshll.u32 s0, $0xA;
	s2 =	sadd.s32 s3, s2  }
0x8d: {  	s2 =	sadd.s32 s2, s14  }
0x8e: {  	[smem:$0x3FC5] =	sst s2  }
0x8f: {  	_ = 	snop  }
0x90: {  	s2 =	sld [smem:$0x3FD0];
	_ =	sdelay $0x2  }
0x91: {  	s4 =	simm.s32 $0xA;
	s5 =	simm.s32 $0x10;
	s15 =	sld [smem:$0x3FC7]  }
0x92: {  	[smem:s5], [sflag:s4] =	dma.local [hbm:s2], $0x1  }
0x93: {  	_ =	swait.eq [sflag:s4], $0x1  }
0x94: {  	[sflag:s4] =	ssyncset.done $0x0  }
0x95: {  	[sflag:s4] =	ssyncadd.s32 $0xFFFFFFFF  }
0x96: {  	s16 =	sld [smem:$0x10];
	(tm) =	ssettm $0x1  }
0x97: {  	s17 =	sld [smem:$0x3FFB];
	_ =	sdelay $0x3  }
0x98: {  	_ =	strace s17  }
0x99: {  	s4 =	sld [smem:$0x3FFC];
	_ =	sdelay $0x3  }
0x9a: {  	_ =	strace s4  }
0x9b: {  	s4 =	sld [smem:$0x3FFD];
	_ =	sdelay $0x3  }
0x9c: {  	_ =	strace s4  }
0x9d: {  	_ =	strace $0x8FFFFFFF  }
0x9e: {  	s18 =	sld [smem:$0x3FDB];
	_ =	sdelay $0x1  }
0x9f: {  	s19 =	simm.s32 $_scs_section_size  }
0xa0: {  	s6 =	simm.s32 $_size__tile_overlayer_lowered;
	s7 =	simm.s32 $_tile_overlayer_lowered  }
0xa1: {  	s22 =	simm.s32 $0x1BFF;
	s21 =	sshll.u32 s7, $0x1;
	s4 =	sadd.s32 s19, s18  }
0xa2: {  	s8 =	simm.s32 $0x0;
	s20 =	sshll.u32 s6, $0x1;
	s6 =	sadd.s32 s21, s4  }
0xa3: {  	[timem:s8], [sflag:s22] =	dma.local [hbm:s6], s20  }
0xa4: {  	_ =	swait.ge [sflag:s22], s20  }
0xa5: {  	s5 =	ssub.s32 $0x0, s20;
	[sflag:s22] =	ssyncset.done $0x0  }
0xa6: {  	[sflag:s22] =	ssyncadd.s32 s5;
	_ =	sdelay $0x1  }
0xa7: {  	s23 =	simm.s32 $0x1B8B  }
0xa8: {  	_ =	swait.ge [sflag:s23], $0x1  }
0xa9: {  	[sflag:s23] =	ssyncset.done $0x0  }
0xaa: {  	s25 =	simm.s32 $0x1B8E;
	s24 =	sld [smem:$0x3FFE];
	[sflag:s23] =	ssyncadd.s32 $0xFFFFFFFF  }
0xab: {  	s26 =	simm.s32 $execute0_lowered;
	[smem:$0x3FD2] =	sst s25  }
0xac: {  	s6 =	sshll.u32 s26, $0x1;
	_ =	strace $0x80000046;
	[dreg:$0x1] =	wrdreg $0xFFFFFFFF  }
0xad: {  	s28 =	simm.s32 $_size_execute0_lowered;
	s4 =	sadd.s32 s4, s6;
	[dreg:$0x0] =	wrdreg $0x0  }
0xae: {  	s6 =	sshll.u32 s28, $0x1;
	[dreg:$0x2] =	wrdreg s4  }
0xaf: {  	[dreg:$0x3] =	wrdreg s6  }
0xb0: {  	[dreg:$0x4] =	wrdreg $0xC0  }
0xb1: {  	_ =	task [dreg:s8], $0x5FFFF  }
0xb2: {  	[dreg:$0x1] =	wrdreg $0xFFFFFFFF  }
0xb3: {  	[dreg:$0x0] =	wrdreg $0x60  }
0xb4: {  	[dreg:$0x2] =	wrdreg s16  }
0xb5: {  	[dreg:$0x3] =	wrdreg s15  }
0xb6: {  	[dreg:$0x4] =	wrdreg s24  }
0xb7: {  	[dreg:$0x5] =	wrdreg $0x61000  }
0xb8: {  	[dreg:$0x6] =	wrdreg $0x9  }
0xb9: {  	_ =	task.clear_ibuf [dreg:s8], $0x7FFFF;
	_ =	strace $0x90000046  }
0xba: {  	s29 =	simm.s32 $0x9;
	_ =	strace $0x80000048  }
0xbb: {  	_ =	swait.ge [sflag:s29], $0x1  }
0xbc: {  	[sflag:s29] =	ssyncadd.s32 $0xFFFFFFFF  }
0xbd: {  	_ =	strace $0x90000048  }
0xbe: {  	_ =	sfence  }
0xbf: {  	s30 =	sld [smem:$0x0];
	_ =	sdelay $0x2  }
0xc0: {  	s31 =	sshll.u32 s1, $0xD;
	s1 =	sshrl.u32 s1, $0x2  }
0xc1: {  	s3 =	sand.u32 $0x4000, s31;
	s1 =	sadd.s32 s1, s30  }
0xc2: {  	s0 =	sor.u32 s3, s0;
	s1 =	sshll.u32 s1, $0x11  }
0xc3: {  	s0 =	sor.u32 s1, s0  }
0xc4: {  	s0 =	sadd.s32 $0x8F2B, s0  }
0xc5: {  	[sflag:s0] =	ssyncadd.remote.s32 $0x1  }
0xc6: {  	_ =	sfence.sel $0xFFFF  }
0xc7: {  	[dreg:$0x0] =	wrdreg $0xFFFFFFFF;
	(pc) =	sbr.abs _section_cstart, $3  }
0xc8: {  	[dreg:$0x1] =	wrdreg $0xFFFFFFFF  }
0xc9: {  	_ =	task.clear_ibuf [dreg:s8], $0x2FFFF;
	_ =	strace $0x9FFFFFFF  }
0xca: {  	(tm) =	ssettm $0x7FFFFFFF  }
0xcb: {  	_ =	shalt  }
tec
execute0_lowered:
.L_overlay_start_1:
0x0: {  	(tag) =	ssettag $0x1  }
0x1: {  	s4 =	rddreg [dreg:$0x0]  }
0x2: {  	s3 =	rddreg [dreg:$0x1]  }
0x3: {  	s5 =	rddreg [dreg:$0x2]  }
0x4: {  	s6 =	rddreg [dreg:$0x3]  }
0x5: {  	s0 =	rddreg [dreg:$0x4]  }
0x6: {  	s2 =	simm.s32 $0x0;
	s7 =	srdreg.scid;
	s1 =	stileid.u32  }
0x7: {  	s13 =	simm.s32 $0x400;
	s14 =	simm.s32 $0x800;
	s15 =	simm.s32 $0x8000  }
0x8: {  	s16 =	simm.s32 $0x5000;
	s17 =	simm.s32 $0x6000;
	s18 =	simm.s32 $0x0  }
0x9: {  	[smem:$0x7FF] =	sst s2;
	s7 =	sand.u32 $0x1, s7;
	s10 =	sshll.u32 s1, $0xD  }
0xa: {  	s11 =	sshll.u32 s1, $0x5;
	s28 =	sshll.u32 s1, $0xC;
	s29 =	sshll.u32 s1, $0x7  }
0xb: {  	_ =	strace $0x80000047;
	s8 =	ssub.s32 $0x2, s7;
	s9 =	sshll.u32 s7, $0x11  }
0xc: {  	s11 =	sadd.s32 s11, s5;
	s30 =	sand.u32 $0x8000, s28;
	s31 =	sand.u32 $0x380, s29  }
0xd: {  	s7 =	sshll.u32 s7, $0x9;
	s12 =	sshrl.u32 s8, $0x1;
	s9 =	sor.u32 s10, s9  }
0xe: {  	s5 =	sadd.s32 s30, s6;
	s10 =	sshrl.u32 s10, $0x2;
	s7 =	sadd.s32 s7, s11  }
0xf: {  	s11 =	simm.s32 $0x4000;
	s8 =	ssub.s32 s8, s12;
	s26 =	sshrl.u32 s9, $0x3  }
0x10: {  	s5 =	sadd.s32 s31, s5;
	s6 =	sadd.s32 s10, s6;
	s7 =	sadd.s32 $0x1000, s7  }
0x11: {  	s9 =	simm.s32 $0x1;
	s10 =	simm.s32 $0x2000;
	s12 =	simm.s32 $0x80  }
0x12: {  	v0 =	vimm.f32 $0.0e+00;
	s3 =	sadd.s32 s3, s26;
	s4 =	sadd.s32 s4, s26;
	s8 =	smax.u32 s8, $0x1  }
.LBB2_1:
0x13: {  	[tilespmem:s2], [sflag:$0x1] =	stream.linear.gather [hbm4b:s3+s2], $0x2000, $0x38;
	[tilespmem:$0x7100] =	vst v63  }
0x14: {  	_ =	swait.ge [sflag:s9], $0x2000  }
0x15: {  	[sflag:s9] =	ssyncset.done $0x0  }
0x16: {  	[sflag:s9] =	ssyncadd.s32 $0xFFFFE000  }
0x17: {  	[tilespmem:s10], [sflag:$0x1] =	stream.linear.gather [hbm4b:s4+s2], $0x2000, $0x38;
	[tilespmem:$0x7100] =	vst v63  }
0x18: {  	_ =	swait.ge [sflag:s9], $0x2000  }
0x19: {  	[sflag:s9] =	ssyncset.done $0x0  }
0x1a: {  	s20 =	simm.s32 $0x4040;
	[sflag:s9] =	ssyncadd.s32 $0xFFFFE000  }
0x1b: {  	[tilespmem:s20+$0xFFFFFFC0] =	vst v0  }
0x1c: {  	[tilespmem:s20+$0x30] =	vst v0  }
0x1d: {  	[tilespmem:s20+$0x20] =	vst v0  }
0x1e: {  	[tilespmem:s20+$0x10] =	vst v0  }
0x1f: {  	[tilespmem:s20+$0x0] =	vst v0  }
0x20: {  	[tilespmem:s20+$0xFFFFFFF0] =	vst v0  }
0x21: {  	s22 =	simm.s32 $0x0;
	s19 =	simm.s32 $0x2040;
	[tilespmem:s20+$0xFFFFFFE0] =	vst v0  }
.LBB2_2:
0x22: {  	s22 =	sadd.s32 $0x80, s22;
	[tilespmem:s20+$0xFFFFFFD0] =	vst v0;
	s20 =	sadd.s32 $0x80, s20;
	s21 =	simm.s32 $0x40  }
0x23: {  	[tilespmem:s20+$0xFFFFFFC0] =	vst v0;
	p0 =	slt.u32 s22, $0xF80  }
0x24: {  	[tilespmem:s20+$0x30] =	vst v0  }
.Ltmp0:
0x25: {  	[tilespmem:s20+$0x20] =	vst v0;
	(pc) =	sbr.rel @p0 .LBB2_2-.Ltmp0, $4  }
0x26: {  	[tilespmem:s20+$0x10] =	vst v0  }
0x27: {  	[tilespmem:s20+$0x0] =	vst v0  }
0x28: {  	[tilespmem:s20+$0xFFFFFFF0] =	vst v0  }
0x29: {  	[tilespmem:s20+$0xFFFFFFE0] =	vst v0  }
0x2a: {  	[tilespmem:s20+$0xFFFFFFD0] =	vst v0  }
0x2b: {  	v1 =	vld [tilespmem:s21+$0x30]  }
0x2c: {  	v2 =	vld [tilespmem:s21+$0xFFFFFFD0]  }
0x2d: {  	v3 =	vld [tilespmem:s21+$0xFFFFFFE0]  }
0x2e: {  	v4 =	vld [tilespmem:s19+$0x30]  }
0x2f: {  	v5 =	vld [tilespmem:s21+$0xFFFFFFF0]  }
0x30: {  	v6 =	vld [tilespmem:s21+$0x0]  }
0x31: {  	v7 =	vld [tilespmem:s21+$0x10]  }
0x32: {  	v8 =	vld [tilespmem:s21+$0x20]  }
0x33: {  	v63 =	vld [tilespmem:s19+$0xFFFFFFC0]  }
0x34: {  	v9 =	vld [tilespmem:s19+$0xFFFFFFD0]  }
0x35: {  	v10 =	vld [tilespmem:s19+$0xFFFFFFE0]  }
0x36: {  	v11 =	vld [tilespmem:s19+$0xFFFFFFF0]  }
0x37: {  	v12 =	vld [tilespmem:s19+$0x0]  }
0x38: {  	v13 =	vld [tilespmem:s19+$0x10]  }
0x39: {  	[tilespmem:v1+s11+$0x0] =	vst.idx.add.f32.msk $0xffff, v4  }
0x3a: {  	v1 =	vld [tilespmem:s21+$0xFFFFFFC0]  }
0x3b: {  	v14 =	vld [tilespmem:s19+$0x20]  }
0x3c: {  	[tilespmem:v2+s11+$0x0] =	vst.idx.add.f32.msk $0xffff, v9  }
0x3d: {  	[tilespmem:v3+s11+$0x0] =	vst.idx.add.f32.msk $0xffff, v10  }
0x3e: {  	[tilespmem:v5+s11+$0x0] =	vst.idx.add.f32.msk $0xffff, v11  }
0x3f: {  	[tilespmem:v6+s11+$0x0] =	vst.idx.add.f32.msk $0xffff, v12  }
0x40: {  	[tilespmem:v7+s11+$0x0] =	vst.idx.add.f32.msk $0xffff, v13  }
0x41: {  	[tilespmem:v8+s11+$0x0] =	vst.idx.add.f32.msk $0xffff, v14  }
0x42: {  	s20 =	simm.s32 $0x0;
	s21 =	simm.s32 $0xC0;
	[tilespmem:v1+s11+$0x0] =	vst.idx.add.f32.msk $0xffff, v63  }
.LBB2_4:
0x43: {  	v1 =	vld [tilespmem:s21+$0x30];
	s20 =	sadd.s32 $0x80, s20  }
0x44: {  	v2 =	vld [tilespmem:s21+$0xFFFFFFD0];
	p0 =	slt.u32 s20, $0x1F80  }
0x45: {  	s19 =	sadd.s32 $0x80, s19;
	v3 =	vld [tilespmem:s21+$0xFFFFFFE0]  }
0x46: {  	v4 =	vld [tilespmem:s19+$0x30]  }
0x47: {  	v5 =	vld [tilespmem:s21+$0xFFFFFFF0]  }
0x48: {  	v6 =	vld [tilespmem:s21+$0x0]  }
0x49: {  	v7 =	vld [tilespmem:s21+$0x10]  }
0x4a: {  	v8 =	vld [tilespmem:s21+$0x20]  }
0x4b: {  	[tilespmem:v1+s11+$0x0] =	vst.idx.add.f32.msk $0xffff, v4  }
0x4c: {  	v1 =	vld [tilespmem:s21+$0xFFFFFFC0]  }
0x4d: {  	v4 =	vld [tilespmem:s19+$0xFFFFFFC0]  }
0x4e: {  	v9 =	vld [tilespmem:s19+$0xFFFFFFD0]  }
0x4f: {  	v10 =	vld [tilespmem:s19+$0xFFFFFFE0]  }
0x50: {  	v11 =	vld [tilespmem:s19+$0xFFFFFFF0]  }
0x51: {  	v12 =	vld [tilespmem:s19+$0x0]  }
0x52: {  	v13 =	vld [tilespmem:s19+$0x10]  }
0x53: {  	v14 =	vld [tilespmem:s19+$0x20]  }
0x54: {  	[tilespmem:v1+s11+$0x0] =	vst.idx.add.f32.msk $0xffff, v4  }
0x55: {  	[tilespmem:v2+s11+$0x0] =	vst.idx.add.f32.msk $0xffff, v9  }
.Ltmp1:
0x56: {  	[tilespmem:v3+s11+$0x0] =	vst.idx.add.f32.msk $0xffff, v10;
	(pc) =	sbr.rel @p0 .LBB2_4-.Ltmp1, $4  }
0x57: {  	[tilespmem:v5+s11+$0x0] =	vst.idx.add.f32.msk $0xffff, v11  }
0x58: {  	[tilespmem:v6+s11+$0x0] =	vst.idx.add.f32.msk $0xffff, v12  }
0x59: {  	[tilespmem:v7+s11+$0x0] =	vst.idx.add.f32.msk $0xffff, v13  }
0x5a: {  	s21 =	sadd.s32 $0x80, s21;
	[tilespmem:v8+s11+$0x0] =	vst.idx.add.f32.msk $0xffff, v14  }
0x5b: {  	[spmem:s5] =	stream.strided.scatter [tilespmem:s11], [sflag:$0x1], $0x1000, s13, s12, $0x38;
	[tilespmem:$0x7100] =	vst v63  }
0x5c: {  	_ =	swait.ge [sflag:s9], $0x1000  }
0x5d: {  	[sflag:s9] =	ssyncset.done $0x0  }
0x5e: {  	[sflag:s9] =	ssyncadd.s32 $0xFFFFF000  }
0x5f: {  	[bflag:$0x0] =	sbarrier.arrive $0xFFFF  }
0x60: {  	[tilespmem:s16], [sflag:$0x1] =	stream.strided.gather [spmem:s6], $0x1000, s15, s14, $0x38;
	[tilespmem:$0x7100] =	vst v63  }
0x61: {  	_ =	swait.ge [sflag:s9], $0x1000  }
0x62: {  	[sflag:s9] =	ssyncset.done $0x0  }
0x63: {  	[sflag:s9] =	ssyncadd.s32 $0xFFFFF000  }
0x64: {  	v30 =	vld [tilespmem:$0x5000]  }
0x65: {  	v29 =	vld [tilespmem:$0x5080]  }
0x66: {  	v33 =	vld [tilespmem:$0x5100]  }
0x67: {  	v39 =	vld [tilespmem:$0x5180]  }
0x68: {  	v46 =	vld [tilespmem:$0x5200]  }
0x69: {  	v52 =	vld [tilespmem:$0x5280]  }
0x6a: {  	v60 =	vld [tilespmem:$0x5300]  }
0x6b: {  	v1 =	vld [tilespmem:$0x5380]  }
0x6c: {  	v15 =	vld [tilespmem:$0x5010]  }
0x6d: {  	v12 =	vld [tilespmem:$0x5090]  }
0x6e: {  	v17 =	vld [tilespmem:$0x5110]  }
0x6f: {  	v21 =	vld [tilespmem:$0x5190]  }
0x70: {  	v25 =	vld [tilespmem:$0x5210]  }
0x71: {  	v38 =	vld [tilespmem:$0x5290]  }
0x72: {  	v47 =	vld [tilespmem:$0x5310]  }
0x73: {  	v56 =	vld [tilespmem:$0x5390]  }
0x74: {  	v55 =	vld [tilespmem:$0x5810]  }
0x75: {  	v6 =	vld [tilespmem:$0x5020]  }
0x76: {  	v5 =	vld [tilespmem:$0x50A0]  }
0x77: {  	v8 =	vld [tilespmem:$0x5120]  }
0x78: {  	v10 =	vld [tilespmem:$0x51A0]  }
0x79: {  	v16 =	vld [tilespmem:$0x5220]  }
0x7a: {  	v20 =	vld [tilespmem:$0x52A0]  }
0x7b: {  	v24 =	vld [tilespmem:$0x5320]  }
0x7c: {  	v32 =	vld [tilespmem:$0x53A0]  }
0x7d: {  	v37 =	vld [tilespmem:$0x5820]  }
0x7e: {  	v44 =	vld [tilespmem:$0x58A0]  }
0x7f: {  	v53 =	vld [tilespmem:$0x5920]  }
0x80: {  	v61 =	vld [tilespmem:$0x59A0]  }
0x81: {  	v2 =	vld [tilespmem:$0x5030]  }
0x82: {  	v3 =	vld [tilespmem:$0x5130]  }
0x83: {  	v4 =	vld [tilespmem:$0x51B0]  }
0x84: {  	v7 =	vld [tilespmem:$0x5230]  }
0x85: {  	v9 =	vld [tilespmem:$0x52B0]  }
0x86: {  	v11 =	vld [tilespmem:$0x5330]  }
0x87: {  	v18 =	vld [tilespmem:$0x53B0]  }
0x88: {  	v22 =	vld [tilespmem:$0x5830]  }
0x89: {  	v27 =	vld [tilespmem:$0x58B0]  }
0x8a: {  	v35 =	vld [tilespmem:$0x5930]  }
0x8b: {  	v41 =	vld [tilespmem:$0x59B0]  }
0x8c: {  	v49 =	vld [tilespmem:$0x5A30]  }
0x8d: {  	v57 =	vld [tilespmem:$0x5AB0]  }
0x8e: {  	v13 =	vld [tilespmem:$0x5B30]  }
0x8f: {  	v26 =	vld [tilespmem:$0x5BB0]  }
0x90: {  	v28 =	vld [tilespmem:$0x5040]  }
0x91: {  	v63 =	vld [tilespmem:$0x5BC0]  }
0x92: {  	v31 =	vld [tilespmem:$0x50C0]  }
0x93: {  	[tilespmem:$0x1FA90] =	vst v1;
	v1 =	vld [tilespmem:$0x5800]  }
0x94: {  	v34 =	vld [tilespmem:$0x5140]  }
0x95: {  	v36 =	vld [tilespmem:$0x51C0]  }
0x96: {  	[tilespmem:$0x1FE50] =	vst v63;
	v63 =	vld [tilespmem:$0x5860]  }
0x97: {  	v40 =	vld [tilespmem:$0x5240]  }
0x98: {  	[tilespmem:$0x1FAA0] =	vst v1;
	v1 =	vld [tilespmem:$0x5880]  }
0x99: {  	v42 =	vld [tilespmem:$0x52C0]  }
0x9a: {  	v43 =	vld [tilespmem:$0x5340]  }
0x9b: {  	[tilespmem:$0x1FCF0] =	vst v63;
	v63 =	vld [tilespmem:$0x58F0]  }
0x9c: {  	v45 =	vld [tilespmem:$0x53C0]  }
0x9d: {  	[tilespmem:$0x1FAB0] =	vst v1;
	v1 =	vld [tilespmem:$0x5900]  }
0x9e: {  	v48 =	vld [tilespmem:$0x5840]  }
0x9f: {  	v50 =	vld [tilespmem:$0x58C0]  }
0xa0: {  	[tilespmem:$0x1FD40] =	vst v63;
	v63 =	vld [tilespmem:$0x5970]  }
0xa1: {  	v51 =	vld [tilespmem:$0x5940]  }
0xa2: {  	[tilespmem:$0x1FAD0] =	vst v1;
	v1 =	vld [tilespmem:$0x5980]  }
0xa3: {  	v54 =	vld [tilespmem:$0x59C0]  }
0xa4: {  	v58 =	vld [tilespmem:$0x5A40]  }
0xa5: {  	[tilespmem:$0x1FD80] =	vst v63;
	v63 =	vld [tilespmem:$0x59F0]  }
0xa6: {  	v59 =	vld [tilespmem:$0x5AC0]  }
0xa7: {  	[tilespmem:$0x1FAF0] =	vst v1;
	v1 =	vld [tilespmem:$0x5A00]  }
0xa8: {  	v62 =	vld [tilespmem:$0x5B40]  }
0xa9: {  	v19 =	vld [tilespmem:$0x5250]  }
0xaa: {  	[tilespmem:$0x1FDC0] =	vst v63;
	v63 =	vld [tilespmem:$0x5A70]  }
0xab: {  	v23 =	vld [tilespmem:$0x52D0]  }
0xac: {  	[tilespmem:$0x1FB10] =	vst v1;
	v1 =	vld [tilespmem:$0x5A80]  }
0xad: {  	v14 =	vld [tilespmem:$0x5070]  }
0xae: {  	[tilespmem:$0x1FC90] =	vst v45;
	v45 =	vld [tilespmem:$0x5050]  }
0xaf: {  	[tilespmem:$0x1FE00] =	vst v63;
	v63 =	vld [tilespmem:$0x5AF0]  }
0xb0: {  	[tilespmem:$0x1FC70] =	vst v43;
	v43 =	vld [tilespmem:$0x50D0]  }
0xb1: {  	[tilespmem:$0x1FB30] =	vst v1;
	v1 =	vld [tilespmem:$0x5B00]  }
0xb2: {  	[tilespmem:$0x1FCE0] =	vst v50;
	v50 =	vld [tilespmem:$0x5150]  }
0xb3: {  	[tilespmem:$0x1FDD0] =	vst v59;
	v59 =	vld [tilespmem:$0x51D0]  }
0xb4: {  	[tilespmem:$0x1FE40] =	vst v63;
	v63 =	vld [tilespmem:$0x5B70]  }
0xb5: {  	[tilespmem:$0x1FC00] =	vst v26;
	v26 =	vld [tilespmem:$0x5350]  }
0xb6: {  	[tilespmem:$0x1FB60] =	vst v1;
	v1 =	vld [tilespmem:$0x5B80]  }
0xb7: {  	[tilespmem:$0x1FBE0] =	vst v28;
	v28 =	vld [tilespmem:$0x53D0]  }
0xb8: {  	[tilespmem:$0x1FBF0] =	vst v31;
	v31 =	vld [tilespmem:$0x5850]  }
0xb9: {  	[tilespmem:$0x1FE80] =	vst v63;
	v63 =	vld [tilespmem:$0x5BF0]  }
0xba: {  	[tilespmem:$0x1FC10] =	vst v34;
	v34 =	vld [tilespmem:$0x58D0]  }
0xbb: {  	[tilespmem:$0x1FB90] =	vst v1;
	v1 =	vld [tilespmem:$0x5890]  }
0xbc: {  	[tilespmem:$0x1FC20] =	vst v36;
	v36 =	vld [tilespmem:$0x5950]  }
0xbd: {  	[tilespmem:$0x1FC30] =	vst v40;
	v40 =	vld [tilespmem:$0x59D0]  }
0xbe: {  	[tilespmem:$0x1FEC0] =	vst v63;
	v63 =	vld [tilespmem:$0x5400]  }
0xbf: {  	[tilespmem:$0x1FC50] =	vst v42;
	v42 =	vld [tilespmem:$0x5A50]  }
0xc0: {  	[tilespmem:$0x1FAC0] =	vst v1;
	v1 =	vld [tilespmem:$0x5910]  }
0xc1: {  	[tilespmem:$0x1FCB0] =	vst v48;
	v48 =	vld [tilespmem:$0x5AD0]  }
0xc2: {  	[tilespmem:$0x1FD10] =	vst v51;
	v51 =	vld [tilespmem:$0x5B50]  }
0xc3: {  	[tilespmem:$0x1FEA0] =	vst v63;
	v63 =	vld [tilespmem:$0x5480]  }
0xc4: {  	[tilespmem:$0x1FD50] =	vst v54;
	v54 =	vld [tilespmem:$0x5BD0]  }
0xc5: {  	[tilespmem:$0x1FAE0] =	vst v1;
	v1 =	vld [tilespmem:$0x5990]  }
0xc6: {  	[tilespmem:$0x1FE10] =	vst v62;
	v62 =	vld [tilespmem:$0x5360]  }
0xc7: {  	[tilespmem:$0x1FD90] =	vst v58;
	v58 =	vld [tilespmem:$0x53E0]  }
0xc8: {  	[tilespmem:$0x1FEB0] =	vst v63;
	v63 =	vld [tilespmem:$0x5500]  }
0xc9: {  	[tilespmem:$0x1FC40] =	vst v19;
	v19 =	vld [tilespmem:$0x58E0]  }
0xca: {  	[tilespmem:$0x1FB00] =	vst v1;
	v1 =	vld [tilespmem:$0x5A10]  }
0xcb: {  	[tilespmem:$0x1FC60] =	vst v23;
	v23 =	vld [tilespmem:$0x5960]  }
0xcc: {  	[tilespmem:$0x1FBC0] =	vst v13;
	v13 =	vld [tilespmem:$0x50F0]  }
0xcd: {  	[tilespmem:$0x1FED0] =	vst v63;
	v63 =	vld [tilespmem:$0x5580]  }
0xce: {  	v29 =	vadd.f32 v29, v30;
	v30 =	vld [tilespmem:$0x5E80]  }
0xcf: {  	v12 =	vadd.f32 v12, v15;
	v5 =	vadd.f32 v5, v6;
	[tilespmem:$0x1FB20] =	vst v1;
	v1 =	vld [tilespmem:$0x5A90]  }
0xd0: {  	v6 =	vld [tilespmem:$0x5490];
	v29 =	vadd.f32 v33, v29  }
0xd1: {  	v33 =	vadd.f32 v17, v12;
	v5 =	vadd.f32 v8, v5;
	v8 =	vld [tilespmem:$0x5410]  }
0xd2: {  	[tilespmem:$0x1FEE0] =	vst v63;
	v63 =	vld [tilespmem:$0x5600]  }
0xd3: {  	v12 =	vadd.f32 v21, v33;
	v21 =	vld [tilespmem:$0x5E10]  }
0xd4: {  	[tilespmem:$0x1FB50] =	vst v1;
	v1 =	vld [tilespmem:$0x5B10]  }
0xd5: {  	[tilespmem:$0x1FCA0] =	vst v28;
	v28 =	vld [tilespmem:$0x5060]  }
0xd6: {  	[tilespmem:$0x1FC80] =	vst v26;
	v26 =	vld [tilespmem:$0x50E0]  }
0xd7: {  	[tilespmem:$0x1FEF0] =	vst v63;
	v63 =	vld [tilespmem:$0x5680]  }
0xd8: {  	[tilespmem:$0x1FD00] =	vst v34;
	v34 =	vld [tilespmem:$0x5160]  }
0xd9: {  	[tilespmem:$0x1FB80] =	vst v1;
	v1 =	vld [tilespmem:$0x5B90]  }
0xda: {  	[tilespmem:$0x1FD70] =	vst v40;
	v40 =	vld [tilespmem:$0x51E0]  }
0xdb: {  	[tilespmem:$0x1FDF0] =	vst v48;
	v48 =	vld [tilespmem:$0x5260]  }
0xdc: {  	[tilespmem:$0x1FF00] =	vst v63;
	v63 =	vld [tilespmem:$0x5700]  }
0xdd: {  	[tilespmem:$0x1FE70] =	vst v54;
	v54 =	vld [tilespmem:$0x52E0]  }
0xde: {  	[tilespmem:$0x1FBB0] =	vst v1;
	v1 =	vld [tilespmem:$0x5A20]  }
0xdf: {  	[tilespmem:$0x1FCD0] =	vst v31;
	v31 =	vld [tilespmem:$0x59E0]  }
0xe0: {  	[tilespmem:$0x1FD30] =	vst v36;
	v36 =	vld [tilespmem:$0x5A60]  }
0xe1: {  	[tilespmem:$0x1FF10] =	vst v63;
	v63 =	vld [tilespmem:$0x5780]  }
0xe2: {  	[tilespmem:$0x1FDB0] =	vst v42;
	v42 =	vld [tilespmem:$0x5AE0]  }
0xe3: {  	[tilespmem:$0x1FB40] =	vst v1;
	v1 =	vld [tilespmem:$0x5AA0]  }
0xe4: {  	[tilespmem:$0x1FE30] =	vst v51;
	v51 =	vld [tilespmem:$0x5B60]  }
0xe5: {  	[tilespmem:$0x1FCC0] =	vst v58;
	v58 =	vld [tilespmem:$0x5BE0]  }
0xe6: {  	[tilespmem:$0x1FF20] =	vst v63;
	v63 =	vld [tilespmem:$0x5C00]  }
0xe7: {  	[tilespmem:$0x1FD20] =	vst v19;
	v19 =	vld [tilespmem:$0x5170]  }
0xe8: {  	[tilespmem:$0x1FB70] =	vst v1;
	v1 =	vld [tilespmem:$0x5B20]  }
0xe9: {  	[tilespmem:$0x1FD60] =	vst v23;
	v23 =	vld [tilespmem:$0x51F0]  }
0xea: {  	[tilespmem:$0x1FFB0] =	vst v30;
	v30 =	vld [tilespmem:$0x5690]  }
0xeb: {  	[tilespmem:$0x1FF30] =	vst v63;
	v63 =	vld [tilespmem:$0x5C80]  }
0xec: {  	v15 =	vld [tilespmem:$0x1FAA0]  }
0xed: {  	[tilespmem:$0x1FBA0] =	vst v1;
	v1 =	vld [tilespmem:$0x5BA0]  }
0xee: {  	v6 =	vadd.f32 v6, v8;
	v8 =	vld [tilespmem:$0x5D40]  }
0xef: {  	[tilespmem:$0x1FDA0] =	vst v31;
	v31 =	vld [tilespmem:$0x5270]  }
0xf0: {  	[tilespmem:$0x1FF40] =	vst v63;
	v63 =	vld [tilespmem:$0x5D00]  }
0xf1: {  	[tilespmem:$0x1FDE0] =	vst v36;
	v36 =	vld [tilespmem:$0x52F0]  }
0xf2: {  	[tilespmem:$0x1FBD0] =	vst v1;
	v1 =	vld [tilespmem:$0x50B0]  }
0xf3: {  	[tilespmem:$0x1FE20] =	vst v42;
	v42 =	vld [tilespmem:$0x5370]  }
0xf4: {  	[tilespmem:$0x1FE60] =	vst v51;
	v51 =	vld [tilespmem:$0x53F0]  }
0xf5: {  	[tilespmem:$0x1FF60] =	vst v63;
	v63 =	vld [tilespmem:$0x5D80]  }
0xf6: {  	[tilespmem:$0x1FE90] =	vst v58;
	v58 =	vld [tilespmem:$0x5870]  }
0xf7: {  	v1 =	vadd.f32 v1, v2;
	v2 =	vld [tilespmem:$0x5F00]  }
0xf8: {  	v17 =	vld [tilespmem:$0x1FAB0]  }
0xf9: {  	v33 =	vld [tilespmem:$0x1FB00];
	v1 =	vadd.f32 v3, v1  }
0xfa: {  	[tilespmem:$0x1FF70] =	vst v63;
	v63 =	vld [tilespmem:$0x5E00]  }
0xfb: {  	v3 =	vadd.f32 v10, v5;
	v5 =	vld [tilespmem:$0x5510];
	v1 =	vadd.f32 v4, v1  }
0xfc: {  	v4 =	vld [tilespmem:$0x5590];
	[tilespmem:$0x1FFD0] =	vst v2;
	v2 =	vadd.f32 v39, v29  }
0xfd: {  	v3 =	vadd.f32 v16, v3;
	v16 =	vld [tilespmem:$0x5C90];
	v1 =	vadd.f32 v7, v1  }
0xfe: {  	v39 =	vld [tilespmem:$0x5F80];
	v2 =	vadd.f32 v46, v2  }
0xff: {  	v46 =	vadd.f32 v25, v12;
	v12 =	vld [tilespmem:$0x1FA90];
	v1 =	vadd.f32 v9, v1  }
0x100: {  	v29 =	vld [tilespmem:$0x5790];
	v2 =	vadd.f32 v52, v2  }
0x101: {  	v3 =	vadd.f32 v20, v3;
	v20 =	vld [tilespmem:$0x1FAC0];
	v1 =	vadd.f32 v11, v1  }
0x102: {  	v25 =	vld [tilespmem:$0x1FAE0];
	v2 =	vadd.f32 v60, v2  }
0x103: {  	v5 =	vadd.f32 v5, v6;
	v6 =	vld [tilespmem:$0x5EC0];
	v1 =	vadd.f32 v18, v1  }
0x104: {  	v3 =	vadd.f32 v24, v3;
	v24 =	vld [tilespmem:$0x5E90];
	v2 =	vadd.f32 v12, v2  }
0x105: {  	v1 =	vadd.f32 v22, v1;
	v22 =	vld [tilespmem:$0x1FAD0]  }
0x106: {  	v9 =	vld [tilespmem:$0x5420];
	v2 =	vadd.f32 v15, v2  }
0x107: {  	v3 =	vadd.f32 v32, v3;
	v32 =	vld [tilespmem:$0x1FAF0];
	v1 =	vadd.f32 v27, v1  }
0x108: {  	v10 =	vadd.f32 v38, v46;
	v38 =	vld [tilespmem:$0x5610];
	v2 =	vadd.f32 v17, v2  }
0x109: {  	v3 =	vadd.f32 v37, v3;
	v37 =	vld [tilespmem:$0x1FB10];
	v1 =	vadd.f32 v35, v1  }
0x10a: {  	v52 =	vld [tilespmem:$0x5D10];
	v2 =	vadd.f32 v22, v2  }
0x10b: {  	v1 =	vadd.f32 v41, v1;
	v41 =	vld [tilespmem:$0x1FB30]  }
0x10c: {  	[tilespmem:$0x1FF90] =	vst v63;
	v46 =	vld [tilespmem:$0x1FB50];
	v63 =	vadd.f32 v47, v10;
	v2 =	vadd.f32 v32, v2  }
0x10d: {  	v1 =	vadd.f32 v49, v1;
	v49 =	vld [tilespmem:$0x1FB60]  }
0x10e: {  	[tilespmem:$0x1FF50] =	vst v16;
	v16 =	vld [tilespmem:$0x5EA0];
	v7 =	vadd.f32 v56, v63;
	v2 =	vadd.f32 v37, v2  }
0x10f: {  	v60 =	vld [tilespmem:$0x1FB90];
	v3 =	vadd.f32 v44, v3  }
0x110: {  	v44 =	vld [tilespmem:$0x1FB40];
	v7 =	vadd.f32 v55, v7;
	v2 =	vadd.f32 v41, v2  }
0x111: {  	v4 =	vadd.f32 v4, v5;
	v5 =	vld [tilespmem:$0x5FC0];
	v3 =	vadd.f32 v53, v3  }
0x112: {  	v53 =	vld [tilespmem:$0x1FB70];
	v7 =	vadd.f32 v20, v7;
	v2 =	vadd.f32 v49, v2  }
0x113: {  	[tilespmem:$0x1FFF0] =	vst v39;
	v39 =	vld [tilespmem:$0x1FB20];
	v3 =	vadd.f32 v61, v3  }
0x114: {  	v7 =	vadd.f32 v25, v7;
	v22 =	vadd.f32 v60, v2;
	v2 =	vld [tilespmem:$0x1FBA0]  }
0x115: {  	v11 =	vld [tilespmem:$0x5FA0];
	v3 =	vadd.f32 v44, v3  }
0x116: {  	v47 =	vld [tilespmem:$0x5710];
	v7 =	vadd.f32 v33, v7  }
0x117: {  	v55 =	vld [tilespmem:$0x1FB80];
	v3 =	vadd.f32 v53, v3  }
0x118: {  	v10 =	vld [tilespmem:$0x54A0];
	v7 =	vadd.f32 v39, v7  }
0x119: {  	v2 =	vadd.f32 v2, v3;
	v3 =	vld [tilespmem:$0x1FBB0]  }
0x11a: {  	v18 =	vld [tilespmem:$0x5D90];
	v7 =	vadd.f32 v46, v7  }
0x11b: {  	v56 =	vld [tilespmem:$0x5C10]  }
0x11c: {  	v63 =	vld [tilespmem:$0x5F90];
	v7 =	vadd.f32 v55, v7  }
0x11d: {  	[tilespmem:$0x1FFC0] =	vst v24;
	v24 =	vld [tilespmem:$0x56A0]  }
0x11e: {  	v17 =	vadd.f32 v3, v7;
	v3 =	vld [tilespmem:$0x1FBC0]  }
0x11f: {  	v15 =	vld [tilespmem:$0x5DA0]  }
0x120: {  	v27 =	vld [tilespmem:$0x5F10]  }
0x121: {  	v9 =	vadd.f32 v10, v9;
	v10 =	vld [tilespmem:$0x5DC0];
	v1 =	vadd.f32 v57, v1  }
0x122: {  	v20 =	vld [tilespmem:$0x5D20]  }
0x123: {  	v1 =	vadd.f32 v3, v1;
	v3 =	vld [tilespmem:$0x1FBD0]  }
0x124: {  	v35 =	vld [tilespmem:$0x5620]  }
0x125: {  	v61 =	vadd.f32 v13, v14;
	v14 =	vld [tilespmem:$0x5E20]  }
0x126: {  	v13 =	vld [tilespmem:$0x5F20]  }
0x127: {  	v25 =	vld [tilespmem:$0x57A0]  }
0x128: {  	[tilespmem:$0x1FFA0] =	vst v21;
	v21 =	vadd.f32 v3, v2;
	v2 =	vld [tilespmem:$0x1FBE0]  }
0x129: {  	v3 =	vld [tilespmem:$0x1FBF0]  }
0x12a: {  	v44 =	vld [tilespmem:$0x1FC80]  }
0x12b: {  	[tilespmem:$0x1FFE0] =	vst v27;
	v27 =	vld [tilespmem:$0x5520]  }
0x12c: {  	v33 =	vld [tilespmem:$0x55A0]  }
0x12d: {  	v32 =	vld [tilespmem:$0x5C20]  }
0x12e: {  	v2 =	vadd.f32 v3, v2;
	v3 =	vld [tilespmem:$0x1FC00]  }
0x12f: {  	v53 =	vld [tilespmem:$0x1FCF0]  }
0x130: {  	v39 =	vld [tilespmem:$0x5CA0]  }
0x131: {  	v37 =	vld [tilespmem:$0x1FC50]  }
0x132: {  	v57 =	vld [tilespmem:$0x1FD20]  }
0x133: {  	[tilespmem:$0x1FF80] =	vst v18;
	v18 =	vadd.f32 v3, v1;
	v3 =	vld [tilespmem:$0x1FC10]  }
0x134: {  	v41 =	vld [tilespmem:$0x5720]  }
0x135: {  	v46 =	vld [tilespmem:$0x1FCA0]  }
0x136: {  	v49 =	vld [tilespmem:$0x1FCC0]  }
0x137: {  	v55 =	vld [tilespmem:$0x1FD10];
	v7 =	vadd.f32 v19, v61  }
0x138: {  	v2 =	vadd.f32 v3, v2;
	v3 =	vadd.f32 v26, v28;
	v26 =	vld [tilespmem:$0x1FC20]  }
0x139: {  	v60 =	vld [tilespmem:$0x1FD50]  }
0x13a: {  	v7 =	vadd.f32 v23, v7;
	v28 =	vld [tilespmem:$0x1FC30]  }
0x13b: {  	v19 =	vld [tilespmem:$0x5430];
	v1 =	vadd.f32 v43, v45  }
0x13c: {  	v7 =	vadd.f32 v31, v7;
	v3 =	vadd.f32 v34, v3;
	v34 =	vld [tilespmem:$0x1FC40]  }
0x13d: {  	v43 =	vld [tilespmem:$0x1FC70];
	v1 =	vadd.f32 v50, v1;
	v2 =	vadd.f32 v26, v2  }
0x13e: {  	v7 =	vadd.f32 v36, v7;
	v3 =	vadd.f32 v40, v3;
	v40 =	vld [tilespmem:$0x1FC60]  }
0x13f: {  	v61 =	vld [tilespmem:$0x1FD60];
	v1 =	vadd.f32 v59, v1;
	v2 =	vadd.f32 v28, v2  }
0x140: {  	v7 =	vadd.f32 v42, v7;
	v45 =	vld [tilespmem:$0x1FC90];
	v3 =	vadd.f32 v48, v3  }
0x141: {  	v23 =	vld [tilespmem:$0x54B0];
	v1 =	vadd.f32 v34, v1;
	v2 =	vadd.f32 v37, v2  }
0x142: {  	v7 =	vadd.f32 v51, v7;
	v48 =	vld [tilespmem:$0x1FCB0];
	v3 =	vadd.f32 v54, v3  }
0x143: {  	v51 =	vld [tilespmem:$0x1FCE0];
	v1 =	vadd.f32 v40, v1;
	v2 =	vadd.f32 v43, v2  }
0x144: {  	v50 =	vld [tilespmem:$0x1FCD0];
	v3 =	vadd.f32 v62, v3  }
0x145: {  	v31 =	vld [tilespmem:$0x5630];
	v1 =	vadd.f32 v44, v1;
	v2 =	vadd.f32 v45, v2  }
0x146: {  	v36 =	vld [tilespmem:$0x5730];
	v3 =	vadd.f32 v49, v3  }
0x147: {  	v42 =	vld [tilespmem:$0x5CB0];
	v1 =	vadd.f32 v46, v1;
	v2 =	vadd.f32 v48, v2  }
0x148: {  	v54 =	vld [tilespmem:$0x1FD00];
	v3 =	vadd.f32 v53, v3  }
0x149: {  	v1 =	vadd.f32 v50, v1;
	v50 =	vld [tilespmem:$0x1FDA0];
	v2 =	vadd.f32 v51, v2  }
0x14a: {  	v7 =	vadd.f32 v58, v7;
	v58 =	vld [tilespmem:$0x1FD30];
	v3 =	vadd.f32 v57, v3  }
0x14b: {  	v2 =	vadd.f32 v55, v2;
	v55 =	vld [tilespmem:$0x1FDE0]  }
0x14c: {  	v62 =	vld [tilespmem:$0x1FD70];
	v3 =	vadd.f32 v61, v3  }
0x14d: {  	v1 =	vadd.f32 v54, v1;
	v2 =	vadd.f32 v60, v2;
	v60 =	vld [tilespmem:$0x1FE20]  }
0x14e: {  	v51 =	vld [tilespmem:$0x1FDB0];
	v3 =	vadd.f32 v50, v3  }
0x14f: {  	v59 =	vld [tilespmem:$0x1FD40];
	v1 =	vadd.f32 v58, v1  }
0x150: {  	v57 =	vld [tilespmem:$0x1FDF0];
	v3 =	vadd.f32 v55, v3  }
0x151: {  	v48 =	vld [tilespmem:$0x1FD80];
	v1 =	vadd.f32 v62, v1  }
0x152: {  	v12 =	vadd.f32 v60, v3;
	v3 =	vld [tilespmem:$0x1FE30]  }
0x153: {  	v53 =	vld [tilespmem:$0x1FDC0];
	v1 =	vadd.f32 v51, v1  }
0x154: {  	v7 =	vadd.f32 v59, v7;
	v59 =	vld [tilespmem:$0x1FE10]  }
0x155: {  	v58 =	vld [tilespmem:$0x1FE00];
	v1 =	vadd.f32 v57, v1  }
0x156: {  	v49 =	vld [tilespmem:$0x1FD90];
	v7 =	vadd.f32 v48, v7  }
0x157: {  	v1 =	vadd.f32 v3, v1;
	v3 =	vld [tilespmem:$0x1FE40]  }
0x158: {  	v54 =	vld [tilespmem:$0x1FDD0];
	v7 =	vadd.f32 v53, v7  }
0x159: {  	v26 =	vld [tilespmem:$0x5530]  }
0x15a: {  	v28 =	vld [tilespmem:$0x55B0];
	v7 =	vadd.f32 v58, v7  }
0x15b: {  	v34 =	vld [tilespmem:$0x56B0];
	v2 =	vadd.f32 v49, v2  }
0x15c: {  	v7 =	vadd.f32 v3, v7;
	v3 =	vld [tilespmem:$0x1FE50]  }
0x15d: {  	v37 =	vld [tilespmem:$0x57B0];
	v2 =	vadd.f32 v54, v2  }
0x15e: {  	v40 =	vld [tilespmem:$0x5C30]  }
0x15f: {  	v43 =	vld [tilespmem:$0x5D30];
	v2 =	vadd.f32 v59, v2  }
0x160: {  	v44 =	vld [tilespmem:$0x5DB0]  }
0x161: {  	v3 =	vadd.f32 v3, v2;
	v2 =	vld [tilespmem:$0x1FE60]  }
0x162: {  	v45 =	vld [tilespmem:$0x5E30]  }
0x163: {  	v46 =	vld [tilespmem:$0x5EB0]  }
0x164: {  	v61 =	vld [tilespmem:$0x1FE90]  }
0x165: {  	v48 =	vld [tilespmem:$0x5F30]  }
0x166: {  	v12 =	vadd.f32 v2, v12;
	v2 =	vld [tilespmem:$0x1FE70]  }
0x167: {  	v50 =	vld [tilespmem:$0x5440]  }
0x168: {  	v62 =	vld [tilespmem:$0x1FEA0]  }
0x169: {  	v53 =	vld [tilespmem:$0x5540]  }
0x16a: {  	v49 =	vld [tilespmem:$0x5FB0]  }
0x16b: {  	v2 =	vadd.f32 v2, v1;
	v1 =	vld [tilespmem:$0x1FE80]  }
0x16c: {  	v60 =	vld [tilespmem:$0x1FEB0]  }
0x16d: {  	v51 =	vld [tilespmem:$0x54C0]  }
0x16e: {  	v55 =	vld [tilespmem:$0x5640]  }
0x16f: {  	v58 =	vld [tilespmem:$0x5740]  }
0x170: {  	v54 =	vld [tilespmem:$0x55C0];
	v1 =	vadd.f32 v1, v7  }
0x171: {  	v7 =	vadd.f32 v61, v12;
	v12 =	vadd.f32 v60, v62;
	v60 =	vld [tilespmem:$0x1FEC0]  }
0x172: {  	v61 =	vld [tilespmem:$0x1FED0];
	v62 =	vadd.f32 v23, v19  }
0x173: {  	v57 =	vld [tilespmem:$0x56C0]  }
0x174: {  	v23 =	vld [tilespmem:$0x1FEE0];
	v62 =	vadd.f32 v26, v62  }
0x175: {  	v59 =	vld [tilespmem:$0x57C0]  }
0x176: {  	v62 =	vadd.f32 v28, v62;
	v28 =	vld [tilespmem:$0x5450]  }
0x177: {  	v1 =	vadd.f32 v60, v1;
	v60 =	vld [tilespmem:$0x5C40];
	v61 =	vadd.f32 v61, v12  }
0x178: {  	v12 =	vld [tilespmem:$0x5CC0]  }
0x179: {  	v19 =	vadd.f32 v23, v61;
	v61 =	vadd.f32 v27, v9;
	v9 =	vld [tilespmem:$0x5E40]  }
0x17a: {  	v27 =	vld [tilespmem:$0x1FEF0]  }
0x17b: {  	v23 =	vadd.f32 v33, v61;
	v61 =	vadd.f32 v38, v4;
	v4 =	vld [tilespmem:$0x5F40]  }
0x17c: {  	v33 =	vld [tilespmem:$0x1FF00]  }
0x17d: {  	v38 =	vld [tilespmem:$0x1FF10]  }
0x17e: {  	v26 =	vadd.f32 v30, v61;
	v30 =	vld [tilespmem:$0x5550]  }
0x17f: {  	v61 =	vld [tilespmem:$0x1FF20]  }
0x180: {  	v23 =	vadd.f32 v35, v23;
	v35 =	vld [tilespmem:$0x5CD0]  }
0x181: {  	v19 =	vadd.f32 v27, v19;
	v27 =	vadd.f32 v31, v62;
	v31 =	vld [tilespmem:$0x55D0]  }
0x182: {  	v62 =	vld [tilespmem:$0x1FF30]  }
0x183: {  	v23 =	vadd.f32 v24, v23;
	v24 =	vld [tilespmem:$0x54D0]  }
0x184: {  	v26 =	vadd.f32 v47, v26;
	v47 =	vld [tilespmem:$0x1FFC0]  }
0x185: {  	v19 =	vadd.f32 v33, v19;
	v33 =	vld [tilespmem:$0x5750]  }
0x186: {  	v27 =	vadd.f32 v34, v27;
	v34 =	vld [tilespmem:$0x5C50]  }
0x187: {  	v26 =	vadd.f32 v29, v26;
	v29 =	vld [tilespmem:$0x5650]  }
0x188: {  	v23 =	vadd.f32 v41, v23;
	v41 =	vld [tilespmem:$0x1FF80]  }
0x189: {  	v27 =	vadd.f32 v36, v27;
	v36 =	vld [tilespmem:$0x1FF40]  }
0x18a: {  	v19 =	vadd.f32 v38, v19;
	v38 =	vld [tilespmem:$0x1FF60]  }
0x18b: {  	v23 =	vadd.f32 v25, v23;
	v25 =	vld [tilespmem:$0x56D0]  }
0x18c: {  	v26 =	vadd.f32 v56, v26;
	v56 =	vld [tilespmem:$0x54E0]  }
0x18d: {  	v27 =	vadd.f32 v37, v27;
	v37 =	vld [tilespmem:$0x1FF50]  }
0x18e: {  	v19 =	vadd.f32 v61, v19;
	v61 =	vld [tilespmem:$0x1FFE0]  }
0x18f: {  	v23 =	vadd.f32 v32, v23;
	v32 =	vld [tilespmem:$0x57D0]  }
0x190: {  	v27 =	vadd.f32 v40, v27;
	v40 =	vld [tilespmem:$0x1FF70]  }
0x191: {  	v19 =	vadd.f32 v62, v19;
	v62 =	vld [tilespmem:$0x5470]  }
0x192: {  	v24 =	vadd.f32 v24, v28;
	v23 =	vadd.f32 v39, v23;
	v39 =	vld [tilespmem:$0x5460]  }
0x193: {  	v19 =	vadd.f32 v36, v19;
	v36 =	vld [tilespmem:$0x5D50]  }
0x194: {  	v24 =	vadd.f32 v30, v24;
	v27 =	vadd.f32 v42, v27;
	v42 =	vld [tilespmem:$0x1FF90]  }
0x195: {  	v20 =	vadd.f32 v20, v23;
	v23 =	vld [tilespmem:$0x5DD0]  }
0x196: {  	v24 =	vadd.f32 v31, v24;
	v26 =	vadd.f32 v37, v26;
	v37 =	vld [tilespmem:$0x5E50]  }
0x197: {  	v19 =	vadd.f32 v38, v19;
	v27 =	vadd.f32 v43, v27;
	v43 =	vld [tilespmem:$0x1FFA0]  }
0x198: {  	v38 =	vld [tilespmem:$0x5F50];
	v24 =	vadd.f32 v29, v24;
	v26 =	vadd.f32 v52, v26  }
0x199: {  	v15 =	vadd.f32 v15, v20;
	v20 =	vld [tilespmem:$0x5ED0];
	v19 =	vadd.f32 v40, v19  }
0x19a: {  	v52 =	vld [tilespmem:$0x1FFD0];
	v27 =	vadd.f32 v44, v27;
	v24 =	vadd.f32 v25, v24  }
0x19b: {  	v44 =	vld [tilespmem:$0x1FFB0];
	v26 =	vadd.f32 v41, v26;
	v14 =	vadd.f32 v14, v15  }
0x19c: {  	v40 =	vld [tilespmem:$0x5C60];
	v19 =	vadd.f32 v42, v19;
	v27 =	vadd.f32 v45, v27  }
0x19d: {  	v45 =	vld [tilespmem:$0x54F0];
	v26 =	vadd.f32 v43, v26;
	v14 =	vadd.f32 v16, v14  }
0x19e: {  	v16 =	vadd.f32 v56, v39;
	v56 =	vld [tilespmem:$0x56F0];
	v27 =	vadd.f32 v46, v27  }
0x19f: {  	v46 =	vld [tilespmem:$0x5560];
	v26 =	vadd.f32 v47, v26;
	v13 =	vadd.f32 v13, v14  }
0x1a0: {  	v47 =	vadd.f32 v51, v50;
	v27 =	vadd.f32 v48, v27;
	v48 =	vld [tilespmem:$0x5570]  }
0x1a1: {  	v24 =	vadd.f32 v33, v24;
	v19 =	vadd.f32 v44, v19;
	v50 =	vld [tilespmem:$0x55E0]  }
0x1a2: {  	v51 =	vld [tilespmem:$0x55F0];
	v11 =	vadd.f32 v11, v13;
	v13 =	vadd.f32 v53, v47  }
0x1a3: {  	v19 =	vadd.f32 v52, v19;
	v14 =	vadd.f32 v45, v62;
	v52 =	vld [tilespmem:$0x5660]  }
0x1a4: {  	v53 =	vld [tilespmem:$0x5670];
	v13 =	vadd.f32 v54, v13;
	v16 =	vadd.f32 v46, v16  }
0x1a5: {  	v24 =	vadd.f32 v32, v24;
	v54 =	vld [tilespmem:$0x56E0];
	v14 =	vadd.f32 v48, v14  }
0x1a6: {  	v39 =	vld [tilespmem:$0x57F0];
	v13 =	vadd.f32 v55, v13;
	v16 =	vadd.f32 v50, v16  }
0x1a7: {  	v26 =	vadd.f32 v61, v26;
	v61 =	vld [tilespmem:$0x5760];
	v14 =	vadd.f32 v51, v14  }
0x1a8: {  	v62 =	vld [tilespmem:$0x5770];
	v13 =	vadd.f32 v57, v13;
	v16 =	vadd.f32 v52, v16  }
0x1a9: {  	v26 =	vadd.f32 v63, v26;
	v63 =	vld [tilespmem:$0x57E0];
	v14 =	vadd.f32 v53, v14  }
0x1aa: {  	v44 =	vld [tilespmem:$0x1FFF0];
	v13 =	vadd.f32 v58, v13;
	v16 =	vadd.f32 v54, v16  }
0x1ab: {  	v15 =	vld [tilespmem:$0x5FD0];
	v24 =	vadd.f32 v34, v24;
	v14 =	vadd.f32 v56, v14  }
0x1ac: {  	v41 =	vld [tilespmem:$0x5C70];
	v13 =	vadd.f32 v59, v13;
	v16 =	vadd.f32 v61, v16  }
0x1ad: {  	v42 =	vld [tilespmem:$0x5CE0];
	v27 =	vadd.f32 v49, v27;
	v14 =	vadd.f32 v62, v14  }
0x1ae: {  	v43 =	vld [tilespmem:$0x5CF0];
	v13 =	vadd.f32 v60, v13;
	v16 =	vadd.f32 v63, v16  }
0x1af: {  	v19 =	vadd.f32 v44, v19;
	v44 =	vld [tilespmem:$0x5D60];
	v14 =	vadd.f32 v39, v14  }
0x1b0: {  	v46 =	vld [tilespmem:$0x5D70];
	v12 =	vadd.f32 v12, v13;
	v45 =	vadd.f32 v40, v16  }
0x1b1: {  	v47 =	vld [tilespmem:$0x5DE0];
	v24 =	vadd.f32 v35, v24;
	v14 =	vadd.f32 v41, v14  }
0x1b2: {  	[tilespmem:$0x6000] =	vst v22;
	v49 =	vld [tilespmem:$0x5DF0];
	v8 =	vadd.f32 v8, v12;
	v48 =	vadd.f32 v42, v45  }
0x1b3: {  	[tilespmem:$0x6010] =	vst v17;
	v50 =	vadd.f32 v36, v24;
	v51 =	vld [tilespmem:$0x5E60];
	v14 =	vadd.f32 v43, v14  }
0x1b4: {  	[tilespmem:$0x6020] =	vst v21;
	v53 =	vld [tilespmem:$0x5E70];
	v8 =	vadd.f32 v10, v8;
	v52 =	vadd.f32 v44, v48  }
0x1b5: {  	[tilespmem:$0x6030] =	vst v18;
	v17 =	vadd.f32 v23, v50;
	v54 =	vld [tilespmem:$0x5EE0];
	v14 =	vadd.f32 v46, v14  }
0x1b6: {  	[tilespmem:$0x6040] =	vst v3;
	v56 =	vld [tilespmem:$0x5EF0];
	v3 =	vadd.f32 v9, v8;
	v55 =	vadd.f32 v47, v52  }
0x1b7: {  	[tilespmem:$0x6050] =	vst v2;
	v2 =	vadd.f32 v37, v17;
	v58 =	vld [tilespmem:$0x5F60];
	v57 =	vadd.f32 v49, v14  }
0x1b8: {  	[tilespmem:$0x6060] =	vst v7;
	v60 =	vld [tilespmem:$0x5F70];
	v3 =	vadd.f32 v6, v3;
	v59 =	vadd.f32 v51, v55  }
0x1b9: {  	[tilespmem:$0x6070] =	vst v1;
	v1 =	vadd.f32 v20, v2;
	v61 =	vld [tilespmem:$0x5FE0];
	v2 =	vadd.f32 v53, v57  }
0x1ba: {  	[tilespmem:$0x60A0] =	vst v11;
	v63 =	vld [tilespmem:$0x5FF0];
	v3 =	vadd.f32 v4, v3;
	v62 =	vadd.f32 v54, v59  }
0x1bb: {  	[tilespmem:$0x60B0] =	vst v27;
	v1 =	vadd.f32 v38, v1;
	v2 =	vadd.f32 v56, v2  }
0x1bc: {  	[tilespmem:$0x6090] =	vst v26;
	v3 =	vadd.f32 v5, v3;
	v4 =	vadd.f32 v58, v62  }
0x1bd: {  	[tilespmem:$0x6080] =	vst v19;
	v1 =	vadd.f32 v15, v1;
	v2 =	vadd.f32 v60, v2  }
0x1be: {  	[tilespmem:$0x60C0] =	vst v3;
	v3 =	vadd.f32 v61, v4  }
0x1bf: {  	s18 =	sadd.s32 $0x1, s18;
	[tilespmem:$0x60D0] =	vst v1;
	v1 =	vadd.f32 v63, v2  }
0x1c0: {  	p0 =	sne.s32 s18, s8;
	[tilespmem:$0x60E0] =	vst v3  }
.Ltmp2:
0x1c1: {  	[tilespmem:$0x60F0] =	vst v1;
	(pc) =	sbr.rel @p0 .LBB2_1-.Ltmp2, $4  }
0x1c2: {  	[hbm4b:s7+s2] =	stream.linear.scatter [tilespmem:s17], [sflag:$0x1], $0x100, $0x38;
	[tilespmem:$0x7100] =	vst v63  }
0x1c3: {  	_ =	swait.ge [sflag:s9], $0x100  }
0x1c4: {  	[sflag:s9] =	ssyncset.done $0x0  }
0x1c5: {  	[sflag:s9] =	ssyncadd.s32 $0xFFFFFF00  }
0x1c6: {  	_ =	sfence.sel $0x180000  }
0x1c7: {  	[bflag:$0x0] =	sbarrier.arrive $0xFFFF  }
0x1c8: {  	p0 =	sne.s32 s1, $0x0;
	_ =	strace $0x90000047  }
0x1c9: {  	s0 =	sadd.s32 @!p0 $0x100000, s0;
	[bflag:$0x2] =	sbarrier.arrive $0xFFFF  }
0x1ca: {  	[sflag:s0] =	ssyncadd.tile.s32 @!p0 $0x1;
	_ =	shalt  }
.Lfunc_end2:
_tile_overlayer_lowered:
.L_overlay_start_2:
0x1cb: {  	(tag) =	ssettag $0x2  }
0x1cc: {  	s0 =	rddreg [dreg:$0x0];
	s2 =	stileid.u32  }
0x1cd: {  	s1 =	rddreg [dreg:$0x1];
	p0 =	sne.s32 s2, $0x0  }
0x1ce: {  	s3 =	rddreg [dreg:$0x2];
	[bflag:$0x3] =	sbarrier.arrive $0xFFFF;
	s2 =	simm.s32 @!p0 $0x1C01  }
0x1cf: {  	[timem:s3], [sflag:s2] =	dma.local @!p0 [hbm:s0], s1  }
0x1d0: {  	s0 =	simm.s32 @!p0 $0x1  }
0x1d1: {  	_ =	swait.ge @!p0 [sflag:s0], s1  }
0x1d2: {  	s1 =	ssub.s32 @!p0 $0x0, s1;
	[sflag:s0] =	ssyncset.done @!p0 $0x0  }
0x1d3: {  	[sflag:s0] =	ssyncadd.s32 @!p0 s1  }
0x1d4: {  	[bflag:$0x3] =	sbarrier.arrive $0xFFFF  }
0x1d5: {  	_ =	shalt  }

// kernel: kernel.9.cloned.1.call-start
scs
__scs_entry_jumppad:
0x0: {  	(pc) =	sbr.rel $0x88, $3  }
0x1: {  	(tag) =	ssettag $0x0;
	lr =	simm.s32 $0x1  }
0x2: {  	[smem:$0x3F9E] =	sst lr;
	_ =	strace $0xD0000000  }
0x3: {  	_ = 	snop  }
0x4: {  	_ = 	snop  }
0x5: {  	_ = 	snop  }
0x6: {  	_ = 	snop  }
0x7: {  	_ = 	snop  }
__scs_overlays_trampoline_lowered:
0x8: {  	[smem:$0x3FAD] =	sst s0  }
0x9: {  	[smem:$0x3FAE] =	sst s1  }
0xa: {  	[smem:$0x3FAF] =	sst s2  }
0xb: {  	[smem:$0x3FB0] =	sst s3  }
0xc: {  	[smem:$0x3FB1] =	sst s4  }
0xd: {  	[smem:$0x3FB2] =	sst s5  }
0xe: {  	[smem:$0x3FB3] =	sst s6  }
0xf: {  	[smem:$0x3FB4] =	sst s7  }
0x10: {  	[smem:$0x3FB5] =	sst s8  }
0x11: {  	[smem:$0x3FB6] =	sst s9;
	s0 =	simm.s32 @!p0 $0x0  }
0x12: {  	s1 =	sld [smem:$0x3F9C];
	s0 =	simm.s32 @p0 $0x1  }
0x13: {  	[smem:$0x3FB7] =	sst s0;
	s0 =	simm.s32 @!p1 $0x0  }
0x14: {  	s2 =	sld [smem:$0x3F9B];
	s0 =	simm.s32 @p1 $0x1  }
0x15: {  	[smem:$0x3FB8] =	sst s0;
	s0 =	simm.s32 @!p2 $0x0  }
0x16: {  	s3 =	sld [smem:$0x3FDB];
	s0 =	simm.s32 @p2 $0x1  }
0x17: {  	s4 =	simm.s32 $0x1BF5;
	[smem:$0x3FBA] =	sst s0  }
0x18: {  	s0 =	sld [smem:$0x3F9D];
	_ =	swait.ge [sflag:s4], $0x0  }
0x19: {  	s7 =	sld [smem:$0x3F9E]  }
0x1a: {  	s8 =	sadd.s32 $0xFFFFE003, lr  }
0x1b: {  	s9 =	sadd.s32 $0xFFFFFEF7, lr;
	s5 =	simm.s32 $0xFFFFFFFF;
	p2 =	slt.u32 s8, $0xFFFFF086  }
0x1c: {  	p1 =	slt.u32 s9, $0xF7A;
	s5 =	simm.s32 @!p2 $0x0  }
0x1d: {  	s5 =	simm.s32 @p1 $0x1;
	p0 =	seq.s32 s7, s2  }
0x1e: {  	s7 =	smul.u32 @!p0 $0xF7A, s2;
	p2 =	seq.s32 @!p0 s5, $0x0  }
0x1f: {  	s9 =	smul.u32 $0xF7A, s1;
	s8 =	simm.s32 @!p0 $0x1BF5;
	p2 =	por !p2, p0  }
0x20: {  	[sflag:s8] =	ssyncset.s32 @!p0 $0xFFFFF086;
	s6 =	sadd.s32 @!p0 s3, s7;
	s7 =	simm.s32 @!p0 $0x108  }
0x21: {  	s3 =	sadd.s32 s3, s9;
	s6 =	sadd.s32 @!p0 $0x88, s6;
	s7 =	simm.s32 @p2 $0x1082  }
0x22: {  	[simem:s7], [sflag:s8] =	dma.local @!p0 [hbm:s6], $0xF7A  }
0x23: {  	s9 =	sor.u32 $0xD0000000, s2;
	s6 =	simm.s32 $0x108;
	_ =	swait.ge @!p0 [sflag:s8], $0x0  }
0x24: {  	s3 =	sadd.s32 $0x88, s3;
	s6 =	simm.s32 @!p1 $0x1082;
	[sflag:s4] =	ssyncset.s32 $0xFFFFF086  }
0x25: {  	[simem:s6], [sflag:s4] =	dma.local [hbm:s3], $0xF7A  }
0x26: {  	[smem:$0x3F9E] =	sst s1;
	(tag) =	ssettag s2;
	_ =	strace s9  }
0x27: {  	s1 =	sld [smem:$0x3FAE]  }
0x28: {  	s2 =	sld [smem:$0x3FAF]  }
0x29: {  	s4 =	sld [smem:$0x3FB1]  }
0x2a: {  	p0 =	seq.s32 s5, $0x0;
	s5 =	sld [smem:$0x3FB2]  }
0x2b: {  	s6 =	sld [smem:$0x3FB3]  }
0x2c: {  	s7 =	sld [smem:$0x3FB4]  }
0x2d: {  	s3 =	simm.s32 $0x108;
	s8 =	sld [smem:$0x3FB5]  }
0x2e: {  	s3 =	simm.s32 @!p0 $0x1082;
	s9 =	sld [smem:$0x3FB6]  }
0x2f: {  	lr =	sadd.s32 s0, s3;
	s0 =	sld [smem:$0x3FAD]  }
0x30: {  	s3 =	sld [smem:$0x3FB0]  }
0x31: {  	[smem:$0x3FB9] =	sst s10  }
0x32: {  	s10 =	sld [smem:$0x3FB7];
	_ =	sdelay $0x3  }
0x33: {  	p0 =	seq.s32 s10, $0x1;
	s10 =	sld [smem:$0x3FB9];
	_ =	sdelay $0x3  }
0x34: {  	[smem:$0x3FB9] =	sst s10  }
0x35: {  	s10 =	sld [smem:$0x3FB8];
	_ =	sdelay $0x3  }
0x36: {  	p1 =	seq.s32 s10, $0x1;
	s10 =	sld [smem:$0x3FB9];
	_ =	sdelay $0x3  }
0x37: {  	[smem:$0x3FB9] =	sst s10  }
0x38: {  	s10 =	sld [smem:$0x3FBA]  }
0x39: {  	_ = 	snop;
	(pc) =	sbr.ind lr, $3  }
0x3a: {  	_ = 	snop  }
0x3b: {  	_ = 	snop  }
0x3c: {  	p2 =	seq.s32 s10, $0x1;
	s10 =	sld [smem:$0x3FB9]  }
0x3d: {  	_ =	shalt  }
0x3e: {  	_ =	shalt  }
0x3f: {  	_ =	shalt  }
0x40: {  	_ =	shalt  }
0x41: {  	_ =	shalt  }
0x42: {  	_ =	shalt  }
0x43: {  	_ =	shalt  }
0x44: {  	_ =	shalt  }
0x45: {  	_ =	shalt  }
0x46: {  	_ =	shalt  }
0x47: {  	_ =	shalt  }
0x48: {  	_ =	shalt  }
0x49: {  	_ =	shalt  }
0x4a: {  	_ =	shalt  }
0x4b: {  	_ =	shalt  }
0x4c: {  	_ =	shalt  }
0x4d: {  	_ =	shalt  }
0x4e: {  	_ =	shalt  }
0x4f: {  	_ =	shalt  }
0x50: {  	_ =	shalt  }
0x51: {  	_ =	shalt  }
0x52: {  	_ =	shalt  }
0x53: {  	_ =	shalt  }
0x54: {  	_ =	shalt  }
0x55: {  	_ =	shalt  }
0x56: {  	_ =	shalt  }
0x57: {  	_ =	shalt  }
0x58: {  	_ =	shalt  }
0x59: {  	_ =	shalt  }
0x5a: {  	_ =	shalt  }
0x5b: {  	_ =	shalt  }
0x5c: {  	_ =	shalt  }
0x5d: {  	_ =	shalt  }
0x5e: {  	_ =	shalt  }
0x5f: {  	_ =	shalt  }
0x60: {  	_ =	shalt  }
0x61: {  	_ =	shalt  }
0x62: {  	_ =	shalt  }
0x63: {  	_ =	shalt  }
0x64: {  	_ =	shalt  }
0x65: {  	_ =	shalt  }
0x66: {  	_ =	shalt  }
0x67: {  	_ =	shalt  }
0x68: {  	_ =	shalt  }
0x69: {  	_ =	shalt  }
0x6a: {  	_ =	shalt  }
0x6b: {  	_ =	shalt  }
0x6c: {  	_ =	shalt  }
0x6d: {  	_ =	shalt  }
0x6e: {  	_ =	shalt  }
0x6f: {  	_ =	shalt  }
0x70: {  	_ =	shalt  }
0x71: {  	_ =	shalt  }
0x72: {  	_ =	shalt  }
0x73: {  	_ =	shalt  }
0x74: {  	_ =	shalt  }
0x75: {  	_ =	shalt  }
0x76: {  	_ =	shalt  }
0x77: {  	_ =	shalt  }
0x78: {  	_ =	shalt  }
0x79: {  	_ =	shalt  }
0x7a: {  	_ =	shalt  }
0x7b: {  	_ =	shalt  }
0x7c: {  	_ =	shalt  }
0x7d: {  	_ =	shalt  }
0x7e: {  	_ =	shalt  }
0x7f: {  	_ =	shalt  }
0x80: {  	_ =	shalt  }
0x81: {  	_ =	shalt  }
0x82: {  	_ =	shalt  }
0x83: {  	_ =	shalt  }
0x84: {  	_ =	shalt  }
0x85: {  	_ =	shalt  }
0x86: {  	_ =	shalt  }
0x87: {  	_ =	shalt  }
.Lfunc_end0:
.L_simem_size_0:
called_computation.1_lowered:
.L_overlay_start_0:
0x88: {  	s2 =	sld [smem:$0x3FD9]  }
0x89: {  	s3 =	sld [smem:$0x3FFE];
	_ =	sdelay $0x1  }
0x8a: {  	s1 =	srdreg.scid  }
0x8b: {  	s0 =	sand.u32 $0x1, s1  }
0x8c: {  	s14 =	sshll.u32 s0, $0xA;
	s2 =	sadd.s32 s3, s2  }
0x8d: {  	s2 =	sadd.s32 s2, s14  }
0x8e: {  	[smem:$0x3FC5] =	sst s2  }
0x8f: {  	_ = 	snop  }
0x90: {  	s2 =	sld [smem:$0x3FD0];
	_ =	sdelay $0x1  }
0x91: {  	s15 =	sld [smem:$0x3FC8]  }
0x92: {  	s5 =	simm.s32 $0xA;
	s6 =	simm.s32 $0x10;
	s4 =	sld [smem:$0x3FC7]  }
0x93: {  	[smem:s6], [sflag:s5] =	dma.local [hbm:s2], $0x1  }
0x94: {  	_ =	swait.eq [sflag:s5], $0x1  }
0x95: {  	[sflag:s5] =	ssyncset.done $0x0  }
0x96: {  	s16 =	sld [smem:$0x10];
	[sflag:s5] =	ssyncadd.s32 $0xFFFFFFFF  }
0x97: {  	s17 =	sld [smem:$0x11];
	(tm) =	ssettm $0x1  }
0x98: {  	s18 =	sld [smem:$0x3FFB];
	_ =	sdelay $0x3  }
0x99: {  	_ =	strace s18  }
0x9a: {  	s6 =	sld [smem:$0x3FFC];
	_ =	sdelay $0x3  }
0x9b: {  	_ =	strace s6  }
0x9c: {  	s6 =	sld [smem:$0x3FFD];
	_ =	sdelay $0x3  }
0x9d: {  	_ =	strace s6  }
0x9e: {  	_ =	strace $0x8FFFFFFF  }
0x9f: {  	s19 =	sld [smem:$0x3FDB];
	_ =	sdelay $0x1  }
0xa0: {  	s7 =	simm.s32 $_scs_section_size  }
0xa1: {  	s8 =	simm.s32 $_size__tile_overlayer_lowered;
	s9 =	simm.s32 $_tile_overlayer_lowered  }
0xa2: {  	s22 =	simm.s32 $0x1BFF;
	s21 =	sshll.u32 s9, $0x1;
	s6 =	sadd.s32 s7, s19  }
0xa3: {  	s10 =	simm.s32 $0x0;
	s20 =	sshll.u32 s8, $0x1;
	s8 =	sadd.s32 s21, s6  }
0xa4: {  	[timem:s10], [sflag:s22] =	dma.local [hbm:s8], s20  }
0xa5: {  	_ =	swait.ge [sflag:s22], s20  }
0xa6: {  	s7 =	ssub.s32 $0x0, s20;
	[sflag:s22] =	ssyncset.done $0x0  }
0xa7: {  	[sflag:s22] =	ssyncadd.s32 s7;
	_ =	sdelay $0x1  }
0xa8: {  	s23 =	simm.s32 $0x1B8B  }
0xa9: {  	_ =	swait.ge [sflag:s23], $0x1  }
0xaa: {  	[sflag:s23] =	ssyncset.done $0x0  }
0xab: {  	s25 =	simm.s32 $0x1B8E;
	s24 =	sld [smem:$0x3FFE];
	[sflag:s23] =	ssyncadd.s32 $0xFFFFFFFF  }
0xac: {  	s26 =	simm.s32 $execute0_lowered;
	[smem:$0x3FD2] =	sst s25  }
0xad: {  	s8 =	sshll.u32 s26, $0x1;
	_ =	strace $0x80000049;
	[dreg:$0x1] =	wrdreg $0xFFFFFFFF  }
0xae: {  	s28 =	simm.s32 $_size_execute0_lowered;
	s6 =	sadd.s32 s6, s8;
	[dreg:$0x0] =	wrdreg $0x0  }
0xaf: {  	s8 =	sshll.u32 s28, $0x1;
	[dreg:$0x2] =	wrdreg s6  }
0xb0: {  	[dreg:$0x3] =	wrdreg s8  }
0xb1: {  	[dreg:$0x4] =	wrdreg $0xC0  }
0xb2: {  	_ =	task [dreg:s10], $0x5FFFF  }
0xb3: {  	[dreg:$0x1] =	wrdreg $0xFFFFFFFF  }
0xb4: {  	[dreg:$0x0] =	wrdreg $0x60  }
0xb5: {  	[dreg:$0x2] =	wrdreg s24  }
0xb6: {  	[dreg:$0x3] =	wrdreg s15  }
0xb7: {  	[dreg:$0x4] =	wrdreg s4  }
0xb8: {  	[dreg:$0x5] =	wrdreg s17  }
0xb9: {  	[dreg:$0x6] =	wrdreg s16  }
0xba: {  	[dreg:$0x7] =	wrdreg $0x54800  }
0xbb: {  	[dreg:$0x8] =	wrdreg $0x9  }
0xbc: {  	_ =	task.clear_ibuf [dreg:s10], $0x9FFFF;
	_ =	strace $0x90000049  }
0xbd: {  	s29 =	simm.s32 $0x9;
	_ =	strace $0x8000004B  }
0xbe: {  	_ =	swait.ge [sflag:s29], $0x1  }
0xbf: {  	[sflag:s29] =	ssyncadd.s32 $0xFFFFFFFF  }
0xc0: {  	_ =	strace $0x9000004B  }
0xc1: {  	_ =	sfence  }
0xc2: {  	s30 =	sld [smem:$0x0];
	_ =	sdelay $0x2  }
0xc3: {  	s31 =	sshll.u32 s1, $0xD;
	s1 =	sshrl.u32 s1, $0x2  }
0xc4: {  	s3 =	sand.u32 $0x4000, s31;
	s1 =	sadd.s32 s1, s30  }
0xc5: {  	s0 =	sor.u32 s3, s0;
	s1 =	sshll.u32 s1, $0x11  }
0xc6: {  	s0 =	sor.u32 s1, s0  }
0xc7: {  	s0 =	sadd.s32 $0x8F2B, s0  }
0xc8: {  	[sflag:s0] =	ssyncadd.remote.s32 $0x1  }
0xc9: {  	_ =	sfence.sel $0xFFFF  }
0xca: {  	[dreg:$0x0] =	wrdreg $0xFFFFFFFF;
	(pc) =	sbr.abs _section_cstart, $3  }
0xcb: {  	[dreg:$0x1] =	wrdreg $0xFFFFFFFF  }
0xcc: {  	_ =	task.clear_ibuf [dreg:s10], $0x2FFFF;
	_ =	strace $0x9FFFFFFF  }
0xcd: {  	(tm) =	ssettm $0x7FFFFFFF  }
tec
execute0_lowered:
.L_overlay_start_1:
0x0: {  	(tag) =	ssettag $0x1  }
0x1: {  	s0 =	rddreg [dreg:$0x0]  }
0x2: {  	s1 =	rddreg [dreg:$0x1]  }
0x3: {  	s2 =	rddreg [dreg:$0x2]  }
0x4: {  	s4 =	rddreg [dreg:$0x3]  }
0x5: {  	s5 =	rddreg [dreg:$0x4]  }
0x6: {  	s12 =	rddreg [dreg:$0x5];
	s3 =	simm.s32 $0x0  }
0x7: {  	s6 =	srdreg.scid;
	s13 =	stileid.u32;
	s29 =	simm.s32 $0x400  }
0x8: {  	s31 =	simm.s32 $0x0;
	[smem:$0x7FF] =	sst s3;
	s7 =	sand.u32 $0x1, s6  }
0x9: {  	s8 =	sshll.u32 s13, $0x5;
	s11 =	sshll.u32 s13, $0xA;
	s18 =	sshll.u32 s13, $0x8  }
0xa: {  	_ =	strace $0x8000004A;
	s0 =	sadd.s32 s8, s0;
	s20 =	sadd.s32 s1, s8  }
0xb: {  	s8 =	sshll.u32 s7, $0x7;
	s21 =	sadd.s32 s18, s12;
	[dreg:$0xa] =	wrdreg s20  }
0xc: {  	s19 =	sadd.s32 $0x1000, s0;
	s0 =	sadd.s32 $0x1200, s0;
	[dreg:$0xb] =	wrdreg s21  }
0xd: {  	s6 =	ssub.s32 $0x2, s7;
	s22 =	sor.u32 $0x10, s8;
	[dreg:$0x9] =	wrdreg s0  }
0xe: {  	s10 =	sshll.u32 s7, $0xE;
	s23 =	sor.u32 $0x20, s8;
	[dreg:$0xc] =	wrdreg s22  }
0xf: {  	s9 =	sshrl.u32 s6, $0x1;
	s24 =	sor.u32 $0x30, s8;
	[dreg:$0xd] =	wrdreg s23  }
0x10: {  	s17 =	sor.u32 s11, s10;
	s13 =	sor.u32 $0x40, s8;
	[dreg:$0xe] =	wrdreg s24  }
0x11: {  	s25 =	sor.u32 s8, s18;
	s2 =	sadd.s32 s2, s17;
	[dreg:$0x8] =	wrdreg s19  }
0x12: {  	s14 =	sor.u32 $0x50, s8;
	s26 =	sadd.s32 s5, s17;
	[dreg:$0x7] =	wrdreg s2  }
0x13: {  	s0 =	sshrl.u32 s25, $0x3;
	s30 =	sadd.s32 $0x10, s19;
	[dreg:$0x10] =	wrdreg s26  }
0x14: {  	s9 =	ssub.s32 s6, s9;
	s0 =	sadd.s32 s4, s0;
	[dreg:$0x12] =	wrdreg s30  }
0x15: {  	s15 =	sor.u32 $0x60, s8;
	s28 =	smax.u32 s9, $0x1;
	[dreg:$0xf] =	wrdreg s0  }
0x16: {  	s16 =	sor.u32 $0x70, s8;
	s21 =	simm.s32 $0x1;
	[dreg:$0x11] =	wrdreg s28  }
.LBB2_1:
0x17: {  	s0 =	rddreg [dreg:$0x7];
	s1 =	simm.s32 $0x1480  }
0x18: {  	[tilespmem:s1], [sflag:$0x1] =	stream.linear.gather [hbm4b:s0+s3], $0x2000, $0x38;
	[tilespmem:$0x5580] =	vst v63  }
0x19: {  	_ =	swait.ge [sflag:s21], $0x2000  }
0x1a: {  	[sflag:s21] =	ssyncset.done $0x0  }
0x1b: {  	s5 =	rddreg [dreg:$0x8];
	[sflag:s21] =	ssyncadd.s32 $0xFFFFE000  }
0x1c: {  	[tilespmem:s3], [sflag:$0x1] =	stream.linear.gather [hbm4b:s5+s3], $0x80, $0x38;
	[tilespmem:$0x5580] =	vst v63  }
0x1d: {  	s7 =	simm.s32 $0x100;
	s6 =	rddreg [dreg:$0x12]  }
0x1e: {  	[tilespmem:s7], [sflag:$0x1] =	stream.linear.gather [hbm4b:s6+s3], $0x80, $0x38;
	[tilespmem:$0x5580] =	vst v63  }
0x1f: {  	_ =	swait.ge [sflag:s21], $0x100  }
0x20: {  	[sflag:s21] =	ssyncset.done $0x0  }
0x21: {  	s10 =	simm.s32 $0x80;
	s9 =	rddreg [dreg:$0x9];
	[sflag:s21] =	ssyncadd.s32 $0xFFFFFF00  }
0x22: {  	[tilespmem:s10], [sflag:$0x1] =	stream.linear.gather [hbm4b:s9+s3], $0x80, $0x38;
	[tilespmem:$0x5580] =	vst v63  }
0x23: {  	s11 =	simm.s32 $0x180;
	s0 =	sadd.s32 $0x10, s9  }
0x24: {  	[tilespmem:s11], [sflag:$0x1] =	stream.linear.gather [hbm4b:s0+s3], $0x80, $0x38;
	[tilespmem:$0x5580] =	vst v63  }
0x25: {  	_ =	swait.ge [sflag:s21], $0x100  }
0x26: {  	s12 =	simm.s32 $0x200;
	[sflag:s21] =	ssyncset.done $0x0  }
0x27: {  	s19 =	simm.s32 $0x0;
	s18 =	rddreg [dreg:$0xa];
	[sflag:s21] =	ssyncadd.s32 $0xFFFFFF00  }
0x28: {  	[tilespmem:s12], [sflag:$0x1] =	stream.linear.gather [hbm4b:s18+s3], $0x100, $0x38;
	[tilespmem:$0x5580] =	vst v63  }
0x29: {  	s5 =	sand.u32 $0x40, s19;
	_ =	swait.ge [sflag:s21], $0x100  }
0x2a: {  	s2 =	sand.u32 $0x80, s19;
	s7 =	sor.u32 $0x10, s5;
	[sflag:s21] =	ssyncset.done $0x0  }
0x2b: {  	s4 =	sor.u32 s2, s7;
	s9 =	sor.u32 $0x20, s5;
	[sflag:s21] =	ssyncadd.s32 $0xFFFFFF00  }
0x2c: {  	s17 =	sor.u32 $0x30, s5;
	s0 =	sor.u32 s2, s9;
	v0 =	vld [tilespmem:s4+$0x200]  }
0x2d: {  	s2 =	sor.u32 s2, s17;
	v1 =	vld [tilespmem:s0+$0x200]  }
0x2e: {  	s18 =	sand.u32 $0x100, s3;
	v2 =	vld [tilespmem:s2+$0x200]  }
0x2f: {  	s20 =	sor.u32 s5, s18;
	v3 =	vld [tilespmem:s12+$0x0]  }
0x30: {  	v4 =	vld [tilespmem:s20+$0x0]  }
0x31: {  	s22 =	sor.u32 s17, s18;
	v5 =	vld [tilespmem:s20+$0x80]  }
0x32: {  	s9 =	sor.u32 s9, s18;
	v6 =	vld [tilespmem:s22+$0x0];
	v0 =	vmul.f32 $1.442695020e+00, v0  }
0x33: {  	s25 =	simm.s32 $0x40;
	s24 =	sor.u32 s7, s18;
	v7 =	vld [tilespmem:s9+$0x80]  }
0x34: {  	s26 =	sand.u32 $0x40, s25;
	v8 =	vld [tilespmem:s24+$0x0];
	v1 =	vmul.f32 $1.442695020e+00, v1;
	(erf) = vpow2.f32 v0  }
0x35: {  	s6 =	sor.u32 $0x10, s26;
	s7 =	sand.u32 $0x80, s25;
	v9 =	vld [tilespmem:s9+$0x0];
	v2 =	vmul.f32 $1.442695020e+00, v2  }
0x36: {  	s1 =	sor.u32 s7, s6;
	v3 =	vmul.f32 $1.442695020e+00, v3;
	v0 =	vld [tilespmem:s24+$0x80];
	s24 =	sor.u32 $0x20, s26;
	(erf) = vpow2.f32 v1  }
0x37: {  	s10 =	sor.u32 $0x30, s26;
	v10 =	vld [tilespmem:s1+$0x200];
	s20 =	sor.u32 s7, s24;
	(erf) = vpow2.f32 v2  }
0x38: {  	s23 =	sor.u32 s7, s10;
	v11 =	vld [tilespmem:s20+$0x200];
	(erf) = vpow2.f32 v3  }
0x39: {  	s11 =	simm.s32 $0x240;
	s25 =	simm.s32 $0x80;
	v12 =	vld [tilespmem:s23+$0x200]  }
0x3a: {  	s25 =	sand.u32 $0x100, s25;
	v1 =	vld [tilespmem:s11+$0x0]  }
0x3b: {  	s12 =	sor.u32 s26, s25;
	v2 =	vld [tilespmem:s22+$0x80]  }
0x3c: {  	s17 =	sor.u32 s10, s25;
	v13 =	vld [tilespmem:s12+$0x80];
	v0 =	vadd.f32 v0, v8;
	v8 =	vmul.f32 $1.442695020e+00, v10  }
0x3d: {  	v4 =	vadd.f32 v5, v4;
	v5 =	vld [tilespmem:s17+$0x80];
	s26 =	sor.u32 s24, s25;
	v11 =	vmul.f32 $1.442695020e+00, v11;
	v10 =	vpop (erf)  }
0x3e: {  	s28 =	simm.s32 $0x80;
	s6 =	sor.u32 s6, s25;
	v60 =	vld [tilespmem:s26+$0x80];
	(erf) = vpow2.f32 v8;
	v10 =	vadd.f32 v10, v0  }
0x3f: {  	s10 =	sand.u32 $0x40, s28;
	v7 =	vadd.f32 v7, v9;
	v8 =	vmul.f32 $1.442695020e+00, v12;
	(erf) = vpow2.f32 v11;
	v11 =	vld [tilespmem:s6+$0x80];
	v9 =	vpop (erf)  }
0x40: {  	s30 =	sor.u32 $0x10, s10;
	s11 =	sand.u32 $0x80, s28;
	v1 =	vmul.f32 $1.442695020e+00, v1;
	v2 =	vadd.f32 v2, v6;
	v15 =	vpop (erf);
	(erf) = vrcp.f32 v10;
	v10 =	vld [tilespmem:s6+$0x0]  }
0x41: {  	s24 =	sor.u32 s11, s30;
	v7 =	vadd.f32 v9, v7;
	v9 =	vpop (erf);
	(erf) = vpow2.f32 v8;
	v8 =	vld [tilespmem:s26+$0x0]  }
0x42: {  	s19 =	sor.u32 $0x20, s10;
	v14 =	vld [tilespmem:s24+$0x200];
	v4 =	vadd.f32 v9, v4;
	v9 =	vadd.f32 v15, v2;
	(erf) = vpow2.f32 v1  }
0x43: {  	s22 =	sor.u32 $0x30, s10;
	s25 =	sor.u32 s11, s19;
	v3 =	vld [tilespmem:s12+$0x0];
	(erf) = vrcp.f32 v7  }
0x44: {  	v6 =	vld [tilespmem:s25+$0x200];
	s26 =	sor.u32 s11, s22;
	(erf) = vrcp.f32 v9  }
0x45: {  	s9 =	simm.s32 $0x280;
	s7 =	simm.s32 $0x100;
	v16 =	vld [tilespmem:s26+$0x200];
	(erf) = vrcp.f32 v4  }
0x46: {  	s12 =	sand.u32 $0x100, s7;
	v7 =	vadd.f32 v11, v10;
	v12 =	vadd.f32 v60, v8;
	v8 =	vld [tilespmem:s9+$0x0]  }
0x47: {  	v61 =	vmul.f32 $1.442695020e+00, v14;
	v0 =	vld [tilespmem:s17+$0x0];
	s17 =	sor.u32 s10, s12;
	v10 =	vpop (erf)  }
0x48: {  	v2 =	vld [tilespmem:s17+$0x0];
	v62 =	vpop (erf)  }
0x49: {  	s5 =	sor.u32 s30, s12;
	v1 =	vadd.f32 v13, v3;
	v3 =	vld [tilespmem:s17+$0x80];
	s17 =	sor.u32 s22, s12;
	v11 =	vmul.f32 $1.442695020e+00, v6;
	(erf) = vpow2.f32 v61;
	v63 =	vpop (erf)  }
0x4a: {  	s18 =	sor.u32 s19, s12;
	s30 =	simm.s32 $0x300;
	v4 =	vld [tilespmem:s17+$0x0];
	v9 =	vadd.f32 v10, v7;
	v10 =	vmul.f32 $1.442695020e+00, v16;
	v6 =	vadd.f32 v62, v12;
	v7 =	vpop (erf);
	[tilespmem:s4+$0x300] =	vst v63;
	s4 =	simm.s32 $0x300  }
.LBB2_2:
0x4b: {  	s28 =	sadd.s32 $0x40, s28;
	v8 =	vmul.f32 $1.442695020e+00, v8;
	v12 =	vld [tilespmem:s18+$0x80];
	(erf) = vpow2.f32 v11;
	v11 =	vpop (erf);
	s30 =	sadd.s32 $0x40, s30  }
0x4c: {  	s19 =	sand.u32 $0x40, s28;
	s22 =	sand.u32 $0x80, s28;
	p0 =	slt.u32 s28, $0xC0;
	v13 =	vld [tilespmem:s5+$0x80];
	v11 =	vadd.f32 v11, v1;
	v14 =	vadd.f32 v5, v0;
	(erf) = vrcp.f32 v9;
	v1 =	vpop (erf)  }
0x4d: {  	s6 =	sor.u32 $0x10, s19;
	s10 =	sor.u32 $0x20, s19;
	s11 =	sor.u32 $0x30, s19;
	v5 =	vld [tilespmem:s5+$0x0];
	(erf) = vpow2.f32 v10;
	[tilespmem:s0+$0x300] =	vst v1;
	v9 =	vpop (erf)  }
0x4e: {  	s0 =	smov.u32 s20;
	s20 =	smov.u32 s25;
	s12 =	sor.u32 s22, s6;
	v1 =	vadd.f32 v3, v2;
	v2 =	vld [tilespmem:s18+$0x0];
	(erf) = vpow2.f32 v8;
	v3 =	vadd.f32 v7, v14;
	[tilespmem:s2+$0x300] =	vst v9;
	v0 =	vpop (erf)  }
0x4f: {  	s25 =	sor.u32 s22, s10;
	s2 =	smov.u32 s23;
	v7 =	vld [tilespmem:s12+$0x200];
	(erf) = vrcp.f32 v6;
	[tilespmem:s4+$0x0] =	vst v0;
	v0 =	vmov v4;
	s4 =	smov.u32 s30  }
0x50: {  	s23 =	smov.u32 s26;
	s26 =	sor.u32 s22, s11;
	v4 =	vld [tilespmem:s25+$0x200];
	(erf) = vrcp.f32 v3  }
0x51: {  	s9 =	sadd.s32 $0x40, s9;
	s7 =	sadd.s32 $0x80, s7;
	v10 =	vld [tilespmem:s26+$0x200];
	(erf) = vrcp.f32 v11  }
.Ltmp0:
0x52: {  	s18 =	sand.u32 $0x100, s7;
	v8 =	vld [tilespmem:s9+$0x0];
	v3 =	vadd.f32 v13, v5;
	(pc) =	sbr.rel @p0 .LBB2_2-.Ltmp0, $4  }
0x53: {  	s19 =	sor.u32 s19, s18;
	s5 =	sor.u32 s6, s18;
	v6 =	vadd.f32 v12, v2;
	v5 =	vld [tilespmem:s17+$0x80];
	v9 =	vpop (erf)  }
0x54: {  	s17 =	sor.u32 s11, s18;
	v2 =	vld [tilespmem:s19+$0x0];
	v13 =	vmul.f32 $1.442695020e+00, v7;
	v9 =	vadd.f32 v9, v3;
	v12 =	vpop (erf)  }
0x55: {  	v3 =	vld [tilespmem:s19+$0x80];
	v11 =	vmul.f32 $1.442695020e+00, v4;
	v6 =	vadd.f32 v12, v6;
	v12 =	vpop (erf)  }
0x56: {  	s18 =	sor.u32 s10, s18;
	v4 =	vld [tilespmem:s17+$0x0];
	v10 =	vmul.f32 $1.442695020e+00, v10;
	(erf) = vpow2.f32 v13;
	v7 =	vpop (erf);
	[tilespmem:s1+$0x300] =	vst v12;
	s1 =	smov.u32 s24;
	s24 =	smov.u32 s12  }
0x57: {  	v56 =	vld [tilespmem:s5+$0x80]  }
0x58: {  	(erf) = vpow2.f32 v11;
	v57 =	vld [tilespmem:s5+$0x0]  }
0x59: {  	v8 =	vmul.f32 $1.442695020e+00, v8;
	(erf) = vrcp.f32 v9  }
0x5a: {  	(erf) = vpow2.f32 v10  }
0x5b: {  	v58 =	vld [tilespmem:s18+$0x80];
	v12 =	vpop (erf);
	v0 =	vadd.f32 v5, v0;
	(erf) = vpow2.f32 v8  }
0x5c: {  	v59 =	vld [tilespmem:s18+$0x0];
	v5 =	vpop (erf)  }
0x5d: {  	v13 =	vld [tilespmem:s17+$0x80];
	v14 =	vpop (erf);
	v0 =	vadd.f32 v7, v0;
	v7 =	vadd.f32 v56, v57  }
0x5e: {  	v1 =	vadd.f32 v12, v1;
	v60 =	vpop (erf)  }
0x5f: {  	(erf) = vrcp.f32 v6;
	v6 =	vpop (erf)  }
0x60: {  	v6 =	vadd.f32 v6, v7  }
0x61: {  	(erf) = vrcp.f32 v0;
	v0 =	vadd.f32 v58, v59;
	v7 =	vpop (erf)  }
0x62: {  	v4 =	vadd.f32 v13, v4;
	(erf) = vrcp.f32 v1;
	v1 =	vpop (erf)  }
0x63: {  	v2 =	vadd.f32 v3, v2;
	v0 =	vadd.f32 v7, v0;
	v3 =	vpop (erf)  }
0x64: {  	(erf) = vrcp.f32 v6;
	v3 =	vadd.f32 v3, v4;
	v6 =	vpop (erf)  }
0x65: {  	(erf) = vrcp.f32 v0;
	v2 =	vadd.f32 v6, v2  }
0x66: {  	(erf) = vrcp.f32 v3  }
0x67: {  	[tilespmem:s0+$0x300] =	vst v5;
	(erf) = vrcp.f32 v2  }
0x68: {  	[tilespmem:s2+$0x300] =	vst v14  }
0x69: {  	[tilespmem:s4+$0x0] =	vst v60  }
0x6a: {  	[tilespmem:s1+$0x300] =	vst v1;
	v0 =	vpop (erf)  }
0x6b: {  	v1 =	vpop (erf);
	[tilespmem:s20+$0x300] =	vst v0  }
0x6c: {  	s19 =	sadd.s32 $0x40, s30;
	v0 =	vpop (erf);
	[tilespmem:s23+$0x300] =	vst v1  }
0x6d: {  	[tilespmem:s19+$0x0] =	vst v0;
	v1 =	vpop (erf)  }
0x6e: {  	[tilespmem:s24+$0x300] =	vst v1;
	v0 =	vpop (erf)  }
0x6f: {  	[tilespmem:s25+$0x300] =	vst v0;
	v0 =	vpop (erf)  }
0x70: {  	s0 =	sadd.s32 $0x40, s19;
	[tilespmem:s26+$0x300] =	vst v0;
	v0 =	vpop (erf)  }
0x71: {  	[tilespmem:s0+$0x0] =	vst v0  }
0x72: {  	s20 =	simm.s32 $0x300;
	s0 =	rddreg [dreg:$0xb]  }
0x73: {  	[spmem:s0] =	stream.linear.scatter [tilespmem:s20], [sflag:$0x1], $0x100, $0x38;
	[tilespmem:$0x5580] =	vst v63  }
0x74: {  	_ =	swait.ge [sflag:s21], $0x100  }
0x75: {  	[sflag:s21] =	ssyncset.done $0x0  }
0x76: {  	[sflag:s21] =	ssyncadd.s32 $0xFFFFFF00  }
0x77: {  	v0 =	vld [tilespmem:s8+$0x200];
	_ =	sdelay $0x4  }
0x78: {  	v0 =	vmul.f32 $1.442695020e+00, v0;
	_ =	sdelay $0x1  }
0x79: {  	(erf) = vpow2.f32 v0;
	_ =	sdelay $0x4  }
0x7a: {  	v0 =	vld [tilespmem:s8+$0x300];
	_ =	sdelay $0x3  }
0x7b: {  	v1 =	vpop (erf)  }
0x7c: {  	v0 =	vmul.f32 v1, v0;
	_ =	sdelay $0x1  }
0x7d: {  	s22 =	rddreg [dreg:$0xc];
	[tilespmem:$0x1400] =	vst v0  }
0x7e: {  	v0 =	vld [tilespmem:s22+$0x200];
	_ =	sdelay $0x4  }
0x7f: {  	v0 =	vmul.f32 $1.442695020e+00, v0;
	_ =	sdelay $0x1  }
0x80: {  	(erf) = vpow2.f32 v0;
	_ =	sdelay $0x4  }
0x81: {  	v0 =	vld [tilespmem:s22+$0x300];
	_ =	sdelay $0x3  }
0x82: {  	v1 =	vpop (erf)  }
0x83: {  	v0 =	vmul.f32 v1, v0;
	_ =	sdelay $0x1  }
0x84: {  	s23 =	rddreg [dreg:$0xd];
	[tilespmem:$0x1410] =	vst v0  }
0x85: {  	v0 =	vld [tilespmem:s23+$0x200];
	_ =	sdelay $0x4  }
0x86: {  	v0 =	vmul.f32 $1.442695020e+00, v0;
	_ =	sdelay $0x1  }
0x87: {  	(erf) = vpow2.f32 v0;
	_ =	sdelay $0x4  }
0x88: {  	v0 =	vld [tilespmem:s23+$0x300];
	_ =	sdelay $0x3  }
0x89: {  	v1 =	vpop (erf)  }
0x8a: {  	v0 =	vmul.f32 v1, v0;
	_ =	sdelay $0x1  }
0x8b: {  	s24 =	rddreg [dreg:$0xe];
	[tilespmem:$0x1420] =	vst v0  }
0x8c: {  	v0 =	vld [tilespmem:s24+$0x200];
	_ =	sdelay $0x4  }
0x8d: {  	v0 =	vmul.f32 $1.442695020e+00, v0;
	_ =	sdelay $0x1  }
0x8e: {  	(erf) = vpow2.f32 v0;
	_ =	sdelay $0x4  }
0x8f: {  	v0 =	vld [tilespmem:s24+$0x300];
	_ =	sdelay $0x3  }
0x90: {  	v1 =	vpop (erf)  }
0x91: {  	v0 =	vmul.f32 v1, v0;
	_ =	sdelay $0x1  }
0x92: {  	[tilespmem:$0x1430] =	vst v0  }
0x93: {  	v0 =	vld [tilespmem:s13+$0x200];
	_ =	sdelay $0x4  }
0x94: {  	v0 =	vmul.f32 $1.442695020e+00, v0;
	_ =	sdelay $0x1  }
0x95: {  	(erf) = vpow2.f32 v0;
	_ =	sdelay $0x4  }
0x96: {  	v0 =	vld [tilespmem:s13+$0x300];
	_ =	sdelay $0x3  }
0x97: {  	v1 =	vpop (erf)  }
0x98: {  	v0 =	vmul.f32 v1, v0;
	_ =	sdelay $0x1  }
0x99: {  	[tilespmem:$0x1440] =	vst v0  }
0x9a: {  	v0 =	vld [tilespmem:s14+$0x200];
	_ =	sdelay $0x4  }
0x9b: {  	v0 =	vmul.f32 $1.442695020e+00, v0;
	_ =	sdelay $0x1  }
0x9c: {  	(erf) = vpow2.f32 v0;
	_ =	sdelay $0x4  }
0x9d: {  	v0 =	vld [tilespmem:s14+$0x300];
	_ =	sdelay $0x3  }
0x9e: {  	v1 =	vpop (erf)  }
0x9f: {  	v0 =	vmul.f32 v1, v0;
	_ =	sdelay $0x1  }
0xa0: {  	[tilespmem:$0x1450] =	vst v0  }
0xa1: {  	v0 =	vld [tilespmem:s15+$0x200];
	_ =	sdelay $0x4  }
0xa2: {  	v0 =	vmul.f32 $1.442695020e+00, v0;
	_ =	sdelay $0x1  }
0xa3: {  	(erf) = vpow2.f32 v0;
	_ =	sdelay $0x4  }
0xa4: {  	v0 =	vld [tilespmem:s15+$0x300];
	_ =	sdelay $0x3  }
0xa5: {  	v1 =	vpop (erf)  }
0xa6: {  	v0 =	vmul.f32 v1, v0;
	_ =	sdelay $0x1  }
0xa7: {  	[tilespmem:$0x1460] =	vst v0  }
0xa8: {  	v0 =	vld [tilespmem:s16+$0x200];
	_ =	sdelay $0x4  }
0xa9: {  	v0 =	vmul.f32 $1.442695020e+00, v0;
	_ =	sdelay $0x1  }
0xaa: {  	(erf) = vpow2.f32 v0;
	_ =	sdelay $0x4  }
0xab: {  	v0 =	vld [tilespmem:s16+$0x300];
	_ =	sdelay $0x3  }
0xac: {  	v1 =	vpop (erf)  }
0xad: {  	v0 =	vmul.f32 v1, v0;
	_ =	sdelay $0x1  }
0xae: {  	s26 =	simm.s32 $0x1400;
	s25 =	rddreg [dreg:$0xf];
	[tilespmem:$0x1470] =	vst v0  }
0xaf: {  	[hbm4b:s25+s3] =	stream.linear.scatter [tilespmem:s26], [sflag:$0x1], $0x80, $0x38;
	[tilespmem:$0x5580] =	vst v63  }
0xb0: {  	_ =	swait.ge [sflag:s21], $0x80  }
0xb1: {  	[sflag:s21] =	ssyncset.done $0x0  }
0xb2: {  	[sflag:s21] =	ssyncadd.s32 $0xFFFFFF80  }
0xb3: {  	[bflag:$0x0] =	sbarrier.arrive $0xFFFF  }
0xb4: {  	s28 =	rddreg [dreg:$0x5]  }
0xb5: {  	[tilespmem:s29], [sflag:$0x1] =	stream.linear.gather [spmem:s28], $0x1000, $0x38;
	[tilespmem:$0x5580] =	vst v63  }
0xb6: {  	_ =	swait.ge [sflag:s21], $0x1000  }
0xb7: {  	[sflag:s21] =	ssyncset.done $0x0  }
0xb8: {  	s30 =	simm.s32 $0x14C0;
	[sflag:s21] =	ssyncadd.s32 $0xFFFFF000  }
0xb9: {  	v0 =	vld [tilespmem:s30+$0x30]  }
0xba: {  	v1 =	vld [tilespmem:s30+$0xFFFFFFD0]  }
0xbb: {  	v2 =	vld [tilespmem:s30+$0xFFFFFFE0]  }
0xbc: {  	v3 =	vld [tilespmem:s30+$0xFFFFFFF0]  }
0xbd: {  	v4 =	vld [tilespmem:s30+$0x0]  }
0xbe: {  	v6 =	vld [tilespmem:s30+$0x10]  }
0xbf: {  	v7 =	vld [tilespmem:s30+$0x20]  }
0xc0: {  	v61 =	vld [tilespmem:s30+$0xFFFFFFC0]  }
0xc1: {  	v62 =	vld.idx.msk [tilespmem:v0+s29+$0x0], $0xffff  }
0xc2: {  	v63 =	vld.idx.msk [tilespmem:v1+s29+$0x0], $0xffff  }
0xc3: {  	v5 =	vld.idx.msk [tilespmem:v2+s29+$0x0], $0xffff  }
0xc4: {  	v3 =	vld.idx.msk [tilespmem:v3+s29+$0x0], $0xffff  }
0xc5: {  	v0 =	vld.idx.msk [tilespmem:v4+s29+$0x0], $0xffff  }
0xc6: {  	s0 =	simm.s32 $0x34C0;
	v1 =	vld.idx.msk [tilespmem:v6+s29+$0x0], $0xffff  }
0xc7: {  	v2 =	vld.idx.msk [tilespmem:v7+s29+$0x0], $0xffff;
	[tilespmem:s0+$0x30] =	vst v62  }
0xc8: {  	s2 =	simm.s32 $0x1540;
	s1 =	simm.s32 $0x0;
	v4 =	vld.idx.msk [tilespmem:v61+s29+$0x0], $0xffff;
	[tilespmem:s0+$0xFFFFFFD0] =	vst v63  }
.LBB2_4:
0xc9: {  	v6 =	vld [tilespmem:s2+$0x30];
	s1 =	sadd.s32 $0x80, s1;
	[tilespmem:s0+$0xFFFFFFE0] =	vst v5  }
0xca: {  	v5 =	vld [tilespmem:s2+$0xFFFFFFD0];
	p0 =	slt.u32 s1, $0x1F80;
	[tilespmem:s0+$0xFFFFFFF0] =	vst v3  }
0xcb: {  	v3 =	vld [tilespmem:s2+$0xFFFFFFE0];
	[tilespmem:s0+$0x0] =	vst v0  }
0xcc: {  	v0 =	vld [tilespmem:s2+$0xFFFFFFF0];
	[tilespmem:s0+$0x10] =	vst v1  }
0xcd: {  	v1 =	vld [tilespmem:s2+$0x0];
	[tilespmem:s0+$0x20] =	vst v2  }
0xce: {  	v2 =	vld [tilespmem:s2+$0x10];
	[tilespmem:s0+$0xFFFFFFC0] =	vst v4  }
0xcf: {  	v4 =	vld [tilespmem:s2+$0x20]  }
0xd0: {  	v7 =	vld [tilespmem:s2+$0xFFFFFFC0]  }
0xd1: {  	v6 =	vld.idx.msk [tilespmem:v6+s29+$0x0], $0xffff  }
0xd2: {  	v8 =	vld.idx.msk [tilespmem:v5+s29+$0x0], $0xffff  }
0xd3: {  	v5 =	vld.idx.msk [tilespmem:v3+s29+$0x0], $0xffff  }
.Ltmp1:
0xd4: {  	v3 =	vld.idx.msk [tilespmem:v0+s29+$0x0], $0xffff;
	(pc) =	sbr.rel @p0 .LBB2_4-.Ltmp1, $4  }
0xd5: {  	v0 =	vld.idx.msk [tilespmem:v1+s29+$0x0], $0xffff  }
0xd6: {  	s0 =	sadd.s32 $0x80, s0;
	v1 =	vld.idx.msk [tilespmem:v2+s29+$0x0], $0xffff  }
0xd7: {  	v2 =	vld.idx.msk [tilespmem:v4+s29+$0x0], $0xffff;
	[tilespmem:s0+$0x30] =	vst v6  }
0xd8: {  	s2 =	sadd.s32 $0x80, s2;
	v4 =	vld.idx.msk [tilespmem:v7+s29+$0x0], $0xffff;
	[tilespmem:s0+$0xFFFFFFD0] =	vst v8  }
0xd9: {  	[tilespmem:s0+$0xFFFFFFE0] =	vst v5  }
0xda: {  	[tilespmem:s0+$0xFFFFFFF0] =	vst v3  }
0xdb: {  	[tilespmem:s0+$0x0] =	vst v0  }
0xdc: {  	[tilespmem:s0+$0x10] =	vst v1  }
0xdd: {  	[tilespmem:s0+$0x20] =	vst v2  }
0xde: {  	[tilespmem:s0+$0xFFFFFFC0] =	vst v4  }
0xdf: {  	s1 =	simm.s32 $0x3480;
	s0 =	rddreg [dreg:$0x10]  }
0xe0: {  	[hbm4b:s0+s3] =	stream.linear.scatter [tilespmem:s1], [sflag:$0x1], $0x2000, $0x38;
	[tilespmem:$0x5580] =	vst v63  }
0xe1: {  	_ =	swait.ge [sflag:s21], $0x2000  }
0xe2: {  	s31 =	sadd.s32 $0x1, s31;
	s30 =	rddreg [dreg:$0x11]  }
0xe3: {  	p0 =	sne.s32 s31, s30  }
.Ltmp2:
0xe4: {  	_ = 	snop;
	(pc) =	sbr.rel @p0 .LBB2_1-.Ltmp2, $3  }
0xe5: {  	_ =	sdelay $0x1  }
0xe6: {  	[sflag:s21] =	ssyncset.done $0x0  }
0xe7: {  	[sflag:s21] =	ssyncadd.s32 $0xFFFFE000  }
0xe8: {  	_ =	sfence.sel $0x180000  }
0xe9: {  	[bflag:$0x0] =	sbarrier.arrive $0xFFFF  }
0xea: {  	_ =	strace $0x9000004A  }
0xeb: {  	s0 =	stileid.u32;
	[bflag:$0x2] =	sbarrier.arrive $0xFFFF  }
0xec: {  	p0 =	sne.s32 s0, $0x0;
	s0 =	rddreg [dreg:$0x6]  }
0xed: {  	s0 =	sadd.s32 @!p0 $0x100000, s0  }
0xee: {  	[sflag:s0] =	ssyncadd.tile.s32 @!p0 $0x1;
	_ =	shalt  }
.Lfunc_end2:
_tile_overlayer_lowered:
.L_overlay_start_2:
0xef: {  	(tag) =	ssettag $0x2  }
0xf0: {  	s0 =	rddreg [dreg:$0x0];
	s2 =	stileid.u32  }
0xf1: {  	s1 =	rddreg [dreg:$0x1];
	p0 =	sne.s32 s2, $0x0  }
0xf2: {  	s3 =	rddreg [dreg:$0x2];
	[bflag:$0x3] =	sbarrier.arrive $0xFFFF;
	s2 =	simm.s32 @!p0 $0x1C01  }
0xf3: {  	[timem:s3], [sflag:s2] =	dma.local @!p0 [hbm:s0], s1  }
0xf4: {  	s0 =	simm.s32 @!p0 $0x1  }
0xf5: {  	_ =	swait.ge @!p0 [sflag:s0], s1  }
0xf6: {  	s1 =	ssub.s32 @!p0 $0x0, s1;
	[sflag:s0] =	ssyncset.done @!p0 $0x0  }
0xf7: {  	[sflag:s0] =	ssyncadd.s32 @!p0 s1  }
0xf8: {  	[bflag:$0x3] =	sbarrier.arrive $0xFFFF  }
0xf9: {  	_ =	shalt  }

</sc_bundles>
